<compile_context>
chip_gen: v7x
topology: tpu7x:2x2x1
jax: 0.10.2.dev20260603
libtpu: 0.0.44.dev20260713+nightly
codegen_flags: <defaults>
</compile_context>

<pallas_src>
import jax
import jax.numpy as jnp
from jax import lax
from jax.experimental import pallas as pl
from jax.experimental.pallas import tpu as pltpu
from jax.experimental.pallas import tpu_sc as plsc

_EMB_DIM = 128
_BATCH = 4096
_PAD = 100352
_TILES = 32
_EPT = _BATCH // _TILES
_NBLK = _EPT // 16
_SLICE = _PAD // 16
_GROUPS = _EMB_DIM // 16


def _sc_body(posI, negI, ent, rel,
             main_o, esum_o, ecnt_o, rsum_o, rcnt_o,
             idx_p, idx_n,
             hp, rp, tp, hn, rn, tn,
             vh_p, vt_p, vr_p, vh_n, vt_n, v_dp,
             p0, p1, p2, p3,
             ones_v, mbuf, zbuf,
             esum_s, ecnt_s, rsum_s, rcnt_s,
             sem_g, sem_i, sem_s, sem_pa, sem_pb):
    c = lax.axis_index("c")
    s = lax.axis_index("s")
    wid = c * 16 + s

    zero16 = jnp.zeros((16,), jnp.float32)
    one16 = jnp.ones((16,), jnp.float32)
    lane = lax.iota(jnp.int32, 16)
    lane17 = lane * 17

    e0 = pltpu.async_copy(posI.at[wid], idx_p, sem_i)
    e1 = pltpu.async_copy(negI.at[wid], idx_n, sem_i)

    def zfill(i, carry):
        zbuf[pl.ds(i * 16, 16)] = zero16
        return carry

    lax.fori_loop(0, _SLICE // 64, zfill, None)
    off = s * _SLICE

    e0.wait()
    e1.wait()
    half = _EPT // 2
    ga = [
        pltpu.async_copy(ent.at[idx_p.at[0, pl.ds(0, half)]],
                         hp.at[pl.ds(0, half)], sem_pa),
        pltpu.async_copy(rel.at[idx_p.at[1, pl.ds(0, half)]],
                         rp.at[pl.ds(0, half)], sem_pa),
        pltpu.async_copy(ent.at[idx_p.at[2, pl.ds(0, half)]],
                         tp.at[pl.ds(0, half)], sem_pa),
    ]
    gb = [
        pltpu.async_copy(ent.at[idx_p.at[0, pl.ds(half, half)]],
                         hp.at[pl.ds(half, half)], sem_pb),
        pltpu.async_copy(rel.at[idx_p.at[1, pl.ds(half, half)]],
                         rp.at[pl.ds(half, half)], sem_pb),
        pltpu.async_copy(ent.at[idx_p.at[2, pl.ds(half, half)]],
                         tp.at[pl.ds(half, half)], sem_pb),
    ]
    g3 = pltpu.async_copy(ent.at[idx_n.at[0]], hn, sem_g)
    g4 = pltpu.async_copy(rel.at[idx_n.at[1]], rn, sem_g)
    g5 = pltpu.async_copy(ent.at[idx_n.at[2]], tn, sem_g)
    inits = []
    for arr in (esum_s, ecnt_s, rsum_s, rcnt_s):
        for q in range(4):
            inits.append(pltpu.async_copy(
                zbuf, arr.at[pl.ds(off + q * (_SLICE // 4), _SLICE // 4)],
                sem_i))
    for i in range(_EPT // 16):
        ones_v[pl.ds(i * 16, 16)] = one16

    def tsum(pbuf):
        acc = plsc.load_gather(pbuf, [lane17])
        for cc in range(1, 16):
            acc = acc + plsc.load_gather(pbuf, [lane17 + cc])
        return acc

    def vsqrt(x):
        i = plsc.bitcast(x, jnp.int32)
        y = plsc.bitcast(jnp.int32(0x1FBD1DF5) + (i >> 1), jnp.float32)
        for _ in range(3):
            y = 0.5 * (y + x / y)
        return y

    for g in ga:
        g.wait()

    def pos_block(blk, carry):
        def pos_edge(el, carry2):
            e = blk * 16 + el
            dacc = hacc = tacc = racc = zero16
            for j in range(_GROUPS):
                col = pl.ds(j * 16, 16)
                hv = hp[e, col]
                rv = rp[e, col]
                tv = tp[e, col]
                d = hv + rv - tv
                dacc = dacc + d * d
                hacc = hacc + hv * hv
                tacc = tacc + tv * tv
                racc = racc + rv * rv
            base = el * 17
            p0[pl.ds(base, 16)] = dacc
            p1[pl.ds(base, 16)] = hacc
            p2[pl.ds(base, 16)] = tacc
            p3[pl.ds(base, 16)] = racc
            return carry2

        lax.fori_loop(0, 16, pos_edge, None)
        row = pl.ds(blk * 16, 16)
        v_dp[row] = vsqrt(tsum(p0))
        vh_p[row] = tsum(p1)
        vt_p[row] = tsum(p2)
        vr_p[row] = tsum(p3)
        return carry

    lax.fori_loop(0, _NBLK // 2, pos_block, None)
    for g in gb:
        g.wait()
    lax.fori_loop(_NBLK // 2, _NBLK, pos_block, None)

    for i in inits:
        i.wait()
    plsc.subcore_barrier()

    pos_scatters = [
        pltpu.async_copy(vh_p, esum_s.at[idx_p.at[0]], sem_s, add=True),
        pltpu.async_copy(ones_v, ecnt_s.at[idx_p.at[0]], sem_s, add=True),
        pltpu.async_copy(vt_p, esum_s.at[idx_p.at[2]], sem_s, add=True),
        pltpu.async_copy(ones_v, ecnt_s.at[idx_p.at[2]], sem_s, add=True),
        pltpu.async_copy(vr_p, rsum_s.at[idx_p.at[1]], sem_s, add=True),
        pltpu.async_copy(ones_v, rcnt_s.at[idx_p.at[1]], sem_s, add=True),
    ]

    for g in (g3, g4, g5):
        g.wait()

    def neg_block(blk, macc):
        def neg_edge(el, carry2):
            e = blk * 16 + el
            dacc = hacc = tacc = zero16
            for j in range(_GROUPS):
                col = pl.ds(j * 16, 16)
                hv = hn[e, col]
                rv = rn[e, col]
                tv = tn[e, col]
                d = hv + rv - tv
                dacc = dacc + d * d
                hacc = hacc + hv * hv
                tacc = tacc + tv * tv
            base = el * 17
            p0[pl.ds(base, 16)] = dacc
            p1[pl.ds(base, 16)] = hacc
            p2[pl.ds(base, 16)] = tacc
            return carry2

        lax.fori_loop(0, 16, neg_edge, None)
        row = pl.ds(blk * 16, 16)
        sn = vsqrt(tsum(p0))
        vh_n[row] = tsum(p1)
        vt_n[row] = tsum(p2)
        contrib = jnp.maximum(1.0 + v_dp[row] - sn, 0.0)
        return macc + contrib

    macc = lax.fori_loop(0, _NBLK, neg_block, zero16)
    mbuf[pl.ds(0, 16)] = macc
    m0 = pltpu.async_copy(mbuf, main_o.at[wid], sem_i)

    neg_scatters = [
        pltpu.async_copy(vh_n, esum_s.at[idx_n.at[0]], sem_s, add=True),
        pltpu.async_copy(ones_v, ecnt_s.at[idx_n.at[0]], sem_s, add=True),
        pltpu.async_copy(vt_n, esum_s.at[idx_n.at[2]], sem_s, add=True),
        pltpu.async_copy(ones_v, ecnt_s.at[idx_n.at[2]], sem_s, add=True),
    ]
    for sd in pos_scatters + neg_scatters:
        sd.wait()
    m0.wait()

    plsc.subcore_barrier()

    outs = [
        pltpu.async_copy(esum_s.at[pl.ds(off, _SLICE)],
                         esum_o.at[c, pl.ds(off, _SLICE)], sem_g),
        pltpu.async_copy(ecnt_s.at[pl.ds(off, _SLICE)],
                         ecnt_o.at[c, pl.ds(off, _SLICE)], sem_g),
        pltpu.async_copy(rsum_s.at[pl.ds(off, _SLICE)],
                         rsum_o.at[c, pl.ds(off, _SLICE)], sem_g),
        pltpu.async_copy(rcnt_s.at[pl.ds(off, _SLICE)],
                         rcnt_o.at[c, pl.ds(off, _SLICE)], sem_g),
    ]
    for o in outs:
        o.wait()


def _tc_reduce(mo, es, ec, rs, rc, out):
    main = jnp.sum(mo[...])

    def scale_loss(sum_ref, cnt_ref):
        tot = sum_ref[0] + sum_ref[1]
        cnt = cnt_ref[0] + cnt_ref[1]
        pres = cnt > 0.5
        val = jnp.sqrt(tot / jnp.maximum(cnt, 1.0)) - 1.0
        num = jnp.sum(jnp.where(pres, jnp.maximum(val, 0.0), 0.0))
        den = jnp.sum(jnp.where(pres, 1.0, 0.0))
        return num / den

    total = main + scale_loss(es, ec) + scale_loss(rs, rc)
    out[...] = jnp.reshape(total, (1, 1))


@jax.jit
def _impl(pos_edge, neg_edge, entity_emb, relation_emb):
    posI = jnp.asarray(pos_edge, jnp.int32).T.reshape(3, _TILES, _EPT)
    posI = posI.transpose(1, 0, 2)
    negI = jnp.asarray(neg_edge, jnp.int32).T.reshape(3, _TILES, _EPT)
    negI = negI.transpose(1, 0, 2)

    mesh = plsc.VectorSubcoreMesh(core_axis_name="c", subcore_axis_name="s")
    f32 = jnp.float32
    sc = pl.kernel(
        _sc_body,
        out_type=[
            jax.ShapeDtypeStruct((_TILES, 16), f32),
            jax.ShapeDtypeStruct((2, _PAD), f32),
            jax.ShapeDtypeStruct((2, _PAD), f32),
            jax.ShapeDtypeStruct((2, _PAD), f32),
            jax.ShapeDtypeStruct((2, _PAD), f32),
        ],
        mesh=mesh,
        compiler_params=pltpu.CompilerParams(needs_layout_passes=False),
        scratch_types=[
            pltpu.VMEM((3, _EPT), jnp.int32),
            pltpu.VMEM((3, _EPT), jnp.int32),
            pltpu.VMEM((_EPT, _EMB_DIM), f32),
            pltpu.VMEM((_EPT, _EMB_DIM), f32),
            pltpu.VMEM((_EPT, _EMB_DIM), f32),
            pltpu.VMEM((_EPT, _EMB_DIM), f32),
            pltpu.VMEM((_EPT, _EMB_DIM), f32),
            pltpu.VMEM((_EPT, _EMB_DIM), f32),
            pltpu.VMEM((_EPT,), f32),
            pltpu.VMEM((_EPT,), f32),
            pltpu.VMEM((_EPT,), f32),
            pltpu.VMEM((_EPT,), f32),
            pltpu.VMEM((_EPT,), f32),
            pltpu.VMEM((_EPT,), f32),
            pltpu.VMEM((17 * 16,), f32),
            pltpu.VMEM((17 * 16,), f32),
            pltpu.VMEM((17 * 16,), f32),
            pltpu.VMEM((17 * 16,), f32),
            pltpu.VMEM((_EPT,), f32),
            pltpu.VMEM((16,), f32),
            pltpu.VMEM((_SLICE // 4,), f32),
            pltpu.VMEM_SHARED((_PAD,), f32),
            pltpu.VMEM_SHARED((_PAD,), f32),
            pltpu.VMEM_SHARED((_PAD,), f32),
            pltpu.VMEM_SHARED((_PAD,), f32),
            pltpu.SemaphoreType.DMA,
            pltpu.SemaphoreType.DMA,
            pltpu.SemaphoreType.DMA,
            pltpu.SemaphoreType.DMA,
            pltpu.SemaphoreType.DMA,
        ],
    )
    mo, es, ec, rs, rc = sc(posI, negI, entity_emb, relation_emb)

    red = pl.pallas_call(
        _tc_reduce,
        out_shape=jax.ShapeDtypeStruct((1, 1), f32),
    )
    loss = red(
        mo,
        es.reshape(2, _PAD // 128, 128), ec.reshape(2, _PAD // 128, 128),
        rs.reshape(2, _PAD // 128, 128), rc.reshape(2, _PAD // 128, 128),
    )
    return jnp.reshape(loss, ())


def kernel(pos_edge, neg_edge, entity_emb, relation_emb):
    return _impl(pos_edge, neg_edge, entity_emb, relation_emb)

# --- scband reference (transcript-rebuilt; emitter-appended) ---
"""Pipeline reference for scband-trans-e-41747082117162 (READ-ONLY COPY).

The authoritative reference and input builder live on the scoring server;
editing this copy changes nothing except your own understanding.
"""

import jax, jax.numpy as jnp
import numpy as np

NUM_ENTITY = 100000
NUM_RELATION = 100000
EMB_DIM = 128
BATCH = 4096
MARGIN = 1.0
C_E = 1.0
C_R = 1.0


def setup_inputs(seed: int = 0) -> dict:
    key = jax.random.key(seed)
    k1, k2, k3, k4 = jax.random.split(key, 4)
    pos_edge = jax.random.randint(k1, (BATCH, 3), 0, NUM_ENTITY)
    neg_edge = jax.random.randint(k2, (BATCH, 3), 0, NUM_ENTITY)
    entity_emb = jax.random.normal(k3, (NUM_ENTITY, EMB_DIM), dtype=jnp.float32)
    relation_emb = jax.random.normal(k4, (NUM_RELATION, EMB_DIM), dtype=jnp.float32)
    return {
        "pos_edge": pos_edge,
        "neg_edge": neg_edge,
        "entity_emb": entity_emb,
        "relation_emb": relation_emb,
    }


def _dist(edge, entity_emb, relation_emb):
    # TransE base score: || e[h] + r[rel] - e[t] ||_p  with p_norm = 2
    h = jnp.take(entity_emb, edge[:, 0], axis=0)
    r = jnp.take(relation_emb, edge[:, 1], axis=0)
    t = jnp.take(entity_emb, edge[:, 2], axis=0)
    d = h + r - t
    return jnp.sqrt(jnp.sum(d * d, axis=-1))


def _scale_loss(embed):
    norms = jnp.sqrt(jnp.sum(embed * embed, axis=-1))
    return jnp.sum(jax.nn.relu(norms - 1.0)) / embed.shape[0]


def _scale_loss_from_ids(ids, emb_table):
    s = jnp.sort(ids)
    first = jnp.concatenate([jnp.ones((1,), dtype=bool), s[1:] != s[:-1]])
    embed = jnp.take(emb_table, s, axis=0)
    norms = jnp.sqrt(jnp.sum(embed * embed, axis=-1))
    count = jnp.sum(first)
    return jnp.sum(jnp.where(first, jax.nn.relu(norms - 1.0), 0.0)) / count


def reference(pos_edge, neg_edge, entity_emb, relation_emb):
    pos_dis = _dist(pos_edge, entity_emb, relation_emb)
    nag_dis = _dist(neg_edge, entity_emb, relation_emb)
    loss = jnp.sum(jax.nn.relu(MARGIN + pos_dis - nag_dis))
    rela_scale_loss = _scale_loss_from_ids(pos_edge[:, 1], relation_emb)
    entity_ids = jnp.concatenate(
        [pos_edge[:, 0], pos_edge[:, 2], neg_edge[:, 0], neg_edge[:, 2]]
    )
    entity_scale_loss = _scale_loss_from_ids(entity_ids, entity_emb)
    loss = loss + C_E * entity_scale_loss + C_R * rela_scale_loss
    return loss

if __name__ == "__main__":
    import jax
    _d = setup_inputs()
    print(jax.jit(kernel)(*tuple(_d.values())))

</pallas_src>

<mosaic_0001>
#map = affine_map<(d0, d1) -> (0, 0, 0)>
#map1 = affine_map<(d0, d1) -> (0, 0)>
module attributes {stable_mosaic.version = 14 : i64} {
  func.func @_sc_body(%arg0: i32, %arg1: i32, %arg2: memref<32x3x128xi32, #tpu.memory_space<hbm>>, %arg3: memref<32x3x128xi32, #tpu.memory_space<hbm>>, %arg4: memref<100000x128xf32, #tpu.memory_space<hbm>>, %arg5: memref<100000x128xf32, #tpu.memory_space<hbm>>, %arg6: memref<32x16xf32, #tpu.memory_space<hbm>>, %arg7: memref<2x100352xf32, #tpu.memory_space<hbm>>, %arg8: memref<2x100352xf32, #tpu.memory_space<hbm>>, %arg9: memref<2x100352xf32, #tpu.memory_space<hbm>>, %arg10: memref<2x100352xf32, #tpu.memory_space<hbm>>, %arg11: memref<3x128xi32, #tpu.memory_space<vmem>>, %arg12: memref<3x128xi32, #tpu.memory_space<vmem>>, %arg13: memref<128x128xf32, #tpu.memory_space<vmem>>, %arg14: memref<128x128xf32, #tpu.memory_space<vmem>>, %arg15: memref<128x128xf32, #tpu.memory_space<vmem>>, %arg16: memref<128x128xf32, #tpu.memory_space<vmem>>, %arg17: memref<128x128xf32, #tpu.memory_space<vmem>>, %arg18: memref<128x128xf32, #tpu.memory_space<vmem>>, %arg19: memref<128xf32, #tpu.memory_space<vmem>>, %arg20: memref<128xf32, #tpu.memory_space<vmem>>, %arg21: memref<128xf32, #tpu.memory_space<vmem>>, %arg22: memref<128xf32, #tpu.memory_space<vmem>>, %arg23: memref<128xf32, #tpu.memory_space<vmem>>, %arg24: memref<128xf32, #tpu.memory_space<vmem>>, %arg25: memref<272xf32, #tpu.memory_space<vmem>>, %arg26: memref<272xf32, #tpu.memory_space<vmem>>, %arg27: memref<272xf32, #tpu.memory_space<vmem>>, %arg28: memref<272xf32, #tpu.memory_space<vmem>>, %arg29: memref<128xf32, #tpu.memory_space<vmem>>, %arg30: memref<16xf32, #tpu.memory_space<vmem>>, %arg31: memref<1568xf32, #tpu.memory_space<vmem>>, %arg32: memref<100352xf32, #tpu.memory_space<vmem_shared>>, %arg33: memref<100352xf32, #tpu.memory_space<vmem_shared>>, %arg34: memref<100352xf32, #tpu.memory_space<vmem_shared>>, %arg35: memref<100352xf32, #tpu.memory_space<vmem_shared>>, %arg36: memref<!tpu.dma_semaphore, #tpu.memory_space<semaphore_mem>>, %arg37: memref<!tpu.dma_semaphore, #tpu.memory_space<semaphore_mem>>, %arg38: memref<!tpu.dma_semaphore, #tpu.memory_space<semaphore_mem>>, %arg39: memref<!tpu.dma_semaphore, #tpu.memory_space<semaphore_mem>>, %arg40: memref<!tpu.dma_semaphore, #tpu.memory_space<semaphore_mem>>) attributes {dimension_semantics = [#tpu.dimension_semantics<core_parallel>, #tpu.dimension_semantics<subcore_parallel>], iteration_bounds = array<i64: 2, 16>, scalar_prefetch = 0 : i64, scratch_operands = 30 : i64, tpu.core_type = #tpu.core_type<sc_vector_subcore>, window_params = [{transform_indices = #map}, {transform_indices = #map}, {transform_indices = #map1}, {transform_indices = #map1}, {transform_indices = #map1}, {transform_indices = #map1}, {transform_indices = #map1}, {transform_indices = #map1}, {transform_indices = #map1}]} {
    %mul3A = arith.constant 16 : i32
    %mul3A_0 = arith.muli %arg0, %mul3A : i32
    %add3A = arith.addi %mul3A_0, %arg1 : i32
    %broadcast_in_dim3A = arith.constant 0.000000e+00 : f32
    %broadcast_in_dim3A_1 = vector.broadcast %broadcast_in_dim3A : f32 to vector<16xf32>
    %broadcast_in_dim3A_2 = arith.constant 1.000000e+00 : f32
    %broadcast_in_dim3A_3 = vector.broadcast %broadcast_in_dim3A_2 : f32 to vector<16xf32>
    %iota3A = tpu.iota {dimensions = array<i32: 0>} : vector<16xi32>
    %mul3A_4 = arith.constant 17 : i32
    %mul3A_5 = vector.broadcast %mul3A_4 : i32 to vector<16xi32>
    %mul3A_6 = arith.muli %iota3A, %mul3A_5 : vector<16xi32>
    %dma_start3A = arith.constant 0 : i32
    %dma_start3A_7 = arith.constant 0 : i32
    %dma_start3A_8 = tpu.memref_slice %arg2[%add3A, %dma_start3A, %dma_start3A_7] : memref<32x3x128xi32, #tpu.memory_space<hbm>> -> memref<1x3x128xi32, #tpu.memory_space<hbm>>
    %dma_start3A_9 = tpu.memref_squeeze %dma_start3A_8 : memref<1x3x128xi32, #tpu.memory_space<hbm>> -> memref<3x128xi32, #tpu.memory_space<hbm>>
    %dma_start3A_10 = arith.constant 0 : i32
    %dma_start3A_11 = arith.constant 0 : i32
    %dma_start3A_12 = tpu.memref_slice %arg2[%add3A, %dma_start3A_10, %dma_start3A_11] : memref<32x3x128xi32, #tpu.memory_space<hbm>> -> memref<1x3x128xi32, #tpu.memory_space<hbm>>
    %dma_start3A_13 = tpu.memref_squeeze %dma_start3A_12 : memref<1x3x128xi32, #tpu.memory_space<hbm>> -> memref<3x128xi32, #tpu.memory_space<hbm>>
    tpu.enqueue_dma source(%dma_start3A_13 : memref<3x128xi32, #tpu.memory_space<hbm>>) target(%arg11 : memref<3x128xi32, #tpu.memory_space<vmem>>) target_semaphore(%arg37 : memref<!tpu.dma_semaphore, #tpu.memory_space<semaphore_mem>>)
    %dma_start3A_14 = arith.constant 0 : i32
    %dma_start3A_15 = arith.constant 0 : i32
    %dma_start3A_16 = tpu.memref_slice %arg3[%add3A, %dma_start3A_14, %dma_start3A_15] : memref<32x3x128xi32, #tpu.memory_space<hbm>> -> memref<1x3x128xi32, #tpu.memory_space<hbm>>
    %dma_start3A_17 = tpu.memref_squeeze %dma_start3A_16 : memref<1x3x128xi32, #tpu.memory_space<hbm>> -> memref<3x128xi32, #tpu.memory_space<hbm>>
    %dma_start3A_18 = arith.constant 0 : i32
    %dma_start3A_19 = arith.constant 0 : i32
    %dma_start3A_20 = tpu.memref_slice %arg3[%add3A, %dma_start3A_18, %dma_start3A_19] : memref<32x3x128xi32, #tpu.memory_space<hbm>> -> memref<1x3x128xi32, #tpu.memory_space<hbm>>
    %dma_start3A_21 = tpu.memref_squeeze %dma_start3A_20 : memref<1x3x128xi32, #tpu.memory_space<hbm>> -> memref<3x128xi32, #tpu.memory_space<hbm>>
    tpu.enqueue_dma source(%dma_start3A_21 : memref<3x128xi32, #tpu.memory_space<hbm>>) target(%arg12 : memref<3x128xi32, #tpu.memory_space<vmem>>) target_semaphore(%arg37 : memref<!tpu.dma_semaphore, #tpu.memory_space<semaphore_mem>>)
    %scan3A = arith.constant 0 : i32
    %scan3A_22 = arith.constant 98 : i32
    %scan3A_23 = arith.addi %scan3A, %scan3A_22 : i32
    %scan3A_24 = arith.constant 1 : i32
    scf.for %scan3A_491 = %scan3A to %scan3A_23 step %scan3A_24  : i32 {
      %mul3A_492 = arith.constant 16 : i32
      %mul3A_493 = arith.muli %scan3A_491, %mul3A_492 : i32
      %swap3A_494 = arith.index_cast %mul3A_493 : i32 to index
      %swap3A_495 = tpu.vector_load %arg31[%swap3A_494] {strides = array<i32>} : memref<1568xf32, #tpu.memory_space<vmem>>, vector<16xf32>,
      tpu.vector_store %arg31[%swap3A_494], %broadcast_in_dim3A_1 {strides = array<i32>} : memref<1568xf32, #tpu.memory_space<vmem>>, vector<16xf32>,
    }
    %scan3A_25 = arith.constant 98 : i32
    %mul3A_26 = arith.constant 6272 : i32
    %mul3A_27 = arith.muli %arg1, %mul3A_26 : i32
    %dma_wait3A = arith.constant 0 : i32
    %dma_wait3A_28 = arith.constant 0 : i32
    %dma_wait3A_29 = tpu.memref_slice %arg2[%add3A, %dma_wait3A, %dma_wait3A_28] : memref<32x3x128xi32, #tpu.memory_space<hbm>> -> memref<1x3x128xi32, #tpu.memory_space<hbm>>
    %dma_wait3A_30 = tpu.memref_squeeze %dma_wait3A_29 : memref<1x3x128xi32, #tpu.memory_space<hbm>> -> memref<3x128xi32, #tpu.memory_space<hbm>>
    %dma_wait3A_31 = arith.constant 0 : i32
    %dma_wait3A_32 = arith.constant 0 : i32
    %dma_wait3A_33 = tpu.memref_slice %arg2[%add3A, %dma_wait3A_31, %dma_wait3A_32] : memref<32x3x128xi32, #tpu.memory_space<hbm>> -> memref<1x3x128xi32, #tpu.memory_space<hbm>>
    %dma_wait3A_34 = tpu.memref_squeeze %dma_wait3A_33 : memref<1x3x128xi32, #tpu.memory_space<hbm>> -> memref<3x128xi32, #tpu.memory_space<hbm>>
    tpu.wait_dma2 semaphore(%arg37 : memref<!tpu.dma_semaphore, #tpu.memory_space<semaphore_mem>>) src(%dma_wait3A_34 : memref<3x128xi32, #tpu.memory_space<hbm>>) dst(%arg11 : memref<3x128xi32, #tpu.memory_space<vmem>>)
    %dma_wait3A_35 = arith.constant 0 : i32
    %dma_wait3A_36 = arith.constant 0 : i32
    %dma_wait3A_37 = tpu.memref_slice %arg3[%add3A, %dma_wait3A_35, %dma_wait3A_36] : memref<32x3x128xi32, #tpu.memory_space<hbm>> -> memref<1x3x128xi32, #tpu.memory_space<hbm>>
    %dma_wait3A_38 = tpu.memref_squeeze %dma_wait3A_37 : memref<1x3x128xi32, #tpu.memory_space<hbm>> -> memref<3x128xi32, #tpu.memory_space<hbm>>
    %dma_wait3A_39 = arith.constant 0 : i32
    %dma_wait3A_40 = arith.constant 0 : i32
    %dma_wait3A_41 = tpu.memref_slice %arg3[%add3A, %dma_wait3A_39, %dma_wait3A_40] : memref<32x3x128xi32, #tpu.memory_space<hbm>> -> memref<1x3x128xi32, #tpu.memory_space<hbm>>
    %dma_wait3A_42 = tpu.memref_squeeze %dma_wait3A_41 : memref<1x3x128xi32, #tpu.memory_space<hbm>> -> memref<3x128xi32, #tpu.memory_space<hbm>>
    tpu.wait_dma2 semaphore(%arg37 : memref<!tpu.dma_semaphore, #tpu.memory_space<semaphore_mem>>) src(%dma_wait3A_42 : memref<3x128xi32, #tpu.memory_space<hbm>>) dst(%arg12 : memref<3x128xi32, #tpu.memory_space<vmem>>)
    %dma_start3A_43 = arith.constant 0 : i32
    %dma_start3A_44 = arith.constant 0 : i32
    %dma_start3A_45 = arith.constant 0 : i32
    %dma_start3A_46 = tpu.memref_slice %arg13[%dma_start3A_44, %dma_start3A_45] : memref<128x128xf32, #tpu.memory_space<vmem>> -> memref<64x128xf32, #tpu.memory_space<vmem>>
    %dma_start3A_47 = arith.constant 0 : i32
    %dma_start3A_48 = tpu.memref_slice %arg11[%dma_start3A_43, %dma_start3A_47] : memref<3x128xi32, #tpu.memory_space<vmem>> -> memref<1x64xi32, #tpu.memory_space<vmem>>
    %dma_start3A_49 = tpu.memref_squeeze %dma_start3A_48 : memref<1x64xi32, #tpu.memory_space<vmem>> -> memref<64xi32, #tpu.memory_space<vmem>>
    %dma_start3A_50 = arith.constant 0 : i32
    %dma_start3A_51 = arith.constant 0 : i32
    %dma_start3A_52 = tpu.memref_slice %arg4[%dma_start3A_50, %dma_start3A_51] : memref<100000x128xf32, #tpu.memory_space<hbm>> -> memref<100000x128xf32, #tpu.memory_space<hbm>>
    tpu.enqueue_indirect_dma source(%dma_start3A_52 : memref<100000x128xf32, #tpu.memory_space<hbm>>) target(%dma_start3A_46 : memref<64x128xf32, #tpu.memory_space<vmem>>) offsets(%dma_start3A_49 : memref<64xi32, #tpu.memory_space<vmem>>) semaphore(%arg39 : memref<!tpu.dma_semaphore, #tpu.memory_space<semaphore_mem>>)
    %dma_start3A_53 = arith.constant 1 : i32
    %dma_start3A_54 = arith.constant 0 : i32
    %dma_start3A_55 = arith.constant 0 : i32
    %dma_start3A_56 = tpu.memref_slice %arg14[%dma_start3A_54, %dma_start3A_55] : memref<128x128xf32, #tpu.memory_space<vmem>> -> memref<64x128xf32, #tpu.memory_space<vmem>>
    %dma_start3A_57 = arith.constant 0 : i32
    %dma_start3A_58 = tpu.memref_slice %arg11[%dma_start3A_53, %dma_start3A_57] : memref<3x128xi32, #tpu.memory_space<vmem>> -> memref<1x64xi32, #tpu.memory_space<vmem>>
    %dma_start3A_59 = tpu.memref_squeeze %dma_start3A_58 : memref<1x64xi32, #tpu.memory_space<vmem>> -> memref<64xi32, #tpu.memory_space<vmem>>
    %dma_start3A_60 = arith.constant 0 : i32
    %dma_start3A_61 = arith.constant 0 : i32
    %dma_start3A_62 = tpu.memref_slice %arg5[%dma_start3A_60, %dma_start3A_61] : memref<100000x128xf32, #tpu.memory_space<hbm>> -> memref<100000x128xf32, #tpu.memory_space<hbm>>
    tpu.enqueue_indirect_dma source(%dma_start3A_62 : memref<100000x128xf32, #tpu.memory_space<hbm>>) target(%dma_start3A_56 : memref<64x128xf32, #tpu.memory_space<vmem>>) offsets(%dma_start3A_59 : memref<64xi32, #tpu.memory_space<vmem>>) semaphore(%arg39 : memref<!tpu.dma_semaphore, #tpu.memory_space<semaphore_mem>>)
    %dma_start3A_63 = arith.constant 2 : i32
    %dma_start3A_64 = arith.constant 0 : i32
    %dma_start3A_65 = arith.constant 0 : i32
    %dma_start3A_66 = tpu.memref_slice %arg15[%dma_start3A_64, %dma_start3A_65] : memref<128x128xf32, #tpu.memory_space<vmem>> -> memref<64x128xf32, #tpu.memory_space<vmem>>
    %dma_start3A_67 = arith.constant 0 : i32
    %dma_start3A_68 = tpu.memref_slice %arg11[%dma_start3A_63, %dma_start3A_67] : memref<3x128xi32, #tpu.memory_space<vmem>> -> memref<1x64xi32, #tpu.memory_space<vmem>>
    %dma_start3A_69 = tpu.memref_squeeze %dma_start3A_68 : memref<1x64xi32, #tpu.memory_space<vmem>> -> memref<64xi32, #tpu.memory_space<vmem>>
    %dma_start3A_70 = arith.constant 0 : i32
    %dma_start3A_71 = arith.constant 0 : i32
    %dma_start3A_72 = tpu.memref_slice %arg4[%dma_start3A_70, %dma_start3A_71] : memref<100000x128xf32, #tpu.memory_space<hbm>> -> memref<100000x128xf32, #tpu.memory_space<hbm>>
    tpu.enqueue_indirect_dma source(%dma_start3A_72 : memref<100000x128xf32, #tpu.memory_space<hbm>>) target(%dma_start3A_66 : memref<64x128xf32, #tpu.memory_space<vmem>>) offsets(%dma_start3A_69 : memref<64xi32, #tpu.memory_space<vmem>>) semaphore(%arg39 : memref<!tpu.dma_semaphore, #tpu.memory_space<semaphore_mem>>)
    %dma_start3A_73 = arith.constant 0 : i32
    %dma_start3A_74 = arith.constant 64 : i32
    %dma_start3A_75 = arith.constant 0 : i32
    %dma_start3A_76 = tpu.memref_slice %arg13[%dma_start3A_74, %dma_start3A_75] : memref<128x128xf32, #tpu.memory_space<vmem>> -> memref<64x128xf32, #tpu.memory_space<vmem>>
    %dma_start3A_77 = arith.constant 64 : i32
    %dma_start3A_78 = tpu.memref_slice %arg11[%dma_start3A_73, %dma_start3A_77] : memref<3x128xi32, #tpu.memory_space<vmem>> -> memref<1x64xi32, #tpu.memory_space<vmem>>
    %dma_start3A_79 = tpu.memref_squeeze %dma_start3A_78 : memref<1x64xi32, #tpu.memory_space<vmem>> -> memref<64xi32, #tpu.memory_space<vmem>>
    %dma_start3A_80 = arith.constant 0 : i32
    %dma_start3A_81 = arith.constant 0 : i32
    %dma_start3A_82 = tpu.memref_slice %arg4[%dma_start3A_80, %dma_start3A_81] : memref<100000x128xf32, #tpu.memory_space<hbm>> -> memref<100000x128xf32, #tpu.memory_space<hbm>>
    tpu.enqueue_indirect_dma source(%dma_start3A_82 : memref<100000x128xf32, #tpu.memory_space<hbm>>) target(%dma_start3A_76 : memref<64x128xf32, #tpu.memory_space<vmem>>) offsets(%dma_start3A_79 : memref<64xi32, #tpu.memory_space<vmem>>) semaphore(%arg40 : memref<!tpu.dma_semaphore, #tpu.memory_space<semaphore_mem>>)
    %dma_start3A_83 = arith.constant 1 : i32
    %dma_start3A_84 = arith.constant 64 : i32
    %dma_start3A_85 = arith.constant 0 : i32
    %dma_start3A_86 = tpu.memref_slice %arg14[%dma_start3A_84, %dma_start3A_85] : memref<128x128xf32, #tpu.memory_space<vmem>> -> memref<64x128xf32, #tpu.memory_space<vmem>>
    %dma_start3A_87 = arith.constant 64 : i32
    %dma_start3A_88 = tpu.memref_slice %arg11[%dma_start3A_83, %dma_start3A_87] : memref<3x128xi32, #tpu.memory_space<vmem>> -> memref<1x64xi32, #tpu.memory_space<vmem>>
    %dma_start3A_89 = tpu.memref_squeeze %dma_start3A_88 : memref<1x64xi32, #tpu.memory_space<vmem>> -> memref<64xi32, #tpu.memory_space<vmem>>
    %dma_start3A_90 = arith.constant 0 : i32
    %dma_start3A_91 = arith.constant 0 : i32
    %dma_start3A_92 = tpu.memref_slice %arg5[%dma_start3A_90, %dma_start3A_91] : memref<100000x128xf32, #tpu.memory_space<hbm>> -> memref<100000x128xf32, #tpu.memory_space<hbm>>
    tpu.enqueue_indirect_dma source(%dma_start3A_92 : memref<100000x128xf32, #tpu.memory_space<hbm>>) target(%dma_start3A_86 : memref<64x128xf32, #tpu.memory_space<vmem>>) offsets(%dma_start3A_89 : memref<64xi32, #tpu.memory_space<vmem>>) semaphore(%arg40 : memref<!tpu.dma_semaphore, #tpu.memory_space<semaphore_mem>>)
    %dma_start3A_93 = arith.constant 2 : i32
    %dma_start3A_94 = arith.constant 64 : i32
    %dma_start3A_95 = arith.constant 0 : i32
    %dma_start3A_96 = tpu.memref_slice %arg15[%dma_start3A_94, %dma_start3A_95] : memref<128x128xf32, #tpu.memory_space<vmem>> -> memref<64x128xf32, #tpu.memory_space<vmem>>
    %dma_start3A_97 = arith.constant 64 : i32
    %dma_start3A_98 = tpu.memref_slice %arg11[%dma_start3A_93, %dma_start3A_97] : memref<3x128xi32, #tpu.memory_space<vmem>> -> memref<1x64xi32, #tpu.memory_space<vmem>>
    %dma_start3A_99 = tpu.memref_squeeze %dma_start3A_98 : memref<1x64xi32, #tpu.memory_space<vmem>> -> memref<64xi32, #tpu.memory_space<vmem>>
    %dma_start3A_100 = arith.constant 0 : i32
    %dma_start3A_101 = arith.constant 0 : i32
    %dma_start3A_102 = tpu.memref_slice %arg4[%dma_start3A_100, %dma_start3A_101] : memref<100000x128xf32, #tpu.memory_space<hbm>> -> memref<100000x128xf32, #tpu.memory_space<hbm>>
    tpu.enqueue_indirect_dma source(%dma_start3A_102 : memref<100000x128xf32, #tpu.memory_space<hbm>>) target(%dma_start3A_96 : memref<64x128xf32, #tpu.memory_space<vmem>>) offsets(%dma_start3A_99 : memref<64xi32, #tpu.memory_space<vmem>>) semaphore(%arg40 : memref<!tpu.dma_semaphore, #tpu.memory_space<semaphore_mem>>)
    %dma_start3A_103 = arith.constant 0 : i32
    %dma_start3A_104 = arith.constant 0 : i32
    %dma_start3A_105 = tpu.memref_slice %arg12[%dma_start3A_103, %dma_start3A_104] : memref<3x128xi32, #tpu.memory_space<vmem>> -> memref<1x128xi32, #tpu.memory_space<vmem>>
    %dma_start3A_106 = tpu.memref_squeeze %dma_start3A_105 : memref<1x128xi32, #tpu.memory_space<vmem>> -> memref<128xi32, #tpu.memory_space<vmem>>
    %dma_start3A_107 = arith.constant 0 : i32
    %dma_start3A_108 = arith.constant 0 : i32
    %dma_start3A_109 = tpu.memref_slice %arg4[%dma_start3A_107, %dma_start3A_108] : memref<100000x128xf32, #tpu.memory_space<hbm>> -> memref<100000x128xf32, #tpu.memory_space<hbm>>
    tpu.enqueue_indirect_dma source(%dma_start3A_109 : memref<100000x128xf32, #tpu.memory_space<hbm>>) target(%arg16 : memref<128x128xf32, #tpu.memory_space<vmem>>) offsets(%dma_start3A_106 : memref<128xi32, #tpu.memory_space<vmem>>) semaphore(%arg36 : memref<!tpu.dma_semaphore, #tpu.memory_space<semaphore_mem>>)
    %dma_start3A_110 = arith.constant 1 : i32
    %dma_start3A_111 = arith.constant 0 : i32
    %dma_start3A_112 = tpu.memref_slice %arg12[%dma_start3A_110, %dma_start3A_111] : memref<3x128xi32, #tpu.memory_space<vmem>> -> memref<1x128xi32, #tpu.memory_space<vmem>>
    %dma_start3A_113 = tpu.memref_squeeze %dma_start3A_112 : memref<1x128xi32, #tpu.memory_space<vmem>> -> memref<128xi32, #tpu.memory_space<vmem>>
    %dma_start3A_114 = arith.constant 0 : i32
    %dma_start3A_115 = arith.constant 0 : i32
    %dma_start3A_116 = tpu.memref_slice %arg5[%dma_start3A_114, %dma_start3A_115] : memref<100000x128xf32, #tpu.memory_space<hbm>> -> memref<100000x128xf32, #tpu.memory_space<hbm>>
    tpu.enqueue_indirect_dma source(%dma_start3A_116 : memref<100000x128xf32, #tpu.memory_space<hbm>>) target(%arg17 : memref<128x128xf32, #tpu.memory_space<vmem>>) offsets(%dma_start3A_113 : memref<128xi32, #tpu.memory_space<vmem>>) semaphore(%arg36 : memref<!tpu.dma_semaphore, #tpu.memory_space<semaphore_mem>>)
    %dma_start3A_117 = arith.constant 2 : i32
    %dma_start3A_118 = arith.constant 0 : i32
    %dma_start3A_119 = tpu.memref_slice %arg12[%dma_start3A_117, %dma_start3A_118] : memref<3x128xi32, #tpu.memory_space<vmem>> -> memref<1x128xi32, #tpu.memory_space<vmem>>
    %dma_start3A_120 = tpu.memref_squeeze %dma_start3A_119 : memref<1x128xi32, #tpu.memory_space<vmem>> -> memref<128xi32, #tpu.memory_space<vmem>>
    %dma_start3A_121 = arith.constant 0 : i32
    %dma_start3A_122 = arith.constant 0 : i32
    %dma_start3A_123 = tpu.memref_slice %arg4[%dma_start3A_121, %dma_start3A_122] : memref<100000x128xf32, #tpu.memory_space<hbm>> -> memref<100000x128xf32, #tpu.memory_space<hbm>>
    tpu.enqueue_indirect_dma source(%dma_start3A_123 : memref<100000x128xf32, #tpu.memory_space<hbm>>) target(%arg18 : memref<128x128xf32, #tpu.memory_space<vmem>>) offsets(%dma_start3A_120 : memref<128xi32, #tpu.memory_space<vmem>>) semaphore(%arg36 : memref<!tpu.dma_semaphore, #tpu.memory_space<semaphore_mem>>)
    %add3A_124 = arith.constant 0 : i32
    %add3A_125 = arith.addi %mul3A_27, %add3A_124 : i32
    %dma_start3A_126 = tpu.memref_slice %arg32[%add3A_125] : memref<100352xf32, #tpu.memory_space<vmem_shared>> -> memref<1568xf32, #tpu.memory_space<vmem_shared>>
    %dma_start3A_127 = tpu.memref_slice %arg32[%add3A_125] : memref<100352xf32, #tpu.memory_space<vmem_shared>> -> memref<1568xf32, #tpu.memory_space<vmem_shared>>
    tpu.enqueue_dma source(%arg31 : memref<1568xf32, #tpu.memory_space<vmem>>) target(%dma_start3A_127 : memref<1568xf32, #tpu.memory_space<vmem_shared>>) target_semaphore(%arg37 : memref<!tpu.dma_semaphore, #tpu.memory_space<semaphore_mem>>)
    %add3A_128 = arith.constant 1568 : i32
    %add3A_129 = arith.addi %mul3A_27, %add3A_128 : i32
    %dma_start3A_130 = tpu.memref_slice %arg32[%add3A_129] : memref<100352xf32, #tpu.memory_space<vmem_shared>> -> memref<1568xf32, #tpu.memory_space<vmem_shared>>
    %dma_start3A_131 = tpu.memref_slice %arg32[%add3A_129] : memref<100352xf32, #tpu.memory_space<vmem_shared>> -> memref<1568xf32, #tpu.memory_space<vmem_shared>>
    tpu.enqueue_dma source(%arg31 : memref<1568xf32, #tpu.memory_space<vmem>>) target(%dma_start3A_131 : memref<1568xf32, #tpu.memory_space<vmem_shared>>) target_semaphore(%arg37 : memref<!tpu.dma_semaphore, #tpu.memory_space<semaphore_mem>>)
    %add3A_132 = arith.constant 3136 : i32
    %add3A_133 = arith.addi %mul3A_27, %add3A_132 : i32
    %dma_start3A_134 = tpu.memref_slice %arg32[%add3A_133] : memref<100352xf32, #tpu.memory_space<vmem_shared>> -> memref<1568xf32, #tpu.memory_space<vmem_shared>>
    %dma_start3A_135 = tpu.memref_slice %arg32[%add3A_133] : memref<100352xf32, #tpu.memory_space<vmem_shared>> -> memref<1568xf32, #tpu.memory_space<vmem_shared>>
    tpu.enqueue_dma source(%arg31 : memref<1568xf32, #tpu.memory_space<vmem>>) target(%dma_start3A_135 : memref<1568xf32, #tpu.memory_space<vmem_shared>>) target_semaphore(%arg37 : memref<!tpu.dma_semaphore, #tpu.memory_space<semaphore_mem>>)
    %add3A_136 = arith.constant 4704 : i32
    %add3A_137 = arith.addi %mul3A_27, %add3A_136 : i32
    %dma_start3A_138 = tpu.memref_slice %arg32[%add3A_137] : memref<100352xf32, #tpu.memory_space<vmem_shared>> -> memref<1568xf32, #tpu.memory_space<vmem_shared>>
    %dma_start3A_139 = tpu.memref_slice %arg32[%add3A_137] : memref<100352xf32, #tpu.memory_space<vmem_shared>> -> memref<1568xf32, #tpu.memory_space<vmem_shared>>
    tpu.enqueue_dma source(%arg31 : memref<1568xf32, #tpu.memory_space<vmem>>) target(%dma_start3A_139 : memref<1568xf32, #tpu.memory_space<vmem_shared>>) target_semaphore(%arg37 : memref<!tpu.dma_semaphore, #tpu.memory_space<semaphore_mem>>)
    %add3A_140 = arith.constant 0 : i32
    %add3A_141 = arith.addi %mul3A_27, %add3A_140 : i32
    %dma_start3A_142 = tpu.memref_slice %arg33[%add3A_141] : memref<100352xf32, #tpu.memory_space<vmem_shared>> -> memref<1568xf32, #tpu.memory_space<vmem_shared>>
    %dma_start3A_143 = tpu.memref_slice %arg33[%add3A_141] : memref<100352xf32, #tpu.memory_space<vmem_shared>> -> memref<1568xf32, #tpu.memory_space<vmem_shared>>
    tpu.enqueue_dma source(%arg31 : memref<1568xf32, #tpu.memory_space<vmem>>) target(%dma_start3A_143 : memref<1568xf32, #tpu.memory_space<vmem_shared>>) target_semaphore(%arg37 : memref<!tpu.dma_semaphore, #tpu.memory_space<semaphore_mem>>)
    %add3A_144 = arith.constant 1568 : i32
    %add3A_145 = arith.addi %mul3A_27, %add3A_144 : i32
    %dma_start3A_146 = tpu.memref_slice %arg33[%add3A_145] : memref<100352xf32, #tpu.memory_space<vmem_shared>> -> memref<1568xf32, #tpu.memory_space<vmem_shared>>
    %dma_start3A_147 = tpu.memref_slice %arg33[%add3A_145] : memref<100352xf32, #tpu.memory_space<vmem_shared>> -> memref<1568xf32, #tpu.memory_space<vmem_shared>>
    tpu.enqueue_dma source(%arg31 : memref<1568xf32, #tpu.memory_space<vmem>>) target(%dma_start3A_147 : memref<1568xf32, #tpu.memory_space<vmem_shared>>) target_semaphore(%arg37 : memref<!tpu.dma_semaphore, #tpu.memory_space<semaphore_mem>>)
    %add3A_148 = arith.constant 3136 : i32
    %add3A_149 = arith.addi %mul3A_27, %add3A_148 : i32
    %dma_start3A_150 = tpu.memref_slice %arg33[%add3A_149] : memref<100352xf32, #tpu.memory_space<vmem_shared>> -> memref<1568xf32, #tpu.memory_space<vmem_shared>>
    %dma_start3A_151 = tpu.memref_slice %arg33[%add3A_149] : memref<100352xf32, #tpu.memory_space<vmem_shared>> -> memref<1568xf32, #tpu.memory_space<vmem_shared>>
    tpu.enqueue_dma source(%arg31 : memref<1568xf32, #tpu.memory_space<vmem>>) target(%dma_start3A_151 : memref<1568xf32, #tpu.memory_space<vmem_shared>>) target_semaphore(%arg37 : memref<!tpu.dma_semaphore, #tpu.memory_space<semaphore_mem>>)
    %add3A_152 = arith.constant 4704 : i32
    %add3A_153 = arith.addi %mul3A_27, %add3A_152 : i32
    %dma_start3A_154 = tpu.memref_slice %arg33[%add3A_153] : memref<100352xf32, #tpu.memory_space<vmem_shared>> -> memref<1568xf32, #tpu.memory_space<vmem_shared>>
    %dma_start3A_155 = tpu.memref_slice %arg33[%add3A_153] : memref<100352xf32, #tpu.memory_space<vmem_shared>> -> memref<1568xf32, #tpu.memory_space<vmem_shared>>
    tpu.enqueue_dma source(%arg31 : memref<1568xf32, #tpu.memory_space<vmem>>) target(%dma_start3A_155 : memref<1568xf32, #tpu.memory_space<vmem_shared>>) target_semaphore(%arg37 : memref<!tpu.dma_semaphore, #tpu.memory_space<semaphore_mem>>)
    %add3A_156 = arith.constant 0 : i32
    %add3A_157 = arith.addi %mul3A_27, %add3A_156 : i32
    %dma_start3A_158 = tpu.memref_slice %arg34[%add3A_157] : memref<100352xf32, #tpu.memory_space<vmem_shared>> -> memref<1568xf32, #tpu.memory_space<vmem_shared>>
    %dma_start3A_159 = tpu.memref_slice %arg34[%add3A_157] : memref<100352xf32, #tpu.memory_space<vmem_shared>> -> memref<1568xf32, #tpu.memory_space<vmem_shared>>
    tpu.enqueue_dma source(%arg31 : memref<1568xf32, #tpu.memory_space<vmem>>) target(%dma_start3A_159 : memref<1568xf32, #tpu.memory_space<vmem_shared>>) target_semaphore(%arg37 : memref<!tpu.dma_semaphore, #tpu.memory_space<semaphore_mem>>)
    %add3A_160 = arith.constant 1568 : i32
    %add3A_161 = arith.addi %mul3A_27, %add3A_160 : i32
    %dma_start3A_162 = tpu.memref_slice %arg34[%add3A_161] : memref<100352xf32, #tpu.memory_space<vmem_shared>> -> memref<1568xf32, #tpu.memory_space<vmem_shared>>
    %dma_start3A_163 = tpu.memref_slice %arg34[%add3A_161] : memref<100352xf32, #tpu.memory_space<vmem_shared>> -> memref<1568xf32, #tpu.memory_space<vmem_shared>>
    tpu.enqueue_dma source(%arg31 : memref<1568xf32, #tpu.memory_space<vmem>>) target(%dma_start3A_163 : memref<1568xf32, #tpu.memory_space<vmem_shared>>) target_semaphore(%arg37 : memref<!tpu.dma_semaphore, #tpu.memory_space<semaphore_mem>>)
    %add3A_164 = arith.constant 3136 : i32
    %add3A_165 = arith.addi %mul3A_27, %add3A_164 : i32
    %dma_start3A_166 = tpu.memref_slice %arg34[%add3A_165] : memref<100352xf32, #tpu.memory_space<vmem_shared>> -> memref<1568xf32, #tpu.memory_space<vmem_shared>>
    %dma_start3A_167 = tpu.memref_slice %arg34[%add3A_165] : memref<100352xf32, #tpu.memory_space<vmem_shared>> -> memref<1568xf32, #tpu.memory_space<vmem_shared>>
    tpu.enqueue_dma source(%arg31 : memref<1568xf32, #tpu.memory_space<vmem>>) target(%dma_start3A_167 : memref<1568xf32, #tpu.memory_space<vmem_shared>>) target_semaphore(%arg37 : memref<!tpu.dma_semaphore, #tpu.memory_space<semaphore_mem>>)
    %add3A_168 = arith.constant 4704 : i32
    %add3A_169 = arith.addi %mul3A_27, %add3A_168 : i32
    %dma_start3A_170 = tpu.memref_slice %arg34[%add3A_169] : memref<100352xf32, #tpu.memory_space<vmem_shared>> -> memref<1568xf32, #tpu.memory_space<vmem_shared>>
    %dma_start3A_171 = tpu.memref_slice %arg34[%add3A_169] : memref<100352xf32, #tpu.memory_space<vmem_shared>> -> memref<1568xf32, #tpu.memory_space<vmem_shared>>
    tpu.enqueue_dma source(%arg31 : memref<1568xf32, #tpu.memory_space<vmem>>) target(%dma_start3A_171 : memref<1568xf32, #tpu.memory_space<vmem_shared>>) target_semaphore(%arg37 : memref<!tpu.dma_semaphore, #tpu.memory_space<semaphore_mem>>)
    %add3A_172 = arith.constant 0 : i32
    %add3A_173 = arith.addi %mul3A_27, %add3A_172 : i32
    %dma_start3A_174 = tpu.memref_slice %arg35[%add3A_173] : memref<100352xf32, #tpu.memory_space<vmem_shared>> -> memref<1568xf32, #tpu.memory_space<vmem_shared>>
    %dma_start3A_175 = tpu.memref_slice %arg35[%add3A_173] : memref<100352xf32, #tpu.memory_space<vmem_shared>> -> memref<1568xf32, #tpu.memory_space<vmem_shared>>
    tpu.enqueue_dma source(%arg31 : memref<1568xf32, #tpu.memory_space<vmem>>) target(%dma_start3A_175 : memref<1568xf32, #tpu.memory_space<vmem_shared>>) target_semaphore(%arg37 : memref<!tpu.dma_semaphore, #tpu.memory_space<semaphore_mem>>)
    %add3A_176 = arith.constant 1568 : i32
    %add3A_177 = arith.addi %mul3A_27, %add3A_176 : i32
    %dma_start3A_178 = tpu.memref_slice %arg35[%add3A_177] : memref<100352xf32, #tpu.memory_space<vmem_shared>> -> memref<1568xf32, #tpu.memory_space<vmem_shared>>
    %dma_start3A_179 = tpu.memref_slice %arg35[%add3A_177] : memref<100352xf32, #tpu.memory_space<vmem_shared>> -> memref<1568xf32, #tpu.memory_space<vmem_shared>>
    tpu.enqueue_dma source(%arg31 : memref<1568xf32, #tpu.memory_space<vmem>>) target(%dma_start3A_179 : memref<1568xf32, #tpu.memory_space<vmem_shared>>) target_semaphore(%arg37 : memref<!tpu.dma_semaphore, #tpu.memory_space<semaphore_mem>>)
    %add3A_180 = arith.constant 3136 : i32
    %add3A_181 = arith.addi %mul3A_27, %add3A_180 : i32
    %dma_start3A_182 = tpu.memref_slice %arg35[%add3A_181] : memref<100352xf32, #tpu.memory_space<vmem_shared>> -> memref<1568xf32, #tpu.memory_space<vmem_shared>>
    %dma_start3A_183 = tpu.memref_slice %arg35[%add3A_181] : memref<100352xf32, #tpu.memory_space<vmem_shared>> -> memref<1568xf32, #tpu.memory_space<vmem_shared>>
    tpu.enqueue_dma source(%arg31 : memref<1568xf32, #tpu.memory_space<vmem>>) target(%dma_start3A_183 : memref<1568xf32, #tpu.memory_space<vmem_shared>>) target_semaphore(%arg37 : memref<!tpu.dma_semaphore, #tpu.memory_space<semaphore_mem>>)
    %add3A_184 = arith.constant 4704 : i32
    %add3A_185 = arith.addi %mul3A_27, %add3A_184 : i32
    %dma_start3A_186 = tpu.memref_slice %arg35[%add3A_185] : memref<100352xf32, #tpu.memory_space<vmem_shared>> -> memref<1568xf32, #tpu.memory_space<vmem_shared>>
    %dma_start3A_187 = tpu.memref_slice %arg35[%add3A_185] : memref<100352xf32, #tpu.memory_space<vmem_shared>> -> memref<1568xf32, #tpu.memory_space<vmem_shared>>
    tpu.enqueue_dma source(%arg31 : memref<1568xf32, #tpu.memory_space<vmem>>) target(%dma_start3A_187 : memref<1568xf32, #tpu.memory_space<vmem_shared>>) target_semaphore(%arg37 : memref<!tpu.dma_semaphore, #tpu.memory_space<semaphore_mem>>)
    %swap3A = arith.constant 0 : index
    %swap3A_188 = tpu.vector_load %arg29[%swap3A] {strides = array<i32>} : memref<128xf32, #tpu.memory_space<vmem>>, vector<16xf32>,
    tpu.vector_store %arg29[%swap3A], %broadcast_in_dim3A_3 {strides = array<i32>} : memref<128xf32, #tpu.memory_space<vmem>>, vector<16xf32>,
    %swap3A_189 = arith.constant 16 : index
    %swap3A_190 = tpu.vector_load %arg29[%swap3A_189] {strides = array<i32>} : memref<128xf32, #tpu.memory_space<vmem>>, vector<16xf32>,
    tpu.vector_store %arg29[%swap3A_189], %broadcast_in_dim3A_3 {strides = array<i32>} : memref<128xf32, #tpu.memory_space<vmem>>, vector<16xf32>,
    %swap3A_191 = arith.constant 32 : index
    %swap3A_192 = tpu.vector_load %arg29[%swap3A_191] {strides = array<i32>} : memref<128xf32, #tpu.memory_space<vmem>>, vector<16xf32>,
    tpu.vector_store %arg29[%swap3A_191], %broadcast_in_dim3A_3 {strides = array<i32>} : memref<128xf32, #tpu.memory_space<vmem>>, vector<16xf32>,
    %swap3A_193 = arith.constant 48 : index
    %swap3A_194 = tpu.vector_load %arg29[%swap3A_193] {strides = array<i32>} : memref<128xf32, #tpu.memory_space<vmem>>, vector<16xf32>,
    tpu.vector_store %arg29[%swap3A_193], %broadcast_in_dim3A_3 {strides = array<i32>} : memref<128xf32, #tpu.memory_space<vmem>>, vector<16xf32>,
    %swap3A_195 = arith.constant 64 : index
    %swap3A_196 = tpu.vector_load %arg29[%swap3A_195] {strides = array<i32>} : memref<128xf32, #tpu.memory_space<vmem>>, vector<16xf32>,
    tpu.vector_store %arg29[%swap3A_195], %broadcast_in_dim3A_3 {strides = array<i32>} : memref<128xf32, #tpu.memory_space<vmem>>, vector<16xf32>,
    %swap3A_197 = arith.constant 80 : index
    %swap3A_198 = tpu.vector_load %arg29[%swap3A_197] {strides = array<i32>} : memref<128xf32, #tpu.memory_space<vmem>>, vector<16xf32>,
    tpu.vector_store %arg29[%swap3A_197], %broadcast_in_dim3A_3 {strides = array<i32>} : memref<128xf32, #tpu.memory_space<vmem>>, vector<16xf32>,
    %swap3A_199 = arith.constant 96 : index
    %swap3A_200 = tpu.vector_load %arg29[%swap3A_199] {strides = array<i32>} : memref<128xf32, #tpu.memory_space<vmem>>, vector<16xf32>,
    tpu.vector_store %arg29[%swap3A_199], %broadcast_in_dim3A_3 {strides = array<i32>} : memref<128xf32, #tpu.memory_space<vmem>>, vector<16xf32>,
    %swap3A_201 = arith.constant 112 : index
    %swap3A_202 = tpu.vector_load %arg29[%swap3A_201] {strides = array<i32>} : memref<128xf32, #tpu.memory_space<vmem>>, vector<16xf32>,
    tpu.vector_store %arg29[%swap3A_201], %broadcast_in_dim3A_3 {strides = array<i32>} : memref<128xf32, #tpu.memory_space<vmem>>, vector<16xf32>,
    %dma_wait3A_203 = arith.constant 0 : i32
    %dma_wait3A_204 = arith.constant 0 : i32
    %dma_wait3A_205 = arith.constant 0 : i32
    %dma_wait3A_206 = tpu.memref_slice %arg13[%dma_wait3A_204, %dma_wait3A_205] : memref<128x128xf32, #tpu.memory_space<vmem>> -> memref<64x128xf32, #tpu.memory_space<vmem>>
    %dma_wait3A_207 = arith.constant 0 : i32
    %dma_wait3A_208 = tpu.memref_slice %arg11[%dma_wait3A_203, %dma_wait3A_207] : memref<3x128xi32, #tpu.memory_space<vmem>> -> memref<1x64xi32, #tpu.memory_space<vmem>>
    %dma_wait3A_209 = tpu.memref_squeeze %dma_wait3A_208 : memref<1x64xi32, #tpu.memory_space<vmem>> -> memref<64xi32, #tpu.memory_space<vmem>>
    %dma_wait3A_210 = arith.constant 0 : i32
    %dma_wait3A_211 = arith.constant 0 : i32
    %dma_wait3A_212 = tpu.memref_slice %arg4[%dma_wait3A_210, %dma_wait3A_211] : memref<100000x128xf32, #tpu.memory_space<hbm>> -> memref<100000x128xf32, #tpu.memory_space<hbm>>
    tpu.wait_indirect_dma semaphore(%arg39 : memref<!tpu.dma_semaphore, #tpu.memory_space<semaphore_mem>>) src(%dma_wait3A_212 : memref<100000x128xf32, #tpu.memory_space<hbm>>) dst(%dma_wait3A_206 : memref<64x128xf32, #tpu.memory_space<vmem>>)
    %dma_wait3A_213 = arith.constant 1 : i32
    %dma_wait3A_214 = arith.constant 0 : i32
    %dma_wait3A_215 = arith.constant 0 : i32
    %dma_wait3A_216 = tpu.memref_slice %arg14[%dma_wait3A_214, %dma_wait3A_215] : memref<128x128xf32, #tpu.memory_space<vmem>> -> memref<64x128xf32, #tpu.memory_space<vmem>>
    %dma_wait3A_217 = arith.constant 0 : i32
    %dma_wait3A_218 = tpu.memref_slice %arg11[%dma_wait3A_213, %dma_wait3A_217] : memref<3x128xi32, #tpu.memory_space<vmem>> -> memref<1x64xi32, #tpu.memory_space<vmem>>
    %dma_wait3A_219 = tpu.memref_squeeze %dma_wait3A_218 : memref<1x64xi32, #tpu.memory_space<vmem>> -> memref<64xi32, #tpu.memory_space<vmem>>
    %dma_wait3A_220 = arith.constant 0 : i32
    %dma_wait3A_221 = arith.constant 0 : i32
    %dma_wait3A_222 = tpu.memref_slice %arg5[%dma_wait3A_220, %dma_wait3A_221] : memref<100000x128xf32, #tpu.memory_space<hbm>> -> memref<100000x128xf32, #tpu.memory_space<hbm>>
    tpu.wait_indirect_dma semaphore(%arg39 : memref<!tpu.dma_semaphore, #tpu.memory_space<semaphore_mem>>) src(%dma_wait3A_222 : memref<100000x128xf32, #tpu.memory_space<hbm>>) dst(%dma_wait3A_216 : memref<64x128xf32, #tpu.memory_space<vmem>>)
    %dma_wait3A_223 = arith.constant 2 : i32
    %dma_wait3A_224 = arith.constant 0 : i32
    %dma_wait3A_225 = arith.constant 0 : i32
    %dma_wait3A_226 = tpu.memref_slice %arg15[%dma_wait3A_224, %dma_wait3A_225] : memref<128x128xf32, #tpu.memory_space<vmem>> -> memref<64x128xf32, #tpu.memory_space<vmem>>
    %dma_wait3A_227 = arith.constant 0 : i32
    %dma_wait3A_228 = tpu.memref_slice %arg11[%dma_wait3A_223, %dma_wait3A_227] : memref<3x128xi32, #tpu.memory_space<vmem>> -> memref<1x64xi32, #tpu.memory_space<vmem>>
    %dma_wait3A_229 = tpu.memref_squeeze %dma_wait3A_228 : memref<1x64xi32, #tpu.memory_space<vmem>> -> memref<64xi32, #tpu.memory_space<vmem>>
    %dma_wait3A_230 = arith.constant 0 : i32
    %dma_wait3A_231 = arith.constant 0 : i32
    %dma_wait3A_232 = tpu.memref_slice %arg4[%dma_wait3A_230, %dma_wait3A_231] : memref<100000x128xf32, #tpu.memory_space<hbm>> -> memref<100000x128xf32, #tpu.memory_space<hbm>>
    tpu.wait_indirect_dma semaphore(%arg39 : memref<!tpu.dma_semaphore, #tpu.memory_space<semaphore_mem>>) src(%dma_wait3A_232 : memref<100000x128xf32, #tpu.memory_space<hbm>>) dst(%dma_wait3A_226 : memref<64x128xf32, #tpu.memory_space<vmem>>)
    %scan3A_233 = arith.constant 0 : i32
    %scan3A_234 = arith.constant 4 : i32
    %scan3A_235 = arith.addi %scan3A_233, %scan3A_234 : i32
    %scan3A_236 = arith.constant 1 : i32
    scf.for %scan3A_491 = %scan3A_233 to %scan3A_235 step %scan3A_236  : i32 {
      %scan3A_492 = arith.constant 0 : i32
      %scan3A_493 = arith.constant 16 : i32
      %scan3A_494 = arith.addi %scan3A_492, %scan3A_493 : i32
      %scan3A_495 = arith.constant 1 : i32
      scf.for %scan3A_830 = %scan3A_492 to %scan3A_494 step %scan3A_495  : i32 {
        %mul3A_831 = arith.constant 16 : i32
        %mul3A_832 = arith.muli %scan3A_491, %mul3A_831 : i32
        %add3A_833 = arith.addi %mul3A_832, %scan3A_830 : i32
        %get3A = arith.index_cast %add3A_833 : i32 to index
        %get3A_834 = arith.constant 0 : index
        %get3A_835 = tpu.vector_load %arg13[%get3A, %get3A_834] {strides = array<i32>} : memref<128x128xf32, #tpu.memory_space<vmem>>, vector<16xf32>,
        %get3A_836 = arith.index_cast %add3A_833 : i32 to index
        %get3A_837 = arith.constant 0 : index
        %get3A_838 = tpu.vector_load %arg14[%get3A_836, %get3A_837] {strides = array<i32>} : memref<128x128xf32, #tpu.memory_space<vmem>>, vector<16xf32>,
        %get3A_839 = arith.index_cast %add3A_833 : i32 to index
        %get3A_840 = arith.constant 0 : index
        %get3A_841 = tpu.vector_load %arg15[%get3A_839, %get3A_840] {strides = array<i32>} : memref<128x128xf32, #tpu.memory_space<vmem>>, vector<16xf32>,
        %add3A_842 = arith.addf %get3A_835, %get3A_838 : vector<16xf32>
        %sub3A = arith.subf %add3A_842, %get3A_841 : vector<16xf32>
        %mul3A_843 = arith.mulf %sub3A, %sub3A : vector<16xf32>
        %add3A_844 = arith.addf %broadcast_in_dim3A_1, %mul3A_843 : vector<16xf32>
        %mul3A_845 = arith.mulf %get3A_835, %get3A_835 : vector<16xf32>
        %add3A_846 = arith.addf %broadcast_in_dim3A_1, %mul3A_845 : vector<16xf32>
        %mul3A_847 = arith.mulf %get3A_841, %get3A_841 : vector<16xf32>
        %add3A_848 = arith.addf %broadcast_in_dim3A_1, %mul3A_847 : vector<16xf32>
        %mul3A_849 = arith.mulf %get3A_838, %get3A_838 : vector<16xf32>
        %add3A_850 = arith.addf %broadcast_in_dim3A_1, %mul3A_849 : vector<16xf32>
        %get3A_851 = arith.index_cast %add3A_833 : i32 to index
        %get3A_852 = arith.constant 16 : index
        %get3A_853 = tpu.vector_load %arg13[%get3A_851, %get3A_852] {strides = array<i32>} : memref<128x128xf32, #tpu.memory_space<vmem>>, vector<16xf32>,
        %get3A_854 = arith.index_cast %add3A_833 : i32 to index
        %get3A_855 = arith.constant 16 : index
        %get3A_856 = tpu.vector_load %arg14[%get3A_854, %get3A_855] {strides = array<i32>} : memref<128x128xf32, #tpu.memory_space<vmem>>, vector<16xf32>,
        %get3A_857 = arith.index_cast %add3A_833 : i32 to index
        %get3A_858 = arith.constant 16 : index
        %get3A_859 = tpu.vector_load %arg15[%get3A_857, %get3A_858] {strides = array<i32>} : memref<128x128xf32, #tpu.memory_space<vmem>>, vector<16xf32>,
        %add3A_860 = arith.addf %get3A_853, %get3A_856 : vector<16xf32>
        %sub3A_861 = arith.subf %add3A_860, %get3A_859 : vector<16xf32>
        %mul3A_862 = arith.mulf %sub3A_861, %sub3A_861 : vector<16xf32>
        %add3A_863 = arith.addf %add3A_844, %mul3A_862 : vector<16xf32>
        %mul3A_864 = arith.mulf %get3A_853, %get3A_853 : vector<16xf32>
        %add3A_865 = arith.addf %add3A_846, %mul3A_864 : vector<16xf32>
        %mul3A_866 = arith.mulf %get3A_859, %get3A_859 : vector<16xf32>
        %add3A_867 = arith.addf %add3A_848, %mul3A_866 : vector<16xf32>
        %mul3A_868 = arith.mulf %get3A_856, %get3A_856 : vector<16xf32>
        %add3A_869 = arith.addf %add3A_850, %mul3A_868 : vector<16xf32>
        %get3A_870 = arith.index_cast %add3A_833 : i32 to index
        %get3A_871 = arith.constant 32 : index
        %get3A_872 = tpu.vector_load %arg13[%get3A_870, %get3A_871] {strides = array<i32>} : memref<128x128xf32, #tpu.memory_space<vmem>>, vector<16xf32>,
        %get3A_873 = arith.index_cast %add3A_833 : i32 to index
        %get3A_874 = arith.constant 32 : index
        %get3A_875 = tpu.vector_load %arg14[%get3A_873, %get3A_874] {strides = array<i32>} : memref<128x128xf32, #tpu.memory_space<vmem>>, vector<16xf32>,
        %get3A_876 = arith.index_cast %add3A_833 : i32 to index
        %get3A_877 = arith.constant 32 : index
        %get3A_878 = tpu.vector_load %arg15[%get3A_876, %get3A_877] {strides = array<i32>} : memref<128x128xf32, #tpu.memory_space<vmem>>, vector<16xf32>,
        %add3A_879 = arith.addf %get3A_872, %get3A_875 : vector<16xf32>
        %sub3A_880 = arith.subf %add3A_879, %get3A_878 : vector<16xf32>
        %mul3A_881 = arith.mulf %sub3A_880, %sub3A_880 : vector<16xf32>
        %add3A_882 = arith.addf %add3A_863, %mul3A_881 : vector<16xf32>
        %mul3A_883 = arith.mulf %get3A_872, %get3A_872 : vector<16xf32>
        %add3A_884 = arith.addf %add3A_865, %mul3A_883 : vector<16xf32>
        %mul3A_885 = arith.mulf %get3A_878, %get3A_878 : vector<16xf32>
        %add3A_886 = arith.addf %add3A_867, %mul3A_885 : vector<16xf32>
        %mul3A_887 = arith.mulf %get3A_875, %get3A_875 : vector<16xf32>
        %add3A_888 = arith.addf %add3A_869, %mul3A_887 : vector<16xf32>
        %get3A_889 = arith.index_cast %add3A_833 : i32 to index
        %get3A_890 = arith.constant 48 : index
        %get3A_891 = tpu.vector_load %arg13[%get3A_889, %get3A_890] {strides = array<i32>} : memref<128x128xf32, #tpu.memory_space<vmem>>, vector<16xf32>,
        %get3A_892 = arith.index_cast %add3A_833 : i32 to index
        %get3A_893 = arith.constant 48 : index
        %get3A_894 = tpu.vector_load %arg14[%get3A_892, %get3A_893] {strides = array<i32>} : memref<128x128xf32, #tpu.memory_space<vmem>>, vector<16xf32>,
        %get3A_895 = arith.index_cast %add3A_833 : i32 to index
        %get3A_896 = arith.constant 48 : index
        %get3A_897 = tpu.vector_load %arg15[%get3A_895, %get3A_896] {strides = array<i32>} : memref<128x128xf32, #tpu.memory_space<vmem>>, vector<16xf32>,
        %add3A_898 = arith.addf %get3A_891, %get3A_894 : vector<16xf32>
        %sub3A_899 = arith.subf %add3A_898, %get3A_897 : vector<16xf32>
        %mul3A_900 = arith.mulf %sub3A_899, %sub3A_899 : vector<16xf32>
        %add3A_901 = arith.addf %add3A_882, %mul3A_900 : vector<16xf32>
        %mul3A_902 = arith.mulf %get3A_891, %get3A_891 : vector<16xf32>
        %add3A_903 = arith.addf %add3A_884, %mul3A_902 : vector<16xf32>
        %mul3A_904 = arith.mulf %get3A_897, %get3A_897 : vector<16xf32>
        %add3A_905 = arith.addf %add3A_886, %mul3A_904 : vector<16xf32>
        %mul3A_906 = arith.mulf %get3A_894, %get3A_894 : vector<16xf32>
        %add3A_907 = arith.addf %add3A_888, %mul3A_906 : vector<16xf32>
        %get3A_908 = arith.index_cast %add3A_833 : i32 to index
        %get3A_909 = arith.constant 64 : index
        %get3A_910 = tpu.vector_load %arg13[%get3A_908, %get3A_909] {strides = array<i32>} : memref<128x128xf32, #tpu.memory_space<vmem>>, vector<16xf32>,
        %get3A_911 = arith.index_cast %add3A_833 : i32 to index
        %get3A_912 = arith.constant 64 : index
        %get3A_913 = tpu.vector_load %arg14[%get3A_911, %get3A_912] {strides = array<i32>} : memref<128x128xf32, #tpu.memory_space<vmem>>, vector<16xf32>,
        %get3A_914 = arith.index_cast %add3A_833 : i32 to index
        %get3A_915 = arith.constant 64 : index
        %get3A_916 = tpu.vector_load %arg15[%get3A_914, %get3A_915] {strides = array<i32>} : memref<128x128xf32, #tpu.memory_space<vmem>>, vector<16xf32>,
        %add3A_917 = arith.addf %get3A_910, %get3A_913 : vector<16xf32>
        %sub3A_918 = arith.subf %add3A_917, %get3A_916 : vector<16xf32>
        %mul3A_919 = arith.mulf %sub3A_918, %sub3A_918 : vector<16xf32>
        %add3A_920 = arith.addf %add3A_901, %mul3A_919 : vector<16xf32>
        %mul3A_921 = arith.mulf %get3A_910, %get3A_910 : vector<16xf32>
        %add3A_922 = arith.addf %add3A_903, %mul3A_921 : vector<16xf32>
        %mul3A_923 = arith.mulf %get3A_916, %get3A_916 : vector<16xf32>
        %add3A_924 = arith.addf %add3A_905, %mul3A_923 : vector<16xf32>
        %mul3A_925 = arith.mulf %get3A_913, %get3A_913 : vector<16xf32>
        %add3A_926 = arith.addf %add3A_907, %mul3A_925 : vector<16xf32>
        %get3A_927 = arith.index_cast %add3A_833 : i32 to index
        %get3A_928 = arith.constant 80 : index
        %get3A_929 = tpu.vector_load %arg13[%get3A_927, %get3A_928] {strides = array<i32>} : memref<128x128xf32, #tpu.memory_space<vmem>>, vector<16xf32>,
        %get3A_930 = arith.index_cast %add3A_833 : i32 to index
        %get3A_931 = arith.constant 80 : index
        %get3A_932 = tpu.vector_load %arg14[%get3A_930, %get3A_931] {strides = array<i32>} : memref<128x128xf32, #tpu.memory_space<vmem>>, vector<16xf32>,
        %get3A_933 = arith.index_cast %add3A_833 : i32 to index
        %get3A_934 = arith.constant 80 : index
        %get3A_935 = tpu.vector_load %arg15[%get3A_933, %get3A_934] {strides = array<i32>} : memref<128x128xf32, #tpu.memory_space<vmem>>, vector<16xf32>,
        %add3A_936 = arith.addf %get3A_929, %get3A_932 : vector<16xf32>
        %sub3A_937 = arith.subf %add3A_936, %get3A_935 : vector<16xf32>
        %mul3A_938 = arith.mulf %sub3A_937, %sub3A_937 : vector<16xf32>
        %add3A_939 = arith.addf %add3A_920, %mul3A_938 : vector<16xf32>
        %mul3A_940 = arith.mulf %get3A_929, %get3A_929 : vector<16xf32>
        %add3A_941 = arith.addf %add3A_922, %mul3A_940 : vector<16xf32>
        %mul3A_942 = arith.mulf %get3A_935, %get3A_935 : vector<16xf32>
        %add3A_943 = arith.addf %add3A_924, %mul3A_942 : vector<16xf32>
        %mul3A_944 = arith.mulf %get3A_932, %get3A_932 : vector<16xf32>
        %add3A_945 = arith.addf %add3A_926, %mul3A_944 : vector<16xf32>
        %get3A_946 = arith.index_cast %add3A_833 : i32 to index
        %get3A_947 = arith.constant 96 : index
        %get3A_948 = tpu.vector_load %arg13[%get3A_946, %get3A_947] {strides = array<i32>} : memref<128x128xf32, #tpu.memory_space<vmem>>, vector<16xf32>,
        %get3A_949 = arith.index_cast %add3A_833 : i32 to index
        %get3A_950 = arith.constant 96 : index
        %get3A_951 = tpu.vector_load %arg14[%get3A_949, %get3A_950] {strides = array<i32>} : memref<128x128xf32, #tpu.memory_space<vmem>>, vector<16xf32>,
        %get3A_952 = arith.index_cast %add3A_833 : i32 to index
        %get3A_953 = arith.constant 96 : index
        %get3A_954 = tpu.vector_load %arg15[%get3A_952, %get3A_953] {strides = array<i32>} : memref<128x128xf32, #tpu.memory_space<vmem>>, vector<16xf32>,
        %add3A_955 = arith.addf %get3A_948, %get3A_951 : vector<16xf32>
        %sub3A_956 = arith.subf %add3A_955, %get3A_954 : vector<16xf32>
        %mul3A_957 = arith.mulf %sub3A_956, %sub3A_956 : vector<16xf32>
        %add3A_958 = arith.addf %add3A_939, %mul3A_957 : vector<16xf32>
        %mul3A_959 = arith.mulf %get3A_948, %get3A_948 : vector<16xf32>
        %add3A_960 = arith.addf %add3A_941, %mul3A_959 : vector<16xf32>
        %mul3A_961 = arith.mulf %get3A_954, %get3A_954 : vector<16xf32>
        %add3A_962 = arith.addf %add3A_943, %mul3A_961 : vector<16xf32>
        %mul3A_963 = arith.mulf %get3A_951, %get3A_951 : vector<16xf32>
        %add3A_964 = arith.addf %add3A_945, %mul3A_963 : vector<16xf32>
        %get3A_965 = arith.index_cast %add3A_833 : i32 to index
        %get3A_966 = arith.constant 112 : index
        %get3A_967 = tpu.vector_load %arg13[%get3A_965, %get3A_966] {strides = array<i32>} : memref<128x128xf32, #tpu.memory_space<vmem>>, vector<16xf32>,
        %get3A_968 = arith.index_cast %add3A_833 : i32 to index
        %get3A_969 = arith.constant 112 : index
        %get3A_970 = tpu.vector_load %arg14[%get3A_968, %get3A_969] {strides = array<i32>} : memref<128x128xf32, #tpu.memory_space<vmem>>, vector<16xf32>,
        %get3A_971 = arith.index_cast %add3A_833 : i32 to index
        %get3A_972 = arith.constant 112 : index
        %get3A_973 = tpu.vector_load %arg15[%get3A_971, %get3A_972] {strides = array<i32>} : memref<128x128xf32, #tpu.memory_space<vmem>>, vector<16xf32>,
        %add3A_974 = arith.addf %get3A_967, %get3A_970 : vector<16xf32>
        %sub3A_975 = arith.subf %add3A_974, %get3A_973 : vector<16xf32>
        %mul3A_976 = arith.mulf %sub3A_975, %sub3A_975 : vector<16xf32>
        %add3A_977 = arith.addf %add3A_958, %mul3A_976 : vector<16xf32>
        %mul3A_978 = arith.mulf %get3A_967, %get3A_967 : vector<16xf32>
        %add3A_979 = arith.addf %add3A_960, %mul3A_978 : vector<16xf32>
        %mul3A_980 = arith.mulf %get3A_973, %get3A_973 : vector<16xf32>
        %add3A_981 = arith.addf %add3A_962, %mul3A_980 : vector<16xf32>
        %mul3A_982 = arith.mulf %get3A_970, %get3A_970 : vector<16xf32>
        %add3A_983 = arith.addf %add3A_964, %mul3A_982 : vector<16xf32>
        %mul3A_984 = arith.constant 17 : i32
        %mul3A_985 = arith.muli %scan3A_830, %mul3A_984 : i32
        %swap3A_986 = arith.index_cast %mul3A_985 : i32 to index
        %swap3A_987 = tpu.vector_load %arg25[%swap3A_986] {strides = array<i32>} : memref<272xf32, #tpu.memory_space<vmem>>, vector<16xf32>,
        tpu.vector_store %arg25[%swap3A_986], %add3A_977 {strides = array<i32>} : memref<272xf32, #tpu.memory_space<vmem>>, vector<16xf32>,
        %swap3A_988 = arith.index_cast %mul3A_985 : i32 to index
        %swap3A_989 = tpu.vector_load %arg26[%swap3A_988] {strides = array<i32>} : memref<272xf32, #tpu.memory_space<vmem>>, vector<16xf32>,
        tpu.vector_store %arg26[%swap3A_988], %add3A_979 {strides = array<i32>} : memref<272xf32, #tpu.memory_space<vmem>>, vector<16xf32>,
        %swap3A_990 = arith.index_cast %mul3A_985 : i32 to index
        %swap3A_991 = tpu.vector_load %arg27[%swap3A_990] {strides = array<i32>} : memref<272xf32, #tpu.memory_space<vmem>>, vector<16xf32>,
        tpu.vector_store %arg27[%swap3A_990], %add3A_981 {strides = array<i32>} : memref<272xf32, #tpu.memory_space<vmem>>, vector<16xf32>,
        %swap3A_992 = arith.index_cast %mul3A_985 : i32 to index
        %swap3A_993 = tpu.vector_load %arg28[%swap3A_992] {strides = array<i32>} : memref<272xf32, #tpu.memory_space<vmem>>, vector<16xf32>,
        tpu.vector_store %arg28[%swap3A_992], %add3A_983 {strides = array<i32>} : memref<272xf32, #tpu.memory_space<vmem>>, vector<16xf32>,
      }
      %scan3A_496 = arith.constant 16 : i32
      %mul3A_497 = arith.constant 16 : i32
      %mul3A_498 = arith.muli %scan3A_491, %mul3A_497 : i32
      %gather3A = tpu.vector_load_idx %arg25[%mul3A_6] : memref<272xf32, #tpu.memory_space<vmem>>[vector<16xi32>], vector<16xf32>,
      %add3A_499 = arith.constant 1 : i32
      %add3A_500 = vector.broadcast %add3A_499 : i32 to vector<16xi32>
      %add3A_501 = arith.addi %mul3A_6, %add3A_500 : vector<16xi32>
      %gather3A_502 = tpu.vector_load_idx %arg25[%add3A_501] : memref<272xf32, #tpu.memory_space<vmem>>[vector<16xi32>], vector<16xf32>,
      %add3A_503 = arith.addf %gather3A, %gather3A_502 : vector<16xf32>
      %add3A_504 = arith.constant 2 : i32
      %add3A_505 = vector.broadcast %add3A_504 : i32 to vector<16xi32>
      %add3A_506 = arith.addi %mul3A_6, %add3A_505 : vector<16xi32>
      %gather3A_507 = tpu.vector_load_idx %arg25[%add3A_506] : memref<272xf32, #tpu.memory_space<vmem>>[vector<16xi32>], vector<16xf32>,
      %add3A_508 = arith.addf %add3A_503, %gather3A_507 : vector<16xf32>
      %add3A_509 = arith.constant 3 : i32
      %add3A_510 = vector.broadcast %add3A_509 : i32 to vector<16xi32>
      %add3A_511 = arith.addi %mul3A_6, %add3A_510 : vector<16xi32>
      %gather3A_512 = tpu.vector_load_idx %arg25[%add3A_511] : memref<272xf32, #tpu.memory_space<vmem>>[vector<16xi32>], vector<16xf32>,
      %add3A_513 = arith.addf %add3A_508, %gather3A_512 : vector<16xf32>
      %add3A_514 = arith.constant 4 : i32
      %add3A_515 = vector.broadcast %add3A_514 : i32 to vector<16xi32>
      %add3A_516 = arith.addi %mul3A_6, %add3A_515 : vector<16xi32>
      %gather3A_517 = tpu.vector_load_idx %arg25[%add3A_516] : memref<272xf32, #tpu.memory_space<vmem>>[vector<16xi32>], vector<16xf32>,
      %add3A_518 = arith.addf %add3A_513, %gather3A_517 : vector<16xf32>
      %add3A_519 = arith.constant 5 : i32
      %add3A_520 = vector.broadcast %add3A_519 : i32 to vector<16xi32>
      %add3A_521 = arith.addi %mul3A_6, %add3A_520 : vector<16xi32>
      %gather3A_522 = tpu.vector_load_idx %arg25[%add3A_521] : memref<272xf32, #tpu.memory_space<vmem>>[vector<16xi32>], vector<16xf32>,
      %add3A_523 = arith.addf %add3A_518, %gather3A_522 : vector<16xf32>
      %add3A_524 = arith.constant 6 : i32
      %add3A_525 = vector.broadcast %add3A_524 : i32 to vector<16xi32>
      %add3A_526 = arith.addi %mul3A_6, %add3A_525 : vector<16xi32>
      %gather3A_527 = tpu.vector_load_idx %arg25[%add3A_526] : memref<272xf32, #tpu.memory_space<vmem>>[vector<16xi32>], vector<16xf32>,
      %add3A_528 = arith.addf %add3A_523, %gather3A_527 : vector<16xf32>
      %add3A_529 = arith.constant 7 : i32
      %add3A_530 = vector.broadcast %add3A_529 : i32 to vector<16xi32>
      %add3A_531 = arith.addi %mul3A_6, %add3A_530 : vector<16xi32>
      %gather3A_532 = tpu.vector_load_idx %arg25[%add3A_531] : memref<272xf32, #tpu.memory_space<vmem>>[vector<16xi32>], vector<16xf32>,
      %add3A_533 = arith.addf %add3A_528, %gather3A_532 : vector<16xf32>
      %add3A_534 = arith.constant 8 : i32
      %add3A_535 = vector.broadcast %add3A_534 : i32 to vector<16xi32>
      %add3A_536 = arith.addi %mul3A_6, %add3A_535 : vector<16xi32>
      %gather3A_537 = tpu.vector_load_idx %arg25[%add3A_536] : memref<272xf32, #tpu.memory_space<vmem>>[vector<16xi32>], vector<16xf32>,
      %add3A_538 = arith.addf %add3A_533, %gather3A_537 : vector<16xf32>
      %add3A_539 = arith.constant 9 : i32
      %add3A_540 = vector.broadcast %add3A_539 : i32 to vector<16xi32>
      %add3A_541 = arith.addi %mul3A_6, %add3A_540 : vector<16xi32>
      %gather3A_542 = tpu.vector_load_idx %arg25[%add3A_541] : memref<272xf32, #tpu.memory_space<vmem>>[vector<16xi32>], vector<16xf32>,
      %add3A_543 = arith.addf %add3A_538, %gather3A_542 : vector<16xf32>
      %add3A_544 = arith.constant 10 : i32
      %add3A_545 = vector.broadcast %add3A_544 : i32 to vector<16xi32>
      %add3A_546 = arith.addi %mul3A_6, %add3A_545 : vector<16xi32>
      %gather3A_547 = tpu.vector_load_idx %arg25[%add3A_546] : memref<272xf32, #tpu.memory_space<vmem>>[vector<16xi32>], vector<16xf32>,
      %add3A_548 = arith.addf %add3A_543, %gather3A_547 : vector<16xf32>
      %add3A_549 = arith.constant 11 : i32
      %add3A_550 = vector.broadcast %add3A_549 : i32 to vector<16xi32>
      %add3A_551 = arith.addi %mul3A_6, %add3A_550 : vector<16xi32>
      %gather3A_552 = tpu.vector_load_idx %arg25[%add3A_551] : memref<272xf32, #tpu.memory_space<vmem>>[vector<16xi32>], vector<16xf32>,
      %add3A_553 = arith.addf %add3A_548, %gather3A_552 : vector<16xf32>
      %add3A_554 = arith.constant 12 : i32
      %add3A_555 = vector.broadcast %add3A_554 : i32 to vector<16xi32>
      %add3A_556 = arith.addi %mul3A_6, %add3A_555 : vector<16xi32>
      %gather3A_557 = tpu.vector_load_idx %arg25[%add3A_556] : memref<272xf32, #tpu.memory_space<vmem>>[vector<16xi32>], vector<16xf32>,
      %add3A_558 = arith.addf %add3A_553, %gather3A_557 : vector<16xf32>
      %add3A_559 = arith.constant 13 : i32
      %add3A_560 = vector.broadcast %add3A_559 : i32 to vector<16xi32>
      %add3A_561 = arith.addi %mul3A_6, %add3A_560 : vector<16xi32>
      %gather3A_562 = tpu.vector_load_idx %arg25[%add3A_561] : memref<272xf32, #tpu.memory_space<vmem>>[vector<16xi32>], vector<16xf32>,
      %add3A_563 = arith.addf %add3A_558, %gather3A_562 : vector<16xf32>
      %add3A_564 = arith.constant 14 : i32
      %add3A_565 = vector.broadcast %add3A_564 : i32 to vector<16xi32>
      %add3A_566 = arith.addi %mul3A_6, %add3A_565 : vector<16xi32>
      %gather3A_567 = tpu.vector_load_idx %arg25[%add3A_566] : memref<272xf32, #tpu.memory_space<vmem>>[vector<16xi32>], vector<16xf32>,
      %add3A_568 = arith.addf %add3A_563, %gather3A_567 : vector<16xf32>
      %add3A_569 = arith.constant 15 : i32
      %add3A_570 = vector.broadcast %add3A_569 : i32 to vector<16xi32>
      %add3A_571 = arith.addi %mul3A_6, %add3A_570 : vector<16xi32>
      %gather3A_572 = tpu.vector_load_idx %arg25[%add3A_571] : memref<272xf32, #tpu.memory_space<vmem>>[vector<16xi32>], vector<16xf32>,
      %add3A_573 = arith.addf %add3A_568, %gather3A_572 : vector<16xf32>
      %bitcast3A = vector.bitcast %add3A_573 : vector<16xf32> to vector<16xi32>
      %shift_right_arithmetic3A = arith.constant 1 : i32
      %shift_right_arithmetic3A_574 = vector.broadcast %shift_right_arithmetic3A : i32 to vector<16xi32>
      %shift_right_arithmetic3A_575 = arith.shrsi %bitcast3A, %shift_right_arithmetic3A_574 : vector<16xi32>
      %add3A_576 = arith.constant 532487669 : i32
      %add3A_577 = vector.broadcast %add3A_576 : i32 to vector<16xi32>
      %add3A_578 = arith.addi %add3A_577, %shift_right_arithmetic3A_575 : vector<16xi32>
      %bitcast3A_579 = vector.bitcast %add3A_578 : vector<16xi32> to vector<16xf32>
      %div3A = arith.divf %add3A_573, %bitcast3A_579 : vector<16xf32>
      %add3A_580 = arith.addf %bitcast3A_579, %div3A : vector<16xf32>
      %mul3A_581 = arith.constant 5.000000e-01 : f32
      %mul3A_582 = vector.broadcast %mul3A_581 : f32 to vector<16xf32>
      %mul3A_583 = arith.mulf %mul3A_582, %add3A_580 : vector<16xf32>
      %div3A_584 = arith.divf %add3A_573, %mul3A_583 : vector<16xf32>
      %add3A_585 = arith.addf %mul3A_583, %div3A_584 : vector<16xf32>
      %mul3A_586 = arith.constant 5.000000e-01 : f32
      %mul3A_587 = vector.broadcast %mul3A_586 : f32 to vector<16xf32>
      %mul3A_588 = arith.mulf %mul3A_587, %add3A_585 : vector<16xf32>
      %div3A_589 = arith.divf %add3A_573, %mul3A_588 : vector<16xf32>
      %add3A_590 = arith.addf %mul3A_588, %div3A_589 : vector<16xf32>
      %mul3A_591 = arith.constant 5.000000e-01 : f32
      %mul3A_592 = vector.broadcast %mul3A_591 : f32 to vector<16xf32>
      %mul3A_593 = arith.mulf %mul3A_592, %add3A_590 : vector<16xf32>
      %swap3A_594 = arith.index_cast %mul3A_498 : i32 to index
      %swap3A_595 = tpu.vector_load %arg24[%swap3A_594] {strides = array<i32>} : memref<128xf32, #tpu.memory_space<vmem>>, vector<16xf32>,
      tpu.vector_store %arg24[%swap3A_594], %mul3A_593 {strides = array<i32>} : memref<128xf32, #tpu.memory_space<vmem>>, vector<16xf32>,
      %gather3A_596 = tpu.vector_load_idx %arg26[%mul3A_6] : memref<272xf32, #tpu.memory_space<vmem>>[vector<16xi32>], vector<16xf32>,
      %add3A_597 = arith.constant 1 : i32
      %add3A_598 = vector.broadcast %add3A_597 : i32 to vector<16xi32>
      %add3A_599 = arith.addi %mul3A_6, %add3A_598 : vector<16xi32>
      %gather3A_600 = tpu.vector_load_idx %arg26[%add3A_599] : memref<272xf32, #tpu.memory_space<vmem>>[vector<16xi32>], vector<16xf32>,
      %add3A_601 = arith.addf %gather3A_596, %gather3A_600 : vector<16xf32>
      %add3A_602 = arith.constant 2 : i32
      %add3A_603 = vector.broadcast %add3A_602 : i32 to vector<16xi32>
      %add3A_604 = arith.addi %mul3A_6, %add3A_603 : vector<16xi32>
      %gather3A_605 = tpu.vector_load_idx %arg26[%add3A_604] : memref<272xf32, #tpu.memory_space<vmem>>[vector<16xi32>], vector<16xf32>,
      %add3A_606 = arith.addf %add3A_601, %gather3A_605 : vector<16xf32>
      %add3A_607 = arith.constant 3 : i32
      %add3A_608 = vector.broadcast %add3A_607 : i32 to vector<16xi32>
      %add3A_609 = arith.addi %mul3A_6, %add3A_608 : vector<16xi32>
      %gather3A_610 = tpu.vector_load_idx %arg26[%add3A_609] : memref<272xf32, #tpu.memory_space<vmem>>[vector<16xi32>], vector<16xf32>,
      %add3A_611 = arith.addf %add3A_606, %gather3A_610 : vector<16xf32>
      %add3A_612 = arith.constant 4 : i32
      %add3A_613 = vector.broadcast %add3A_612 : i32 to vector<16xi32>
      %add3A_614 = arith.addi %mul3A_6, %add3A_613 : vector<16xi32>
      %gather3A_615 = tpu.vector_load_idx %arg26[%add3A_614] : memref<272xf32, #tpu.memory_space<vmem>>[vector<16xi32>], vector<16xf32>,
      %add3A_616 = arith.addf %add3A_611, %gather3A_615 : vector<16xf32>
      %add3A_617 = arith.constant 5 : i32
      %add3A_618 = vector.broadcast %add3A_617 : i32 to vector<16xi32>
      %add3A_619 = arith.addi %mul3A_6, %add3A_618 : vector<16xi32>
      %gather3A_620 = tpu.vector_load_idx %arg26[%add3A_619] : memref<272xf32, #tpu.memory_space<vmem>>[vector<16xi32>], vector<16xf32>,
      %add3A_621 = arith.addf %add3A_616, %gather3A_620 : vector<16xf32>
      %add3A_622 = arith.constant 6 : i32
      %add3A_623 = vector.broadcast %add3A_622 : i32 to vector<16xi32>
      %add3A_624 = arith.addi %mul3A_6, %add3A_623 : vector<16xi32>
      %gather3A_625 = tpu.vector_load_idx %arg26[%add3A_624] : memref<272xf32, #tpu.memory_space<vmem>>[vector<16xi32>], vector<16xf32>,
      %add3A_626 = arith.addf %add3A_621, %gather3A_625 : vector<16xf32>
      %add3A_627 = arith.constant 7 : i32
      %add3A_628 = vector.broadcast %add3A_627 : i32 to vector<16xi32>
      %add3A_629 = arith.addi %mul3A_6, %add3A_628 : vector<16xi32>
      %gather3A_630 = tpu.vector_load_idx %arg26[%add3A_629] : memref<272xf32, #tpu.memory_space<vmem>>[vector<16xi32>], vector<16xf32>,
      %add3A_631 = arith.addf %add3A_626, %gather3A_630 : vector<16xf32>
      %add3A_632 = arith.constant 8 : i32
      %add3A_633 = vector.broadcast %add3A_632 : i32 to vector<16xi32>
      %add3A_634 = arith.addi %mul3A_6, %add3A_633 : vector<16xi32>
      %gather3A_635 = tpu.vector_load_idx %arg26[%add3A_634] : memref<272xf32, #tpu.memory_space<vmem>>[vector<16xi32>], vector<16xf32>,
      %add3A_636 = arith.addf %add3A_631, %gather3A_635 : vector<16xf32>
      %add3A_637 = arith.constant 9 : i32
      %add3A_638 = vector.broadcast %add3A_637 : i32 to vector<16xi32>
      %add3A_639 = arith.addi %mul3A_6, %add3A_638 : vector<16xi32>
      %gather3A_640 = tpu.vector_load_idx %arg26[%add3A_639] : memref<272xf32, #tpu.memory_space<vmem>>[vector<16xi32>], vector<16xf32>,
      %add3A_641 = arith.addf %add3A_636, %gather3A_640 : vector<16xf32>
      %add3A_642 = arith.constant 10 : i32
      %add3A_643 = vector.broadcast %add3A_642 : i32 to vector<16xi32>
      %add3A_644 = arith.addi %mul3A_6, %add3A_643 : vector<16xi32>
      %gather3A_645 = tpu.vector_load_idx %arg26[%add3A_644] : memref<272xf32, #tpu.memory_space<vmem>>[vector<16xi32>], vector<16xf32>,
      %add3A_646 = arith.addf %add3A_641, %gather3A_645 : vector<16xf32>
      %add3A_647 = arith.constant 11 : i32
      %add3A_648 = vector.broadcast %add3A_647 : i32 to vector<16xi32>
      %add3A_649 = arith.addi %mul3A_6, %add3A_648 : vector<16xi32>
      %gather3A_650 = tpu.vector_load_idx %arg26[%add3A_649] : memref<272xf32, #tpu.memory_space<vmem>>[vector<16xi32>], vector<16xf32>,
      %add3A_651 = arith.addf %add3A_646, %gather3A_650 : vector<16xf32>
      %add3A_652 = arith.constant 12 : i32
      %add3A_653 = vector.broadcast %add3A_652 : i32 to vector<16xi32>
      %add3A_654 = arith.addi %mul3A_6, %add3A_653 : vector<16xi32>
      %gather3A_655 = tpu.vector_load_idx %arg26[%add3A_654] : memref<272xf32, #tpu.memory_space<vmem>>[vector<16xi32>], vector<16xf32>,
      %add3A_656 = arith.addf %add3A_651, %gather3A_655 : vector<16xf32>
      %add3A_657 = arith.constant 13 : i32
      %add3A_658 = vector.broadcast %add3A_657 : i32 to vector<16xi32>
      %add3A_659 = arith.addi %mul3A_6, %add3A_658 : vector<16xi32>
      %gather3A_660 = tpu.vector_load_idx %arg26[%add3A_659] : memref<272xf32, #tpu.memory_space<vmem>>[vector<16xi32>], vector<16xf32>,
      %add3A_661 = arith.addf %add3A_656, %gather3A_660 : vector<16xf32>
      %add3A_662 = arith.constant 14 : i32
      %add3A_663 = vector.broadcast %add3A_662 : i32 to vector<16xi32>
      %add3A_664 = arith.addi %mul3A_6, %add3A_663 : vector<16xi32>
      %gather3A_665 = tpu.vector_load_idx %arg26[%add3A_664] : memref<272xf32, #tpu.memory_space<vmem>>[vector<16xi32>], vector<16xf32>,
      %add3A_666 = arith.addf %add3A_661, %gather3A_665 : vector<16xf32>
      %add3A_667 = arith.constant 15 : i32
      %add3A_668 = vector.broadcast %add3A_667 : i32 to vector<16xi32>
      %add3A_669 = arith.addi %mul3A_6, %add3A_668 : vector<16xi32>
      %gather3A_670 = tpu.vector_load_idx %arg26[%add3A_669] : memref<272xf32, #tpu.memory_space<vmem>>[vector<16xi32>], vector<16xf32>,
      %add3A_671 = arith.addf %add3A_666, %gather3A_670 : vector<16xf32>
      %swap3A_672 = arith.index_cast %mul3A_498 : i32 to index
      %swap3A_673 = tpu.vector_load %arg19[%swap3A_672] {strides = array<i32>} : memref<128xf32, #tpu.memory_space<vmem>>, vector<16xf32>,
      tpu.vector_store %arg19[%swap3A_672], %add3A_671 {strides = array<i32>} : memref<128xf32, #tpu.memory_space<vmem>>, vector<16xf32>,
      %gather3A_674 = tpu.vector_load_idx %arg27[%mul3A_6] : memref<272xf32, #tpu.memory_space<vmem>>[vector<16xi32>], vector<16xf32>,
      %add3A_675 = arith.constant 1 : i32
      %add3A_676 = vector.broadcast %add3A_675 : i32 to vector<16xi32>
      %add3A_677 = arith.addi %mul3A_6, %add3A_676 : vector<16xi32>
      %gather3A_678 = tpu.vector_load_idx %arg27[%add3A_677] : memref<272xf32, #tpu.memory_space<vmem>>[vector<16xi32>], vector<16xf32>,
      %add3A_679 = arith.addf %gather3A_674, %gather3A_678 : vector<16xf32>
      %add3A_680 = arith.constant 2 : i32
      %add3A_681 = vector.broadcast %add3A_680 : i32 to vector<16xi32>
      %add3A_682 = arith.addi %mul3A_6, %add3A_681 : vector<16xi32>
      %gather3A_683 = tpu.vector_load_idx %arg27[%add3A_682] : memref<272xf32, #tpu.memory_space<vmem>>[vector<16xi32>], vector<16xf32>,
      %add3A_684 = arith.addf %add3A_679, %gather3A_683 : vector<16xf32>
      %add3A_685 = arith.constant 3 : i32
      %add3A_686 = vector.broadcast %add3A_685 : i32 to vector<16xi32>
      %add3A_687 = arith.addi %mul3A_6, %add3A_686 : vector<16xi32>
      %gather3A_688 = tpu.vector_load_idx %arg27[%add3A_687] : memref<272xf32, #tpu.memory_space<vmem>>[vector<16xi32>], vector<16xf32>,
      %add3A_689 = arith.addf %add3A_684, %gather3A_688 : vector<16xf32>
      %add3A_690 = arith.constant 4 : i32
      %add3A_691 = vector.broadcast %add3A_690 : i32 to vector<16xi32>
      %add3A_692 = arith.addi %mul3A_6, %add3A_691 : vector<16xi32>
      %gather3A_693 = tpu.vector_load_idx %arg27[%add3A_692] : memref<272xf32, #tpu.memory_space<vmem>>[vector<16xi32>], vector<16xf32>,
      %add3A_694 = arith.addf %add3A_689, %gather3A_693 : vector<16xf32>
      %add3A_695 = arith.constant 5 : i32
      %add3A_696 = vector.broadcast %add3A_695 : i32 to vector<16xi32>
      %add3A_697 = arith.addi %mul3A_6, %add3A_696 : vector<16xi32>
      %gather3A_698 = tpu.vector_load_idx %arg27[%add3A_697] : memref<272xf32, #tpu.memory_space<vmem>>[vector<16xi32>], vector<16xf32>,
      %add3A_699 = arith.addf %add3A_694, %gather3A_698 : vector<16xf32>
      %add3A_700 = arith.constant 6 : i32
      %add3A_701 = vector.broadcast %add3A_700 : i32 to vector<16xi32>
      %add3A_702 = arith.addi %mul3A_6, %add3A_701 : vector<16xi32>
      %gather3A_703 = tpu.vector_load_idx %arg27[%add3A_702] : memref<272xf32, #tpu.memory_space<vmem>>[vector<16xi32>], vector<16xf32>,
      %add3A_704 = arith.addf %add3A_699, %gather3A_703 : vector<16xf32>
      %add3A_705 = arith.constant 7 : i32
      %add3A_706 = vector.broadcast %add3A_705 : i32 to vector<16xi32>
      %add3A_707 = arith.addi %mul3A_6, %add3A_706 : vector<16xi32>
      %gather3A_708 = tpu.vector_load_idx %arg27[%add3A_707] : memref<272xf32, #tpu.memory_space<vmem>>[vector<16xi32>], vector<16xf32>,
      %add3A_709 = arith.addf %add3A_704, %gather3A_708 : vector<16xf32>
      %add3A_710 = arith.constant 8 : i32
      %add3A_711 = vector.broadcast %add3A_710 : i32 to vector<16xi32>
      %add3A_712 = arith.addi %mul3A_6, %add3A_711 : vector<16xi32>
      %gather3A_713 = tpu.vector_load_idx %arg27[%add3A_712] : memref<272xf32, #tpu.memory_space<vmem>>[vector<16xi32>], vector<16xf32>,
      %add3A_714 = arith.addf %add3A_709, %gather3A_713 : vector<16xf32>
      %add3A_715 = arith.constant 9 : i32
      %add3A_716 = vector.broadcast %add3A_715 : i32 to vector<16xi32>
      %add3A_717 = arith.addi %mul3A_6, %add3A_716 : vector<16xi32>
      %gather3A_718 = tpu.vector_load_idx %arg27[%add3A_717] : memref<272xf32, #tpu.memory_space<vmem>>[vector<16xi32>], vector<16xf32>,
      %add3A_719 = arith.addf %add3A_714, %gather3A_718 : vector<16xf32>
      %add3A_720 = arith.constant 10 : i32
      %add3A_721 = vector.broadcast %add3A_720 : i32 to vector<16xi32>
      %add3A_722 = arith.addi %mul3A_6, %add3A_721 : vector<16xi32>
      %gather3A_723 = tpu.vector_load_idx %arg27[%add3A_722] : memref<272xf32, #tpu.memory_space<vmem>>[vector<16xi32>], vector<16xf32>,
      %add3A_724 = arith.addf %add3A_719, %gather3A_723 : vector<16xf32>
      %add3A_725 = arith.constant 11 : i32
      %add3A_726 = vector.broadcast %add3A_725 : i32 to vector<16xi32>
      %add3A_727 = arith.addi %mul3A_6, %add3A_726 : vector<16xi32>
      %gather3A_728 = tpu.vector_load_idx %arg27[%add3A_727] : memref<272xf32, #tpu.memory_space<vmem>>[vector<16xi32>], vector<16xf32>,
      %add3A_729 = arith.addf %add3A_724, %gather3A_728 : vector<16xf32>
      %add3A_730 = arith.constant 12 : i32
      %add3A_731 = vector.broadcast %add3A_730 : i32 to vector<16xi32>
      %add3A_732 = arith.addi %mul3A_6, %add3A_731 : vector<16xi32>
      %gather3A_733 = tpu.vector_load_idx %arg27[%add3A_732] : memref<272xf32, #tpu.memory_space<vmem>>[vector<16xi32>], vector<16xf32>,
      %add3A_734 = arith.addf %add3A_729, %gather3A_733 : vector<16xf32>
      %add3A_735 = arith.constant 13 : i32
      %add3A_736 = vector.broadcast %add3A_735 : i32 to vector<16xi32>
      %add3A_737 = arith.addi %mul3A_6, %add3A_736 : vector<16xi32>
      %gather3A_738 = tpu.vector_load_idx %arg27[%add3A_737] : memref<272xf32, #tpu.memory_space<vmem>>[vector<16xi32>], vector<16xf32>,
      %add3A_739 = arith.addf %add3A_734, %gather3A_738 : vector<16xf32>
      %add3A_740 = arith.constant 14 : i32
      %add3A_741 = vector.broadcast %add3A_740 : i32 to vector<16xi32>
      %add3A_742 = arith.addi %mul3A_6, %add3A_741 : vector<16xi32>
      %gather3A_743 = tpu.vector_load_idx %arg27[%add3A_742] : memref<272xf32, #tpu.memory_space<vmem>>[vector<16xi32>], vector<16xf32>,
      %add3A_744 = arith.addf %add3A_739, %gather3A_743 : vector<16xf32>
      %add3A_745 = arith.constant 15 : i32
      %add3A_746 = vector.broadcast %add3A_745 : i32 to vector<16xi32>
      %add3A_747 = arith.addi %mul3A_6, %add3A_746 : vector<16xi32>
      %gather3A_748 = tpu.vector_load_idx %arg27[%add3A_747] : memref<272xf32, #tpu.memory_space<vmem>>[vector<16xi32>], vector<16xf32>,
      %add3A_749 = arith.addf %add3A_744, %gather3A_748 : vector<16xf32>
      %swap3A_750 = arith.index_cast %mul3A_498 : i32 to index
      %swap3A_751 = tpu.vector_load %arg20[%swap3A_750] {strides = array<i32>} : memref<128xf32, #tpu.memory_space<vmem>>, vector<16xf32>,
      tpu.vector_store %arg20[%swap3A_750], %add3A_749 {strides = array<i32>} : memref<128xf32, #tpu.memory_space<vmem>>, vector<16xf32>,
      %gather3A_752 = tpu.vector_load_idx %arg28[%mul3A_6] : memref<272xf32, #tpu.memory_space<vmem>>[vector<16xi32>], vector<16xf32>,
      %add3A_753 = arith.constant 1 : i32
      %add3A_754 = vector.broadcast %add3A_753 : i32 to vector<16xi32>
      %add3A_755 = arith.addi %mul3A_6, %add3A_754 : vector<16xi32>
      %gather3A_756 = tpu.vector_load_idx %arg28[%add3A_755] : memref<272xf32, #tpu.memory_space<vmem>>[vector<16xi32>], vector<16xf32>,
      %add3A_757 = arith.addf %gather3A_752, %gather3A_756 : vector<16xf32>
      %add3A_758 = arith.constant 2 : i32
      %add3A_759 = vector.broadcast %add3A_758 : i32 to vector<16xi32>
      %add3A_760 = arith.addi %mul3A_6, %add3A_759 : vector<16xi32>
      %gather3A_761 = tpu.vector_load_idx %arg28[%add3A_760] : memref<272xf32, #tpu.memory_space<vmem>>[vector<16xi32>], vector<16xf32>,
      %add3A_762 = arith.addf %add3A_757, %gather3A_761 : vector<16xf32>
      %add3A_763 = arith.constant 3 : i32
      %add3A_764 = vector.broadcast %add3A_763 : i32 to vector<16xi32>
      %add3A_765 = arith.addi %mul3A_6, %add3A_764 : vector<16xi32>
      %gather3A_766 = tpu.vector_load_idx %arg28[%add3A_765] : memref<272xf32, #tpu.memory_space<vmem>>[vector<16xi32>], vector<16xf32>,
      %add3A_767 = arith.addf %add3A_762, %gather3A_766 : vector<16xf32>
      %add3A_768 = arith.constant 4 : i32
      %add3A_769 = vector.broadcast %add3A_768 : i32 to vector<16xi32>
      %add3A_770 = arith.addi %mul3A_6, %add3A_769 : vector<16xi32>
      %gather3A_771 = tpu.vector_load_idx %arg28[%add3A_770] : memref<272xf32, #tpu.memory_space<vmem>>[vector<16xi32>], vector<16xf32>,
      %add3A_772 = arith.addf %add3A_767, %gather3A_771 : vector<16xf32>
      %add3A_773 = arith.constant 5 : i32
      %add3A_774 = vector.broadcast %add3A_773 : i32 to vector<16xi32>
      %add3A_775 = arith.addi %mul3A_6, %add3A_774 : vector<16xi32>
      %gather3A_776 = tpu.vector_load_idx %arg28[%add3A_775] : memref<272xf32, #tpu.memory_space<vmem>>[vector<16xi32>], vector<16xf32>,
      %add3A_777 = arith.addf %add3A_772, %gather3A_776 : vector<16xf32>
      %add3A_778 = arith.constant 6 : i32
      %add3A_779 = vector.broadcast %add3A_778 : i32 to vector<16xi32>
      %add3A_780 = arith.addi %mul3A_6, %add3A_779 : vector<16xi32>
      %gather3A_781 = tpu.vector_load_idx %arg28[%add3A_780] : memref<272xf32, #tpu.memory_space<vmem>>[vector<16xi32>], vector<16xf32>,
      %add3A_782 = arith.addf %add3A_777, %gather3A_781 : vector<16xf32>
      %add3A_783 = arith.constant 7 : i32
      %add3A_784 = vector.broadcast %add3A_783 : i32 to vector<16xi32>
      %add3A_785 = arith.addi %mul3A_6, %add3A_784 : vector<16xi32>
      %gather3A_786 = tpu.vector_load_idx %arg28[%add3A_785] : memref<272xf32, #tpu.memory_space<vmem>>[vector<16xi32>], vector<16xf32>,
      %add3A_787 = arith.addf %add3A_782, %gather3A_786 : vector<16xf32>
      %add3A_788 = arith.constant 8 : i32
      %add3A_789 = vector.broadcast %add3A_788 : i32 to vector<16xi32>
      %add3A_790 = arith.addi %mul3A_6, %add3A_789 : vector<16xi32>
      %gather3A_791 = tpu.vector_load_idx %arg28[%add3A_790] : memref<272xf32, #tpu.memory_space<vmem>>[vector<16xi32>], vector<16xf32>,
      %add3A_792 = arith.addf %add3A_787, %gather3A_791 : vector<16xf32>
      %add3A_793 = arith.constant 9 : i32
      %add3A_794 = vector.broadcast %add3A_793 : i32 to vector<16xi32>
      %add3A_795 = arith.addi %mul3A_6, %add3A_794 : vector<16xi32>
      %gather3A_796 = tpu.vector_load_idx %arg28[%add3A_795] : memref<272xf32, #tpu.memory_space<vmem>>[vector<16xi32>], vector<16xf32>,
      %add3A_797 = arith.addf %add3A_792, %gather3A_796 : vector<16xf32>
      %add3A_798 = arith.constant 10 : i32
      %add3A_799 = vector.broadcast %add3A_798 : i32 to vector<16xi32>
      %add3A_800 = arith.addi %mul3A_6, %add3A_799 : vector<16xi32>
      %gather3A_801 = tpu.vector_load_idx %arg28[%add3A_800] : memref<272xf32, #tpu.memory_space<vmem>>[vector<16xi32>], vector<16xf32>,
      %add3A_802 = arith.addf %add3A_797, %gather3A_801 : vector<16xf32>
      %add3A_803 = arith.constant 11 : i32
      %add3A_804 = vector.broadcast %add3A_803 : i32 to vector<16xi32>
      %add3A_805 = arith.addi %mul3A_6, %add3A_804 : vector<16xi32>
      %gather3A_806 = tpu.vector_load_idx %arg28[%add3A_805] : memref<272xf32, #tpu.memory_space<vmem>>[vector<16xi32>], vector<16xf32>,
      %add3A_807 = arith.addf %add3A_802, %gather3A_806 : vector<16xf32>
      %add3A_808 = arith.constant 12 : i32
      %add3A_809 = vector.broadcast %add3A_808 : i32 to vector<16xi32>
      %add3A_810 = arith.addi %mul3A_6, %add3A_809 : vector<16xi32>
      %gather3A_811 = tpu.vector_load_idx %arg28[%add3A_810] : memref<272xf32, #tpu.memory_space<vmem>>[vector<16xi32>], vector<16xf32>,
      %add3A_812 = arith.addf %add3A_807, %gather3A_811 : vector<16xf32>
      %add3A_813 = arith.constant 13 : i32
      %add3A_814 = vector.broadcast %add3A_813 : i32 to vector<16xi32>
      %add3A_815 = arith.addi %mul3A_6, %add3A_814 : vector<16xi32>
      %gather3A_816 = tpu.vector_load_idx %arg28[%add3A_815] : memref<272xf32, #tpu.memory_space<vmem>>[vector<16xi32>], vector<16xf32>,
      %add3A_817 = arith.addf %add3A_812, %gather3A_816 : vector<16xf32>
      %add3A_818 = arith.constant 14 : i32
      %add3A_819 = vector.broadcast %add3A_818 : i32 to vector<16xi32>
      %add3A_820 = arith.addi %mul3A_6, %add3A_819 : vector<16xi32>
      %gather3A_821 = tpu.vector_load_idx %arg28[%add3A_820] : memref<272xf32, #tpu.memory_space<vmem>>[vector<16xi32>], vector<16xf32>,
      %add3A_822 = arith.addf %add3A_817, %gather3A_821 : vector<16xf32>
      %add3A_823 = arith.constant 15 : i32
      %add3A_824 = vector.broadcast %add3A_823 : i32 to vector<16xi32>
      %add3A_825 = arith.addi %mul3A_6, %add3A_824 : vector<16xi32>
      %gather3A_826 = tpu.vector_load_idx %arg28[%add3A_825] : memref<272xf32, #tpu.memory_space<vmem>>[vector<16xi32>], vector<16xf32>,
      %add3A_827 = arith.addf %add3A_822, %gather3A_826 : vector<16xf32>
      %swap3A_828 = arith.index_cast %mul3A_498 : i32 to index
      %swap3A_829 = tpu.vector_load %arg21[%swap3A_828] {strides = array<i32>} : memref<128xf32, #tpu.memory_space<vmem>>, vector<16xf32>,
      tpu.vector_store %arg21[%swap3A_828], %add3A_827 {strides = array<i32>} : memref<128xf32, #tpu.memory_space<vmem>>, vector<16xf32>,
    }
    %scan3A_237 = arith.constant 4 : i32
    %dma_wait3A_238 = arith.constant 0 : i32
    %dma_wait3A_239 = arith.constant 64 : i32
    %dma_wait3A_240 = arith.constant 0 : i32
    %dma_wait3A_241 = tpu.memref_slice %arg13[%dma_wait3A_239, %dma_wait3A_240] : memref<128x128xf32, #tpu.memory_space<vmem>> -> memref<64x128xf32, #tpu.memory_space<vmem>>
    %dma_wait3A_242 = arith.constant 64 : i32
    %dma_wait3A_243 = tpu.memref_slice %arg11[%dma_wait3A_238, %dma_wait3A_242] : memref<3x128xi32, #tpu.memory_space<vmem>> -> memref<1x64xi32, #tpu.memory_space<vmem>>
    %dma_wait3A_244 = tpu.memref_squeeze %dma_wait3A_243 : memref<1x64xi32, #tpu.memory_space<vmem>> -> memref<64xi32, #tpu.memory_space<vmem>>
    %dma_wait3A_245 = arith.constant 0 : i32
    %dma_wait3A_246 = arith.constant 0 : i32
    %dma_wait3A_247 = tpu.memref_slice %arg4[%dma_wait3A_245, %dma_wait3A_246] : memref<100000x128xf32, #tpu.memory_space<hbm>> -> memref<100000x128xf32, #tpu.memory_space<hbm>>
    tpu.wait_indirect_dma semaphore(%arg40 : memref<!tpu.dma_semaphore, #tpu.memory_space<semaphore_mem>>) src(%dma_wait3A_247 : memref<100000x128xf32, #tpu.memory_space<hbm>>) dst(%dma_wait3A_241 : memref<64x128xf32, #tpu.memory_space<vmem>>)
    %dma_wait3A_248 = arith.constant 1 : i32
    %dma_wait3A_249 = arith.constant 64 : i32
    %dma_wait3A_250 = arith.constant 0 : i32
    %dma_wait3A_251 = tpu.memref_slice %arg14[%dma_wait3A_249, %dma_wait3A_250] : memref<128x128xf32, #tpu.memory_space<vmem>> -> memref<64x128xf32, #tpu.memory_space<vmem>>
    %dma_wait3A_252 = arith.constant 64 : i32
    %dma_wait3A_253 = tpu.memref_slice %arg11[%dma_wait3A_248, %dma_wait3A_252] : memref<3x128xi32, #tpu.memory_space<vmem>> -> memref<1x64xi32, #tpu.memory_space<vmem>>
    %dma_wait3A_254 = tpu.memref_squeeze %dma_wait3A_253 : memref<1x64xi32, #tpu.memory_space<vmem>> -> memref<64xi32, #tpu.memory_space<vmem>>
    %dma_wait3A_255 = arith.constant 0 : i32
    %dma_wait3A_256 = arith.constant 0 : i32
    %dma_wait3A_257 = tpu.memref_slice %arg5[%dma_wait3A_255, %dma_wait3A_256] : memref<100000x128xf32, #tpu.memory_space<hbm>> -> memref<100000x128xf32, #tpu.memory_space<hbm>>
    tpu.wait_indirect_dma semaphore(%arg40 : memref<!tpu.dma_semaphore, #tpu.memory_space<semaphore_mem>>) src(%dma_wait3A_257 : memref<100000x128xf32, #tpu.memory_space<hbm>>) dst(%dma_wait3A_251 : memref<64x128xf32, #tpu.memory_space<vmem>>)
    %dma_wait3A_258 = arith.constant 2 : i32
    %dma_wait3A_259 = arith.constant 64 : i32
    %dma_wait3A_260 = arith.constant 0 : i32
    %dma_wait3A_261 = tpu.memref_slice %arg15[%dma_wait3A_259, %dma_wait3A_260] : memref<128x128xf32, #tpu.memory_space<vmem>> -> memref<64x128xf32, #tpu.memory_space<vmem>>
    %dma_wait3A_262 = arith.constant 64 : i32
    %dma_wait3A_263 = tpu.memref_slice %arg11[%dma_wait3A_258, %dma_wait3A_262] : memref<3x128xi32, #tpu.memory_space<vmem>> -> memref<1x64xi32, #tpu.memory_space<vmem>>
    %dma_wait3A_264 = tpu.memref_squeeze %dma_wait3A_263 : memref<1x64xi32, #tpu.memory_space<vmem>> -> memref<64xi32, #tpu.memory_space<vmem>>
    %dma_wait3A_265 = arith.constant 0 : i32
    %dma_wait3A_266 = arith.constant 0 : i32
    %dma_wait3A_267 = tpu.memref_slice %arg4[%dma_wait3A_265, %dma_wait3A_266] : memref<100000x128xf32, #tpu.memory_space<hbm>> -> memref<100000x128xf32, #tpu.memory_space<hbm>>
    tpu.wait_indirect_dma semaphore(%arg40 : memref<!tpu.dma_semaphore, #tpu.memory_space<semaphore_mem>>) src(%dma_wait3A_267 : memref<100000x128xf32, #tpu.memory_space<hbm>>) dst(%dma_wait3A_261 : memref<64x128xf32, #tpu.memory_space<vmem>>)
    %scan3A_268 = arith.constant 4 : i32
    %scan3A_269 = arith.constant 4 : i32
    %scan3A_270 = arith.addi %scan3A_268, %scan3A_269 : i32
    %scan3A_271 = arith.constant 1 : i32
    scf.for %scan3A_491 = %scan3A_268 to %scan3A_270 step %scan3A_271  : i32 {
      %scan3A_492 = arith.constant 0 : i32
      %scan3A_493 = arith.constant 16 : i32
      %scan3A_494 = arith.addi %scan3A_492, %scan3A_493 : i32
      %scan3A_495 = arith.constant 1 : i32
      scf.for %scan3A_830 = %scan3A_492 to %scan3A_494 step %scan3A_495  : i32 {
        %mul3A_831 = arith.constant 16 : i32
        %mul3A_832 = arith.muli %scan3A_491, %mul3A_831 : i32
        %add3A_833 = arith.addi %mul3A_832, %scan3A_830 : i32
        %get3A = arith.index_cast %add3A_833 : i32 to index
        %get3A_834 = arith.constant 0 : index
        %get3A_835 = tpu.vector_load %arg13[%get3A, %get3A_834] {strides = array<i32>} : memref<128x128xf32, #tpu.memory_space<vmem>>, vector<16xf32>,
        %get3A_836 = arith.index_cast %add3A_833 : i32 to index
        %get3A_837 = arith.constant 0 : index
        %get3A_838 = tpu.vector_load %arg14[%get3A_836, %get3A_837] {strides = array<i32>} : memref<128x128xf32, #tpu.memory_space<vmem>>, vector<16xf32>,
        %get3A_839 = arith.index_cast %add3A_833 : i32 to index
        %get3A_840 = arith.constant 0 : index
        %get3A_841 = tpu.vector_load %arg15[%get3A_839, %get3A_840] {strides = array<i32>} : memref<128x128xf32, #tpu.memory_space<vmem>>, vector<16xf32>,
        %add3A_842 = arith.addf %get3A_835, %get3A_838 : vector<16xf32>
        %sub3A = arith.subf %add3A_842, %get3A_841 : vector<16xf32>
        %mul3A_843 = arith.mulf %sub3A, %sub3A : vector<16xf32>
        %add3A_844 = arith.addf %broadcast_in_dim3A_1, %mul3A_843 : vector<16xf32>
        %mul3A_845 = arith.mulf %get3A_835, %get3A_835 : vector<16xf32>
        %add3A_846 = arith.addf %broadcast_in_dim3A_1, %mul3A_845 : vector<16xf32>
        %mul3A_847 = arith.mulf %get3A_841, %get3A_841 : vector<16xf32>
        %add3A_848 = arith.addf %broadcast_in_dim3A_1, %mul3A_847 : vector<16xf32>
        %mul3A_849 = arith.mulf %get3A_838, %get3A_838 : vector<16xf32>
        %add3A_850 = arith.addf %broadcast_in_dim3A_1, %mul3A_849 : vector<16xf32>
        %get3A_851 = arith.index_cast %add3A_833 : i32 to index
        %get3A_852 = arith.constant 16 : index
        %get3A_853 = tpu.vector_load %arg13[%get3A_851, %get3A_852] {strides = array<i32>} : memref<128x128xf32, #tpu.memory_space<vmem>>, vector<16xf32>,
        %get3A_854 = arith.index_cast %add3A_833 : i32 to index
        %get3A_855 = arith.constant 16 : index
        %get3A_856 = tpu.vector_load %arg14[%get3A_854, %get3A_855] {strides = array<i32>} : memref<128x128xf32, #tpu.memory_space<vmem>>, vector<16xf32>,
        %get3A_857 = arith.index_cast %add3A_833 : i32 to index
        %get3A_858 = arith.constant 16 : index
        %get3A_859 = tpu.vector_load %arg15[%get3A_857, %get3A_858] {strides = array<i32>} : memref<128x128xf32, #tpu.memory_space<vmem>>, vector<16xf32>,
        %add3A_860 = arith.addf %get3A_853, %get3A_856 : vector<16xf32>
        %sub3A_861 = arith.subf %add3A_860, %get3A_859 : vector<16xf32>
        %mul3A_862 = arith.mulf %sub3A_861, %sub3A_861 : vector<16xf32>
        %add3A_863 = arith.addf %add3A_844, %mul3A_862 : vector<16xf32>
        %mul3A_864 = arith.mulf %get3A_853, %get3A_853 : vector<16xf32>
        %add3A_865 = arith.addf %add3A_846, %mul3A_864 : vector<16xf32>
        %mul3A_866 = arith.mulf %get3A_859, %get3A_859 : vector<16xf32>
        %add3A_867 = arith.addf %add3A_848, %mul3A_866 : vector<16xf32>
        %mul3A_868 = arith.mulf %get3A_856, %get3A_856 : vector<16xf32>
        %add3A_869 = arith.addf %add3A_850, %mul3A_868 : vector<16xf32>
        %get3A_870 = arith.index_cast %add3A_833 : i32 to index
        %get3A_871 = arith.constant 32 : index
        %get3A_872 = tpu.vector_load %arg13[%get3A_870, %get3A_871] {strides = array<i32>} : memref<128x128xf32, #tpu.memory_space<vmem>>, vector<16xf32>,
        %get3A_873 = arith.index_cast %add3A_833 : i32 to index
        %get3A_874 = arith.constant 32 : index
        %get3A_875 = tpu.vector_load %arg14[%get3A_873, %get3A_874] {strides = array<i32>} : memref<128x128xf32, #tpu.memory_space<vmem>>, vector<16xf32>,
        %get3A_876 = arith.index_cast %add3A_833 : i32 to index
        %get3A_877 = arith.constant 32 : index
        %get3A_878 = tpu.vector_load %arg15[%get3A_876, %get3A_877] {strides = array<i32>} : memref<128x128xf32, #tpu.memory_space<vmem>>, vector<16xf32>,
        %add3A_879 = arith.addf %get3A_872, %get3A_875 : vector<16xf32>
        %sub3A_880 = arith.subf %add3A_879, %get3A_878 : vector<16xf32>
        %mul3A_881 = arith.mulf %sub3A_880, %sub3A_880 : vector<16xf32>
        %add3A_882 = arith.addf %add3A_863, %mul3A_881 : vector<16xf32>
        %mul3A_883 = arith.mulf %get3A_872, %get3A_872 : vector<16xf32>
        %add3A_884 = arith.addf %add3A_865, %mul3A_883 : vector<16xf32>
        %mul3A_885 = arith.mulf %get3A_878, %get3A_878 : vector<16xf32>
        %add3A_886 = arith.addf %add3A_867, %mul3A_885 : vector<16xf32>
        %mul3A_887 = arith.mulf %get3A_875, %get3A_875 : vector<16xf32>
        %add3A_888 = arith.addf %add3A_869, %mul3A_887 : vector<16xf32>
        %get3A_889 = arith.index_cast %add3A_833 : i32 to index
        %get3A_890 = arith.constant 48 : index
        %get3A_891 = tpu.vector_load %arg13[%get3A_889, %get3A_890] {strides = array<i32>} : memref<128x128xf32, #tpu.memory_space<vmem>>, vector<16xf32>,
        %get3A_892 = arith.index_cast %add3A_833 : i32 to index
        %get3A_893 = arith.constant 48 : index
        %get3A_894 = tpu.vector_load %arg14[%get3A_892, %get3A_893] {strides = array<i32>} : memref<128x128xf32, #tpu.memory_space<vmem>>, vector<16xf32>,
        %get3A_895 = arith.index_cast %add3A_833 : i32 to index
        %get3A_896 = arith.constant 48 : index
        %get3A_897 = tpu.vector_load %arg15[%get3A_895, %get3A_896] {strides = array<i32>} : memref<128x128xf32, #tpu.memory_space<vmem>>, vector<16xf32>,
        %add3A_898 = arith.addf %get3A_891, %get3A_894 : vector<16xf32>
        %sub3A_899 = arith.subf %add3A_898, %get3A_897 : vector<16xf32>
        %mul3A_900 = arith.mulf %sub3A_899, %sub3A_899 : vector<16xf32>
        %add3A_901 = arith.addf %add3A_882, %mul3A_900 : vector<16xf32>
        %mul3A_902 = arith.mulf %get3A_891, %get3A_891 : vector<16xf32>
        %add3A_903 = arith.addf %add3A_884, %mul3A_902 : vector<16xf32>
        %mul3A_904 = arith.mulf %get3A_897, %get3A_897 : vector<16xf32>
        %add3A_905 = arith.addf %add3A_886, %mul3A_904 : vector<16xf32>
        %mul3A_906 = arith.mulf %get3A_894, %get3A_894 : vector<16xf32>
        %add3A_907 = arith.addf %add3A_888, %mul3A_906 : vector<16xf32>
        %get3A_908 = arith.index_cast %add3A_833 : i32 to index
        %get3A_909 = arith.constant 64 : index
        %get3A_910 = tpu.vector_load %arg13[%get3A_908, %get3A_909] {strides = array<i32>} : memref<128x128xf32, #tpu.memory_space<vmem>>, vector<16xf32>,
        %get3A_911 = arith.index_cast %add3A_833 : i32 to index
        %get3A_912 = arith.constant 64 : index
        %get3A_913 = tpu.vector_load %arg14[%get3A_911, %get3A_912] {strides = array<i32>} : memref<128x128xf32, #tpu.memory_space<vmem>>, vector<16xf32>,
        %get3A_914 = arith.index_cast %add3A_833 : i32 to index
        %get3A_915 = arith.constant 64 : index
        %get3A_916 = tpu.vector_load %arg15[%get3A_914, %get3A_915] {strides = array<i32>} : memref<128x128xf32, #tpu.memory_space<vmem>>, vector<16xf32>,
        %add3A_917 = arith.addf %get3A_910, %get3A_913 : vector<16xf32>
        %sub3A_918 = arith.subf %add3A_917, %get3A_916 : vector<16xf32>
        %mul3A_919 = arith.mulf %sub3A_918, %sub3A_918 : vector<16xf32>
        %add3A_920 = arith.addf %add3A_901, %mul3A_919 : vector<16xf32>
        %mul3A_921 = arith.mulf %get3A_910, %get3A_910 : vector<16xf32>
        %add3A_922 = arith.addf %add3A_903, %mul3A_921 : vector<16xf32>
        %mul3A_923 = arith.mulf %get3A_916, %get3A_916 : vector<16xf32>
        %add3A_924 = arith.addf %add3A_905, %mul3A_923 : vector<16xf32>
        %mul3A_925 = arith.mulf %get3A_913, %get3A_913 : vector<16xf32>
        %add3A_926 = arith.addf %add3A_907, %mul3A_925 : vector<16xf32>
        %get3A_927 = arith.index_cast %add3A_833 : i32 to index
        %get3A_928 = arith.constant 80 : index
        %get3A_929 = tpu.vector_load %arg13[%get3A_927, %get3A_928] {strides = array<i32>} : memref<128x128xf32, #tpu.memory_space<vmem>>, vector<16xf32>,
        %get3A_930 = arith.index_cast %add3A_833 : i32 to index
        %get3A_931 = arith.constant 80 : index
        %get3A_932 = tpu.vector_load %arg14[%get3A_930, %get3A_931] {strides = array<i32>} : memref<128x128xf32, #tpu.memory_space<vmem>>, vector<16xf32>,
        %get3A_933 = arith.index_cast %add3A_833 : i32 to index
        %get3A_934 = arith.constant 80 : index
        %get3A_935 = tpu.vector_load %arg15[%get3A_933, %get3A_934] {strides = array<i32>} : memref<128x128xf32, #tpu.memory_space<vmem>>, vector<16xf32>,
        %add3A_936 = arith.addf %get3A_929, %get3A_932 : vector<16xf32>
        %sub3A_937 = arith.subf %add3A_936, %get3A_935 : vector<16xf32>
        %mul3A_938 = arith.mulf %sub3A_937, %sub3A_937 : vector<16xf32>
        %add3A_939 = arith.addf %add3A_920, %mul3A_938 : vector<16xf32>
        %mul3A_940 = arith.mulf %get3A_929, %get3A_929 : vector<16xf32>
        %add3A_941 = arith.addf %add3A_922, %mul3A_940 : vector<16xf32>
        %mul3A_942 = arith.mulf %get3A_935, %get3A_935 : vector<16xf32>
        %add3A_943 = arith.addf %add3A_924, %mul3A_942 : vector<16xf32>
        %mul3A_944 = arith.mulf %get3A_932, %get3A_932 : vector<16xf32>
        %add3A_945 = arith.addf %add3A_926, %mul3A_944 : vector<16xf32>
        %get3A_946 = arith.index_cast %add3A_833 : i32 to index
        %get3A_947 = arith.constant 96 : index
        %get3A_948 = tpu.vector_load %arg13[%get3A_946, %get3A_947] {strides = array<i32>} : memref<128x128xf32, #tpu.memory_space<vmem>>, vector<16xf32>,
        %get3A_949 = arith.index_cast %add3A_833 : i32 to index
        %get3A_950 = arith.constant 96 : index
        %get3A_951 = tpu.vector_load %arg14[%get3A_949, %get3A_950] {strides = array<i32>} : memref<128x128xf32, #tpu.memory_space<vmem>>, vector<16xf32>,
        %get3A_952 = arith.index_cast %add3A_833 : i32 to index
        %get3A_953 = arith.constant 96 : index
        %get3A_954 = tpu.vector_load %arg15[%get3A_952, %get3A_953] {strides = array<i32>} : memref<128x128xf32, #tpu.memory_space<vmem>>, vector<16xf32>,
        %add3A_955 = arith.addf %get3A_948, %get3A_951 : vector<16xf32>
        %sub3A_956 = arith.subf %add3A_955, %get3A_954 : vector<16xf32>
        %mul3A_957 = arith.mulf %sub3A_956, %sub3A_956 : vector<16xf32>
        %add3A_958 = arith.addf %add3A_939, %mul3A_957 : vector<16xf32>
        %mul3A_959 = arith.mulf %get3A_948, %get3A_948 : vector<16xf32>
        %add3A_960 = arith.addf %add3A_941, %mul3A_959 : vector<16xf32>
        %mul3A_961 = arith.mulf %get3A_954, %get3A_954 : vector<16xf32>
        %add3A_962 = arith.addf %add3A_943, %mul3A_961 : vector<16xf32>
        %mul3A_963 = arith.mulf %get3A_951, %get3A_951 : vector<16xf32>
        %add3A_964 = arith.addf %add3A_945, %mul3A_963 : vector<16xf32>
        %get3A_965 = arith.index_cast %add3A_833 : i32 to index
        %get3A_966 = arith.constant 112 : index
        %get3A_967 = tpu.vector_load %arg13[%get3A_965, %get3A_966] {strides = array<i32>} : memref<128x128xf32, #tpu.memory_space<vmem>>, vector<16xf32>,
        %get3A_968 = arith.index_cast %add3A_833 : i32 to index
        %get3A_969 = arith.constant 112 : index
        %get3A_970 = tpu.vector_load %arg14[%get3A_968, %get3A_969] {strides = array<i32>} : memref<128x128xf32, #tpu.memory_space<vmem>>, vector<16xf32>,
        %get3A_971 = arith.index_cast %add3A_833 : i32 to index
        %get3A_972 = arith.constant 112 : index
        %get3A_973 = tpu.vector_load %arg15[%get3A_971, %get3A_972] {strides = array<i32>} : memref<128x128xf32, #tpu.memory_space<vmem>>, vector<16xf32>,
        %add3A_974 = arith.addf %get3A_967, %get3A_970 : vector<16xf32>
        %sub3A_975 = arith.subf %add3A_974, %get3A_973 : vector<16xf32>
        %mul3A_976 = arith.mulf %sub3A_975, %sub3A_975 : vector<16xf32>
        %add3A_977 = arith.addf %add3A_958, %mul3A_976 : vector<16xf32>
        %mul3A_978 = arith.mulf %get3A_967, %get3A_967 : vector<16xf32>
        %add3A_979 = arith.addf %add3A_960, %mul3A_978 : vector<16xf32>
        %mul3A_980 = arith.mulf %get3A_973, %get3A_973 : vector<16xf32>
        %add3A_981 = arith.addf %add3A_962, %mul3A_980 : vector<16xf32>
        %mul3A_982 = arith.mulf %get3A_970, %get3A_970 : vector<16xf32>
        %add3A_983 = arith.addf %add3A_964, %mul3A_982 : vector<16xf32>
        %mul3A_984 = arith.constant 17 : i32
        %mul3A_985 = arith.muli %scan3A_830, %mul3A_984 : i32
        %swap3A_986 = arith.index_cast %mul3A_985 : i32 to index
        %swap3A_987 = tpu.vector_load %arg25[%swap3A_986] {strides = array<i32>} : memref<272xf32, #tpu.memory_space<vmem>>, vector<16xf32>,
        tpu.vector_store %arg25[%swap3A_986], %add3A_977 {strides = array<i32>} : memref<272xf32, #tpu.memory_space<vmem>>, vector<16xf32>,
        %swap3A_988 = arith.index_cast %mul3A_985 : i32 to index
        %swap3A_989 = tpu.vector_load %arg26[%swap3A_988] {strides = array<i32>} : memref<272xf32, #tpu.memory_space<vmem>>, vector<16xf32>,
        tpu.vector_store %arg26[%swap3A_988], %add3A_979 {strides = array<i32>} : memref<272xf32, #tpu.memory_space<vmem>>, vector<16xf32>,
        %swap3A_990 = arith.index_cast %mul3A_985 : i32 to index
        %swap3A_991 = tpu.vector_load %arg27[%swap3A_990] {strides = array<i32>} : memref<272xf32, #tpu.memory_space<vmem>>, vector<16xf32>,
        tpu.vector_store %arg27[%swap3A_990], %add3A_981 {strides = array<i32>} : memref<272xf32, #tpu.memory_space<vmem>>, vector<16xf32>,
        %swap3A_992 = arith.index_cast %mul3A_985 : i32 to index
        %swap3A_993 = tpu.vector_load %arg28[%swap3A_992] {strides = array<i32>} : memref<272xf32, #tpu.memory_space<vmem>>, vector<16xf32>,
        tpu.vector_store %arg28[%swap3A_992], %add3A_983 {strides = array<i32>} : memref<272xf32, #tpu.memory_space<vmem>>, vector<16xf32>,
      }
      %scan3A_496 = arith.constant 16 : i32
      %mul3A_497 = arith.constant 16 : i32
      %mul3A_498 = arith.muli %scan3A_491, %mul3A_497 : i32
      %gather3A = tpu.vector_load_idx %arg25[%mul3A_6] : memref<272xf32, #tpu.memory_space<vmem>>[vector<16xi32>], vector<16xf32>,
      %add3A_499 = arith.constant 1 : i32
      %add3A_500 = vector.broadcast %add3A_499 : i32 to vector<16xi32>
      %add3A_501 = arith.addi %mul3A_6, %add3A_500 : vector<16xi32>
      %gather3A_502 = tpu.vector_load_idx %arg25[%add3A_501] : memref<272xf32, #tpu.memory_space<vmem>>[vector<16xi32>], vector<16xf32>,
      %add3A_503 = arith.addf %gather3A, %gather3A_502 : vector<16xf32>
      %add3A_504 = arith.constant 2 : i32
      %add3A_505 = vector.broadcast %add3A_504 : i32 to vector<16xi32>
      %add3A_506 = arith.addi %mul3A_6, %add3A_505 : vector<16xi32>
      %gather3A_507 = tpu.vector_load_idx %arg25[%add3A_506] : memref<272xf32, #tpu.memory_space<vmem>>[vector<16xi32>], vector<16xf32>,
      %add3A_508 = arith.addf %add3A_503, %gather3A_507 : vector<16xf32>
      %add3A_509 = arith.constant 3 : i32
      %add3A_510 = vector.broadcast %add3A_509 : i32 to vector<16xi32>
      %add3A_511 = arith.addi %mul3A_6, %add3A_510 : vector<16xi32>
      %gather3A_512 = tpu.vector_load_idx %arg25[%add3A_511] : memref<272xf32, #tpu.memory_space<vmem>>[vector<16xi32>], vector<16xf32>,
      %add3A_513 = arith.addf %add3A_508, %gather3A_512 : vector<16xf32>
      %add3A_514 = arith.constant 4 : i32
      %add3A_515 = vector.broadcast %add3A_514 : i32 to vector<16xi32>
      %add3A_516 = arith.addi %mul3A_6, %add3A_515 : vector<16xi32>
      %gather3A_517 = tpu.vector_load_idx %arg25[%add3A_516] : memref<272xf32, #tpu.memory_space<vmem>>[vector<16xi32>], vector<16xf32>,
      %add3A_518 = arith.addf %add3A_513, %gather3A_517 : vector<16xf32>
      %add3A_519 = arith.constant 5 : i32
      %add3A_520 = vector.broadcast %add3A_519 : i32 to vector<16xi32>
      %add3A_521 = arith.addi %mul3A_6, %add3A_520 : vector<16xi32>
      %gather3A_522 = tpu.vector_load_idx %arg25[%add3A_521] : memref<272xf32, #tpu.memory_space<vmem>>[vector<16xi32>], vector<16xf32>,
      %add3A_523 = arith.addf %add3A_518, %gather3A_522 : vector<16xf32>
      %add3A_524 = arith.constant 6 : i32
      %add3A_525 = vector.broadcast %add3A_524 : i32 to vector<16xi32>
      %add3A_526 = arith.addi %mul3A_6, %add3A_525 : vector<16xi32>
      %gather3A_527 = tpu.vector_load_idx %arg25[%add3A_526] : memref<272xf32, #tpu.memory_space<vmem>>[vector<16xi32>], vector<16xf32>,
      %add3A_528 = arith.addf %add3A_523, %gather3A_527 : vector<16xf32>
      %add3A_529 = arith.constant 7 : i32
      %add3A_530 = vector.broadcast %add3A_529 : i32 to vector<16xi32>
      %add3A_531 = arith.addi %mul3A_6, %add3A_530 : vector<16xi32>
      %gather3A_532 = tpu.vector_load_idx %arg25[%add3A_531] : memref<272xf32, #tpu.memory_space<vmem>>[vector<16xi32>], vector<16xf32>,
      %add3A_533 = arith.addf %add3A_528, %gather3A_532 : vector<16xf32>
      %add3A_534 = arith.constant 8 : i32
      %add3A_535 = vector.broadcast %add3A_534 : i32 to vector<16xi32>
      %add3A_536 = arith.addi %mul3A_6, %add3A_535 : vector<16xi32>
      %gather3A_537 = tpu.vector_load_idx %arg25[%add3A_536] : memref<272xf32, #tpu.memory_space<vmem>>[vector<16xi32>], vector<16xf32>,
      %add3A_538 = arith.addf %add3A_533, %gather3A_537 : vector<16xf32>
      %add3A_539 = arith.constant 9 : i32
      %add3A_540 = vector.broadcast %add3A_539 : i32 to vector<16xi32>
      %add3A_541 = arith.addi %mul3A_6, %add3A_540 : vector<16xi32>
      %gather3A_542 = tpu.vector_load_idx %arg25[%add3A_541] : memref<272xf32, #tpu.memory_space<vmem>>[vector<16xi32>], vector<16xf32>,
      %add3A_543 = arith.addf %add3A_538, %gather3A_542 : vector<16xf32>
      %add3A_544 = arith.constant 10 : i32
      %add3A_545 = vector.broadcast %add3A_544 : i32 to vector<16xi32>
      %add3A_546 = arith.addi %mul3A_6, %add3A_545 : vector<16xi32>
      %gather3A_547 = tpu.vector_load_idx %arg25[%add3A_546] : memref<272xf32, #tpu.memory_space<vmem>>[vector<16xi32>], vector<16xf32>,
      %add3A_548 = arith.addf %add3A_543, %gather3A_547 : vector<16xf32>
      %add3A_549 = arith.constant 11 : i32
      %add3A_550 = vector.broadcast %add3A_549 : i32 to vector<16xi32>
      %add3A_551 = arith.addi %mul3A_6, %add3A_550 : vector<16xi32>
      %gather3A_552 = tpu.vector_load_idx %arg25[%add3A_551] : memref<272xf32, #tpu.memory_space<vmem>>[vector<16xi32>], vector<16xf32>,
      %add3A_553 = arith.addf %add3A_548, %gather3A_552 : vector<16xf32>
      %add3A_554 = arith.constant 12 : i32
      %add3A_555 = vector.broadcast %add3A_554 : i32 to vector<16xi32>
      %add3A_556 = arith.addi %mul3A_6, %add3A_555 : vector<16xi32>
      %gather3A_557 = tpu.vector_load_idx %arg25[%add3A_556] : memref<272xf32, #tpu.memory_space<vmem>>[vector<16xi32>], vector<16xf32>,
      %add3A_558 = arith.addf %add3A_553, %gather3A_557 : vector<16xf32>
      %add3A_559 = arith.constant 13 : i32
      %add3A_560 = vector.broadcast %add3A_559 : i32 to vector<16xi32>
      %add3A_561 = arith.addi %mul3A_6, %add3A_560 : vector<16xi32>
      %gather3A_562 = tpu.vector_load_idx %arg25[%add3A_561] : memref<272xf32, #tpu.memory_space<vmem>>[vector<16xi32>], vector<16xf32>,
      %add3A_563 = arith.addf %add3A_558, %gather3A_562 : vector<16xf32>
      %add3A_564 = arith.constant 14 : i32
      %add3A_565 = vector.broadcast %add3A_564 : i32 to vector<16xi32>
      %add3A_566 = arith.addi %mul3A_6, %add3A_565 : vector<16xi32>
      %gather3A_567 = tpu.vector_load_idx %arg25[%add3A_566] : memref<272xf32, #tpu.memory_space<vmem>>[vector<16xi32>], vector<16xf32>,
      %add3A_568 = arith.addf %add3A_563, %gather3A_567 : vector<16xf32>
      %add3A_569 = arith.constant 15 : i32
      %add3A_570 = vector.broadcast %add3A_569 : i32 to vector<16xi32>
      %add3A_571 = arith.addi %mul3A_6, %add3A_570 : vector<16xi32>
      %gather3A_572 = tpu.vector_load_idx %arg25[%add3A_571] : memref<272xf32, #tpu.memory_space<vmem>>[vector<16xi32>], vector<16xf32>,
      %add3A_573 = arith.addf %add3A_568, %gather3A_572 : vector<16xf32>
      %bitcast3A = vector.bitcast %add3A_573 : vector<16xf32> to vector<16xi32>
      %shift_right_arithmetic3A = arith.constant 1 : i32
      %shift_right_arithmetic3A_574 = vector.broadcast %shift_right_arithmetic3A : i32 to vector<16xi32>
      %shift_right_arithmetic3A_575 = arith.shrsi %bitcast3A, %shift_right_arithmetic3A_574 : vector<16xi32>
      %add3A_576 = arith.constant 532487669 : i32
      %add3A_577 = vector.broadcast %add3A_576 : i32 to vector<16xi32>
      %add3A_578 = arith.addi %add3A_577, %shift_right_arithmetic3A_575 : vector<16xi32>
      %bitcast3A_579 = vector.bitcast %add3A_578 : vector<16xi32> to vector<16xf32>
      %div3A = arith.divf %add3A_573, %bitcast3A_579 : vector<16xf32>
      %add3A_580 = arith.addf %bitcast3A_579, %div3A : vector<16xf32>
      %mul3A_581 = arith.constant 5.000000e-01 : f32
      %mul3A_582 = vector.broadcast %mul3A_581 : f32 to vector<16xf32>
      %mul3A_583 = arith.mulf %mul3A_582, %add3A_580 : vector<16xf32>
      %div3A_584 = arith.divf %add3A_573, %mul3A_583 : vector<16xf32>
      %add3A_585 = arith.addf %mul3A_583, %div3A_584 : vector<16xf32>
      %mul3A_586 = arith.constant 5.000000e-01 : f32
      %mul3A_587 = vector.broadcast %mul3A_586 : f32 to vector<16xf32>
      %mul3A_588 = arith.mulf %mul3A_587, %add3A_585 : vector<16xf32>
      %div3A_589 = arith.divf %add3A_573, %mul3A_588 : vector<16xf32>
      %add3A_590 = arith.addf %mul3A_588, %div3A_589 : vector<16xf32>
      %mul3A_591 = arith.constant 5.000000e-01 : f32
      %mul3A_592 = vector.broadcast %mul3A_591 : f32 to vector<16xf32>
      %mul3A_593 = arith.mulf %mul3A_592, %add3A_590 : vector<16xf32>
      %swap3A_594 = arith.index_cast %mul3A_498 : i32 to index
      %swap3A_595 = tpu.vector_load %arg24[%swap3A_594] {strides = array<i32>} : memref<128xf32, #tpu.memory_space<vmem>>, vector<16xf32>,
      tpu.vector_store %arg24[%swap3A_594], %mul3A_593 {strides = array<i32>} : memref<128xf32, #tpu.memory_space<vmem>>, vector<16xf32>,
      %gather3A_596 = tpu.vector_load_idx %arg26[%mul3A_6] : memref<272xf32, #tpu.memory_space<vmem>>[vector<16xi32>], vector<16xf32>,
      %add3A_597 = arith.constant 1 : i32
      %add3A_598 = vector.broadcast %add3A_597 : i32 to vector<16xi32>
      %add3A_599 = arith.addi %mul3A_6, %add3A_598 : vector<16xi32>
      %gather3A_600 = tpu.vector_load_idx %arg26[%add3A_599] : memref<272xf32, #tpu.memory_space<vmem>>[vector<16xi32>], vector<16xf32>,
      %add3A_601 = arith.addf %gather3A_596, %gather3A_600 : vector<16xf32>
      %add3A_602 = arith.constant 2 : i32
      %add3A_603 = vector.broadcast %add3A_602 : i32 to vector<16xi32>
      %add3A_604 = arith.addi %mul3A_6, %add3A_603 : vector<16xi32>
      %gather3A_605 = tpu.vector_load_idx %arg26[%add3A_604] : memref<272xf32, #tpu.memory_space<vmem>>[vector<16xi32>], vector<16xf32>,
      %add3A_606 = arith.addf %add3A_601, %gather3A_605 : vector<16xf32>
      %add3A_607 = arith.constant 3 : i32
      %add3A_608 = vector.broadcast %add3A_607 : i32 to vector<16xi32>
      %add3A_609 = arith.addi %mul3A_6, %add3A_608 : vector<16xi32>
      %gather3A_610 = tpu.vector_load_idx %arg26[%add3A_609] : memref<272xf32, #tpu.memory_space<vmem>>[vector<16xi32>], vector<16xf32>,
      %add3A_611 = arith.addf %add3A_606, %gather3A_610 : vector<16xf32>
      %add3A_612 = arith.constant 4 : i32
      %add3A_613 = vector.broadcast %add3A_612 : i32 to vector<16xi32>
      %add3A_614 = arith.addi %mul3A_6, %add3A_613 : vector<16xi32>
      %gather3A_615 = tpu.vector_load_idx %arg26[%add3A_614] : memref<272xf32, #tpu.memory_space<vmem>>[vector<16xi32>], vector<16xf32>,
      %add3A_616 = arith.addf %add3A_611, %gather3A_615 : vector<16xf32>
      %add3A_617 = arith.constant 5 : i32
      %add3A_618 = vector.broadcast %add3A_617 : i32 to vector<16xi32>
      %add3A_619 = arith.addi %mul3A_6, %add3A_618 : vector<16xi32>
      %gather3A_620 = tpu.vector_load_idx %arg26[%add3A_619] : memref<272xf32, #tpu.memory_space<vmem>>[vector<16xi32>], vector<16xf32>,
      %add3A_621 = arith.addf %add3A_616, %gather3A_620 : vector<16xf32>
      %add3A_622 = arith.constant 6 : i32
      %add3A_623 = vector.broadcast %add3A_622 : i32 to vector<16xi32>
      %add3A_624 = arith.addi %mul3A_6, %add3A_623 : vector<16xi32>
      %gather3A_625 = tpu.vector_load_idx %arg26[%add3A_624] : memref<272xf32, #tpu.memory_space<vmem>>[vector<16xi32>], vector<16xf32>,
      %add3A_626 = arith.addf %add3A_621, %gather3A_625 : vector<16xf32>
      %add3A_627 = arith.constant 7 : i32
      %add3A_628 = vector.broadcast %add3A_627 : i32 to vector<16xi32>
      %add3A_629 = arith.addi %mul3A_6, %add3A_628 : vector<16xi32>
      %gather3A_630 = tpu.vector_load_idx %arg26[%add3A_629] : memref<272xf32, #tpu.memory_space<vmem>>[vector<16xi32>], vector<16xf32>,
      %add3A_631 = arith.addf %add3A_626, %gather3A_630 : vector<16xf32>
      %add3A_632 = arith.constant 8 : i32
      %add3A_633 = vector.broadcast %add3A_632 : i32 to vector<16xi32>
      %add3A_634 = arith.addi %mul3A_6, %add3A_633 : vector<16xi32>
      %gather3A_635 = tpu.vector_load_idx %arg26[%add3A_634] : memref<272xf32, #tpu.memory_space<vmem>>[vector<16xi32>], vector<16xf32>,
      %add3A_636 = arith.addf %add3A_631, %gather3A_635 : vector<16xf32>
      %add3A_637 = arith.constant 9 : i32
      %add3A_638 = vector.broadcast %add3A_637 : i32 to vector<16xi32>
      %add3A_639 = arith.addi %mul3A_6, %add3A_638 : vector<16xi32>
      %gather3A_640 = tpu.vector_load_idx %arg26[%add3A_639] : memref<272xf32, #tpu.memory_space<vmem>>[vector<16xi32>], vector<16xf32>,
      %add3A_641 = arith.addf %add3A_636, %gather3A_640 : vector<16xf32>
      %add3A_642 = arith.constant 10 : i32
      %add3A_643 = vector.broadcast %add3A_642 : i32 to vector<16xi32>
      %add3A_644 = arith.addi %mul3A_6, %add3A_643 : vector<16xi32>
      %gather3A_645 = tpu.vector_load_idx %arg26[%add3A_644] : memref<272xf32, #tpu.memory_space<vmem>>[vector<16xi32>], vector<16xf32>,
      %add3A_646 = arith.addf %add3A_641, %gather3A_645 : vector<16xf32>
      %add3A_647 = arith.constant 11 : i32
      %add3A_648 = vector.broadcast %add3A_647 : i32 to vector<16xi32>
      %add3A_649 = arith.addi %mul3A_6, %add3A_648 : vector<16xi32>
      %gather3A_650 = tpu.vector_load_idx %arg26[%add3A_649] : memref<272xf32, #tpu.memory_space<vmem>>[vector<16xi32>], vector<16xf32>,
      %add3A_651 = arith.addf %add3A_646, %gather3A_650 : vector<16xf32>
      %add3A_652 = arith.constant 12 : i32
      %add3A_653 = vector.broadcast %add3A_652 : i32 to vector<16xi32>
      %add3A_654 = arith.addi %mul3A_6, %add3A_653 : vector<16xi32>
      %gather3A_655 = tpu.vector_load_idx %arg26[%add3A_654] : memref<272xf32, #tpu.memory_space<vmem>>[vector<16xi32>], vector<16xf32>,
      %add3A_656 = arith.addf %add3A_651, %gather3A_655 : vector<16xf32>
      %add3A_657 = arith.constant 13 : i32
      %add3A_658 = vector.broadcast %add3A_657 : i32 to vector<16xi32>
      %add3A_659 = arith.addi %mul3A_6, %add3A_658 : vector<16xi32>
      %gather3A_660 = tpu.vector_load_idx %arg26[%add3A_659] : memref<272xf32, #tpu.memory_space<vmem>>[vector<16xi32>], vector<16xf32>,
      %add3A_661 = arith.addf %add3A_656, %gather3A_660 : vector<16xf32>
      %add3A_662 = arith.constant 14 : i32
      %add3A_663 = vector.broadcast %add3A_662 : i32 to vector<16xi32>
      %add3A_664 = arith.addi %mul3A_6, %add3A_663 : vector<16xi32>
      %gather3A_665 = tpu.vector_load_idx %arg26[%add3A_664] : memref<272xf32, #tpu.memory_space<vmem>>[vector<16xi32>], vector<16xf32>,
      %add3A_666 = arith.addf %add3A_661, %gather3A_665 : vector<16xf32>
      %add3A_667 = arith.constant 15 : i32
      %add3A_668 = vector.broadcast %add3A_667 : i32 to vector<16xi32>
      %add3A_669 = arith.addi %mul3A_6, %add3A_668 : vector<16xi32>
      %gather3A_670 = tpu.vector_load_idx %arg26[%add3A_669] : memref<272xf32, #tpu.memory_space<vmem>>[vector<16xi32>], vector<16xf32>,
      %add3A_671 = arith.addf %add3A_666, %gather3A_670 : vector<16xf32>
      %swap3A_672 = arith.index_cast %mul3A_498 : i32 to index
      %swap3A_673 = tpu.vector_load %arg19[%swap3A_672] {strides = array<i32>} : memref<128xf32, #tpu.memory_space<vmem>>, vector<16xf32>,
      tpu.vector_store %arg19[%swap3A_672], %add3A_671 {strides = array<i32>} : memref<128xf32, #tpu.memory_space<vmem>>, vector<16xf32>,
      %gather3A_674 = tpu.vector_load_idx %arg27[%mul3A_6] : memref<272xf32, #tpu.memory_space<vmem>>[vector<16xi32>], vector<16xf32>,
      %add3A_675 = arith.constant 1 : i32
      %add3A_676 = vector.broadcast %add3A_675 : i32 to vector<16xi32>
      %add3A_677 = arith.addi %mul3A_6, %add3A_676 : vector<16xi32>
      %gather3A_678 = tpu.vector_load_idx %arg27[%add3A_677] : memref<272xf32, #tpu.memory_space<vmem>>[vector<16xi32>], vector<16xf32>,
      %add3A_679 = arith.addf %gather3A_674, %gather3A_678 : vector<16xf32>
      %add3A_680 = arith.constant 2 : i32
      %add3A_681 = vector.broadcast %add3A_680 : i32 to vector<16xi32>
      %add3A_682 = arith.addi %mul3A_6, %add3A_681 : vector<16xi32>
      %gather3A_683 = tpu.vector_load_idx %arg27[%add3A_682] : memref<272xf32, #tpu.memory_space<vmem>>[vector<16xi32>], vector<16xf32>,
      %add3A_684 = arith.addf %add3A_679, %gather3A_683 : vector<16xf32>
      %add3A_685 = arith.constant 3 : i32
      %add3A_686 = vector.broadcast %add3A_685 : i32 to vector<16xi32>
      %add3A_687 = arith.addi %mul3A_6, %add3A_686 : vector<16xi32>
      %gather3A_688 = tpu.vector_load_idx %arg27[%add3A_687] : memref<272xf32, #tpu.memory_space<vmem>>[vector<16xi32>], vector<16xf32>,
      %add3A_689 = arith.addf %add3A_684, %gather3A_688 : vector<16xf32>
      %add3A_690 = arith.constant 4 : i32
      %add3A_691 = vector.broadcast %add3A_690 : i32 to vector<16xi32>
      %add3A_692 = arith.addi %mul3A_6, %add3A_691 : vector<16xi32>
      %gather3A_693 = tpu.vector_load_idx %arg27[%add3A_692] : memref<272xf32, #tpu.memory_space<vmem>>[vector<16xi32>], vector<16xf32>,
      %add3A_694 = arith.addf %add3A_689, %gather3A_693 : vector<16xf32>
      %add3A_695 = arith.constant 5 : i32
      %add3A_696 = vector.broadcast %add3A_695 : i32 to vector<16xi32>
      %add3A_697 = arith.addi %mul3A_6, %add3A_696 : vector<16xi32>
      %gather3A_698 = tpu.vector_load_idx %arg27[%add3A_697] : memref<272xf32, #tpu.memory_space<vmem>>[vector<16xi32>], vector<16xf32>,
      %add3A_699 = arith.addf %add3A_694, %gather3A_698 : vector<16xf32>
      %add3A_700 = arith.constant 6 : i32
      %add3A_701 = vector.broadcast %add3A_700 : i32 to vector<16xi32>
      %add3A_702 = arith.addi %mul3A_6, %add3A_701 : vector<16xi32>
      %gather3A_703 = tpu.vector_load_idx %arg27[%add3A_702] : memref<272xf32, #tpu.memory_space<vmem>>[vector<16xi32>], vector<16xf32>,
      %add3A_704 = arith.addf %add3A_699, %gather3A_703 : vector<16xf32>
      %add3A_705 = arith.constant 7 : i32
      %add3A_706 = vector.broadcast %add3A_705 : i32 to vector<16xi32>
      %add3A_707 = arith.addi %mul3A_6, %add3A_706 : vector<16xi32>
      %gather3A_708 = tpu.vector_load_idx %arg27[%add3A_707] : memref<272xf32, #tpu.memory_space<vmem>>[vector<16xi32>], vector<16xf32>,
      %add3A_709 = arith.addf %add3A_704, %gather3A_708 : vector<16xf32>
      %add3A_710 = arith.constant 8 : i32
      %add3A_711 = vector.broadcast %add3A_710 : i32 to vector<16xi32>
      %add3A_712 = arith.addi %mul3A_6, %add3A_711 : vector<16xi32>
      %gather3A_713 = tpu.vector_load_idx %arg27[%add3A_712] : memref<272xf32, #tpu.memory_space<vmem>>[vector<16xi32>], vector<16xf32>,
      %add3A_714 = arith.addf %add3A_709, %gather3A_713 : vector<16xf32>
      %add3A_715 = arith.constant 9 : i32
      %add3A_716 = vector.broadcast %add3A_715 : i32 to vector<16xi32>
      %add3A_717 = arith.addi %mul3A_6, %add3A_716 : vector<16xi32>
      %gather3A_718 = tpu.vector_load_idx %arg27[%add3A_717] : memref<272xf32, #tpu.memory_space<vmem>>[vector<16xi32>], vector<16xf32>,
      %add3A_719 = arith.addf %add3A_714, %gather3A_718 : vector<16xf32>
      %add3A_720 = arith.constant 10 : i32
      %add3A_721 = vector.broadcast %add3A_720 : i32 to vector<16xi32>
      %add3A_722 = arith.addi %mul3A_6, %add3A_721 : vector<16xi32>
      %gather3A_723 = tpu.vector_load_idx %arg27[%add3A_722] : memref<272xf32, #tpu.memory_space<vmem>>[vector<16xi32>], vector<16xf32>,
      %add3A_724 = arith.addf %add3A_719, %gather3A_723 : vector<16xf32>
      %add3A_725 = arith.constant 11 : i32
      %add3A_726 = vector.broadcast %add3A_725 : i32 to vector<16xi32>
      %add3A_727 = arith.addi %mul3A_6, %add3A_726 : vector<16xi32>
      %gather3A_728 = tpu.vector_load_idx %arg27[%add3A_727] : memref<272xf32, #tpu.memory_space<vmem>>[vector<16xi32>], vector<16xf32>,
      %add3A_729 = arith.addf %add3A_724, %gather3A_728 : vector<16xf32>
      %add3A_730 = arith.constant 12 : i32
      %add3A_731 = vector.broadcast %add3A_730 : i32 to vector<16xi32>
      %add3A_732 = arith.addi %mul3A_6, %add3A_731 : vector<16xi32>
      %gather3A_733 = tpu.vector_load_idx %arg27[%add3A_732] : memref<272xf32, #tpu.memory_space<vmem>>[vector<16xi32>], vector<16xf32>,
      %add3A_734 = arith.addf %add3A_729, %gather3A_733 : vector<16xf32>
      %add3A_735 = arith.constant 13 : i32
      %add3A_736 = vector.broadcast %add3A_735 : i32 to vector<16xi32>
      %add3A_737 = arith.addi %mul3A_6, %add3A_736 : vector<16xi32>
      %gather3A_738 = tpu.vector_load_idx %arg27[%add3A_737] : memref<272xf32, #tpu.memory_space<vmem>>[vector<16xi32>], vector<16xf32>,
      %add3A_739 = arith.addf %add3A_734, %gather3A_738 : vector<16xf32>
      %add3A_740 = arith.constant 14 : i32
      %add3A_741 = vector.broadcast %add3A_740 : i32 to vector<16xi32>
      %add3A_742 = arith.addi %mul3A_6, %add3A_741 : vector<16xi32>
      %gather3A_743 = tpu.vector_load_idx %arg27[%add3A_742] : memref<272xf32, #tpu.memory_space<vmem>>[vector<16xi32>], vector<16xf32>,
      %add3A_744 = arith.addf %add3A_739, %gather3A_743 : vector<16xf32>
      %add3A_745 = arith.constant 15 : i32
      %add3A_746 = vector.broadcast %add3A_745 : i32 to vector<16xi32>
      %add3A_747 = arith.addi %mul3A_6, %add3A_746 : vector<16xi32>
      %gather3A_748 = tpu.vector_load_idx %arg27[%add3A_747] : memref<272xf32, #tpu.memory_space<vmem>>[vector<16xi32>], vector<16xf32>,
      %add3A_749 = arith.addf %add3A_744, %gather3A_748 : vector<16xf32>
      %swap3A_750 = arith.index_cast %mul3A_498 : i32 to index
      %swap3A_751 = tpu.vector_load %arg20[%swap3A_750] {strides = array<i32>} : memref<128xf32, #tpu.memory_space<vmem>>, vector<16xf32>,
      tpu.vector_store %arg20[%swap3A_750], %add3A_749 {strides = array<i32>} : memref<128xf32, #tpu.memory_space<vmem>>, vector<16xf32>,
      %gather3A_752 = tpu.vector_load_idx %arg28[%mul3A_6] : memref<272xf32, #tpu.memory_space<vmem>>[vector<16xi32>], vector<16xf32>,
      %add3A_753 = arith.constant 1 : i32
      %add3A_754 = vector.broadcast %add3A_753 : i32 to vector<16xi32>
      %add3A_755 = arith.addi %mul3A_6, %add3A_754 : vector<16xi32>
      %gather3A_756 = tpu.vector_load_idx %arg28[%add3A_755] : memref<272xf32, #tpu.memory_space<vmem>>[vector<16xi32>], vector<16xf32>,
      %add3A_757 = arith.addf %gather3A_752, %gather3A_756 : vector<16xf32>
      %add3A_758 = arith.constant 2 : i32
      %add3A_759 = vector.broadcast %add3A_758 : i32 to vector<16xi32>
      %add3A_760 = arith.addi %mul3A_6, %add3A_759 : vector<16xi32>
      %gather3A_761 = tpu.vector_load_idx %arg28[%add3A_760] : memref<272xf32, #tpu.memory_space<vmem>>[vector<16xi32>], vector<16xf32>,
      %add3A_762 = arith.addf %add3A_757, %gather3A_761 : vector<16xf32>
      %add3A_763 = arith.constant 3 : i32
      %add3A_764 = vector.broadcast %add3A_763 : i32 to vector<16xi32>
      %add3A_765 = arith.addi %mul3A_6, %add3A_764 : vector<16xi32>
      %gather3A_766 = tpu.vector_load_idx %arg28[%add3A_765] : memref<272xf32, #tpu.memory_space<vmem>>[vector<16xi32>], vector<16xf32>,
      %add3A_767 = arith.addf %add3A_762, %gather3A_766 : vector<16xf32>
      %add3A_768 = arith.constant 4 : i32
      %add3A_769 = vector.broadcast %add3A_768 : i32 to vector<16xi32>
      %add3A_770 = arith.addi %mul3A_6, %add3A_769 : vector<16xi32>
      %gather3A_771 = tpu.vector_load_idx %arg28[%add3A_770] : memref<272xf32, #tpu.memory_space<vmem>>[vector<16xi32>], vector<16xf32>,
      %add3A_772 = arith.addf %add3A_767, %gather3A_771 : vector<16xf32>
      %add3A_773 = arith.constant 5 : i32
      %add3A_774 = vector.broadcast %add3A_773 : i32 to vector<16xi32>
      %add3A_775 = arith.addi %mul3A_6, %add3A_774 : vector<16xi32>
      %gather3A_776 = tpu.vector_load_idx %arg28[%add3A_775] : memref<272xf32, #tpu.memory_space<vmem>>[vector<16xi32>], vector<16xf32>,
      %add3A_777 = arith.addf %add3A_772, %gather3A_776 : vector<16xf32>
      %add3A_778 = arith.constant 6 : i32
      %add3A_779 = vector.broadcast %add3A_778 : i32 to vector<16xi32>
      %add3A_780 = arith.addi %mul3A_6, %add3A_779 : vector<16xi32>
      %gather3A_781 = tpu.vector_load_idx %arg28[%add3A_780] : memref<272xf32, #tpu.memory_space<vmem>>[vector<16xi32>], vector<16xf32>,
      %add3A_782 = arith.addf %add3A_777, %gather3A_781 : vector<16xf32>
      %add3A_783 = arith.constant 7 : i32
      %add3A_784 = vector.broadcast %add3A_783 : i32 to vector<16xi32>
      %add3A_785 = arith.addi %mul3A_6, %add3A_784 : vector<16xi32>
      %gather3A_786 = tpu.vector_load_idx %arg28[%add3A_785] : memref<272xf32, #tpu.memory_space<vmem>>[vector<16xi32>], vector<16xf32>,
      %add3A_787 = arith.addf %add3A_782, %gather3A_786 : vector<16xf32>
      %add3A_788 = arith.constant 8 : i32
      %add3A_789 = vector.broadcast %add3A_788 : i32 to vector<16xi32>
      %add3A_790 = arith.addi %mul3A_6, %add3A_789 : vector<16xi32>
      %gather3A_791 = tpu.vector_load_idx %arg28[%add3A_790] : memref<272xf32, #tpu.memory_space<vmem>>[vector<16xi32>], vector<16xf32>,
      %add3A_792 = arith.addf %add3A_787, %gather3A_791 : vector<16xf32>
      %add3A_793 = arith.constant 9 : i32
      %add3A_794 = vector.broadcast %add3A_793 : i32 to vector<16xi32>
      %add3A_795 = arith.addi %mul3A_6, %add3A_794 : vector<16xi32>
      %gather3A_796 = tpu.vector_load_idx %arg28[%add3A_795] : memref<272xf32, #tpu.memory_space<vmem>>[vector<16xi32>], vector<16xf32>,
      %add3A_797 = arith.addf %add3A_792, %gather3A_796 : vector<16xf32>
      %add3A_798 = arith.constant 10 : i32
      %add3A_799 = vector.broadcast %add3A_798 : i32 to vector<16xi32>
      %add3A_800 = arith.addi %mul3A_6, %add3A_799 : vector<16xi32>
      %gather3A_801 = tpu.vector_load_idx %arg28[%add3A_800] : memref<272xf32, #tpu.memory_space<vmem>>[vector<16xi32>], vector<16xf32>,
      %add3A_802 = arith.addf %add3A_797, %gather3A_801 : vector<16xf32>
      %add3A_803 = arith.constant 11 : i32
      %add3A_804 = vector.broadcast %add3A_803 : i32 to vector<16xi32>
      %add3A_805 = arith.addi %mul3A_6, %add3A_804 : vector<16xi32>
      %gather3A_806 = tpu.vector_load_idx %arg28[%add3A_805] : memref<272xf32, #tpu.memory_space<vmem>>[vector<16xi32>], vector<16xf32>,
      %add3A_807 = arith.addf %add3A_802, %gather3A_806 : vector<16xf32>
      %add3A_808 = arith.constant 12 : i32
      %add3A_809 = vector.broadcast %add3A_808 : i32 to vector<16xi32>
      %add3A_810 = arith.addi %mul3A_6, %add3A_809 : vector<16xi32>
      %gather3A_811 = tpu.vector_load_idx %arg28[%add3A_810] : memref<272xf32, #tpu.memory_space<vmem>>[vector<16xi32>], vector<16xf32>,
      %add3A_812 = arith.addf %add3A_807, %gather3A_811 : vector<16xf32>
      %add3A_813 = arith.constant 13 : i32
      %add3A_814 = vector.broadcast %add3A_813 : i32 to vector<16xi32>
      %add3A_815 = arith.addi %mul3A_6, %add3A_814 : vector<16xi32>
      %gather3A_816 = tpu.vector_load_idx %arg28[%add3A_815] : memref<272xf32, #tpu.memory_space<vmem>>[vector<16xi32>], vector<16xf32>,
      %add3A_817 = arith.addf %add3A_812, %gather3A_816 : vector<16xf32>
      %add3A_818 = arith.constant 14 : i32
      %add3A_819 = vector.broadcast %add3A_818 : i32 to vector<16xi32>
      %add3A_820 = arith.addi %mul3A_6, %add3A_819 : vector<16xi32>
      %gather3A_821 = tpu.vector_load_idx %arg28[%add3A_820] : memref<272xf32, #tpu.memory_space<vmem>>[vector<16xi32>], vector<16xf32>,
      %add3A_822 = arith.addf %add3A_817, %gather3A_821 : vector<16xf32>
      %add3A_823 = arith.constant 15 : i32
      %add3A_824 = vector.broadcast %add3A_823 : i32 to vector<16xi32>
      %add3A_825 = arith.addi %mul3A_6, %add3A_824 : vector<16xi32>
      %gather3A_826 = tpu.vector_load_idx %arg28[%add3A_825] : memref<272xf32, #tpu.memory_space<vmem>>[vector<16xi32>], vector<16xf32>,
      %add3A_827 = arith.addf %add3A_822, %gather3A_826 : vector<16xf32>
      %swap3A_828 = arith.index_cast %mul3A_498 : i32 to index
      %swap3A_829 = tpu.vector_load %arg21[%swap3A_828] {strides = array<i32>} : memref<128xf32, #tpu.memory_space<vmem>>, vector<16xf32>,
      tpu.vector_store %arg21[%swap3A_828], %add3A_827 {strides = array<i32>} : memref<128xf32, #tpu.memory_space<vmem>>, vector<16xf32>,
    }
    %scan3A_272 = arith.constant 4 : i32
    %dma_wait3A_273 = tpu.memref_slice %arg32[%add3A_125] : memref<100352xf32, #tpu.memory_space<vmem_shared>> -> memref<1568xf32, #tpu.memory_space<vmem_shared>>
    %dma_wait3A_274 = tpu.memref_slice %arg32[%add3A_125] : memref<100352xf32, #tpu.memory_space<vmem_shared>> -> memref<1568xf32, #tpu.memory_space<vmem_shared>>
    tpu.wait_dma2 semaphore(%arg37 : memref<!tpu.dma_semaphore, #tpu.memory_space<semaphore_mem>>) src(%arg31 : memref<1568xf32, #tpu.memory_space<vmem>>) dst(%dma_wait3A_274 : memref<1568xf32, #tpu.memory_space<vmem_shared>>)
    %dma_wait3A_275 = tpu.memref_slice %arg32[%add3A_129] : memref<100352xf32, #tpu.memory_space<vmem_shared>> -> memref<1568xf32, #tpu.memory_space<vmem_shared>>
    %dma_wait3A_276 = tpu.memref_slice %arg32[%add3A_129] : memref<100352xf32, #tpu.memory_space<vmem_shared>> -> memref<1568xf32, #tpu.memory_space<vmem_shared>>
    tpu.wait_dma2 semaphore(%arg37 : memref<!tpu.dma_semaphore, #tpu.memory_space<semaphore_mem>>) src(%arg31 : memref<1568xf32, #tpu.memory_space<vmem>>) dst(%dma_wait3A_276 : memref<1568xf32, #tpu.memory_space<vmem_shared>>)
    %dma_wait3A_277 = tpu.memref_slice %arg32[%add3A_133] : memref<100352xf32, #tpu.memory_space<vmem_shared>> -> memref<1568xf32, #tpu.memory_space<vmem_shared>>
    %dma_wait3A_278 = tpu.memref_slice %arg32[%add3A_133] : memref<100352xf32, #tpu.memory_space<vmem_shared>> -> memref<1568xf32, #tpu.memory_space<vmem_shared>>
    tpu.wait_dma2 semaphore(%arg37 : memref<!tpu.dma_semaphore, #tpu.memory_space<semaphore_mem>>) src(%arg31 : memref<1568xf32, #tpu.memory_space<vmem>>) dst(%dma_wait3A_278 : memref<1568xf32, #tpu.memory_space<vmem_shared>>)
    %dma_wait3A_279 = tpu.memref_slice %arg32[%add3A_137] : memref<100352xf32, #tpu.memory_space<vmem_shared>> -> memref<1568xf32, #tpu.memory_space<vmem_shared>>
    %dma_wait3A_280 = tpu.memref_slice %arg32[%add3A_137] : memref<100352xf32, #tpu.memory_space<vmem_shared>> -> memref<1568xf32, #tpu.memory_space<vmem_shared>>
    tpu.wait_dma2 semaphore(%arg37 : memref<!tpu.dma_semaphore, #tpu.memory_space<semaphore_mem>>) src(%arg31 : memref<1568xf32, #tpu.memory_space<vmem>>) dst(%dma_wait3A_280 : memref<1568xf32, #tpu.memory_space<vmem_shared>>)
    %dma_wait3A_281 = tpu.memref_slice %arg33[%add3A_141] : memref<100352xf32, #tpu.memory_space<vmem_shared>> -> memref<1568xf32, #tpu.memory_space<vmem_shared>>
    %dma_wait3A_282 = tpu.memref_slice %arg33[%add3A_141] : memref<100352xf32, #tpu.memory_space<vmem_shared>> -> memref<1568xf32, #tpu.memory_space<vmem_shared>>
    tpu.wait_dma2 semaphore(%arg37 : memref<!tpu.dma_semaphore, #tpu.memory_space<semaphore_mem>>) src(%arg31 : memref<1568xf32, #tpu.memory_space<vmem>>) dst(%dma_wait3A_282 : memref<1568xf32, #tpu.memory_space<vmem_shared>>)
    %dma_wait3A_283 = tpu.memref_slice %arg33[%add3A_145] : memref<100352xf32, #tpu.memory_space<vmem_shared>> -> memref<1568xf32, #tpu.memory_space<vmem_shared>>
    %dma_wait3A_284 = tpu.memref_slice %arg33[%add3A_145] : memref<100352xf32, #tpu.memory_space<vmem_shared>> -> memref<1568xf32, #tpu.memory_space<vmem_shared>>
    tpu.wait_dma2 semaphore(%arg37 : memref<!tpu.dma_semaphore, #tpu.memory_space<semaphore_mem>>) src(%arg31 : memref<1568xf32, #tpu.memory_space<vmem>>) dst(%dma_wait3A_284 : memref<1568xf32, #tpu.memory_space<vmem_shared>>)
    %dma_wait3A_285 = tpu.memref_slice %arg33[%add3A_149] : memref<100352xf32, #tpu.memory_space<vmem_shared>> -> memref<1568xf32, #tpu.memory_space<vmem_shared>>
    %dma_wait3A_286 = tpu.memref_slice %arg33[%add3A_149] : memref<100352xf32, #tpu.memory_space<vmem_shared>> -> memref<1568xf32, #tpu.memory_space<vmem_shared>>
    tpu.wait_dma2 semaphore(%arg37 : memref<!tpu.dma_semaphore, #tpu.memory_space<semaphore_mem>>) src(%arg31 : memref<1568xf32, #tpu.memory_space<vmem>>) dst(%dma_wait3A_286 : memref<1568xf32, #tpu.memory_space<vmem_shared>>)
    %dma_wait3A_287 = tpu.memref_slice %arg33[%add3A_153] : memref<100352xf32, #tpu.memory_space<vmem_shared>> -> memref<1568xf32, #tpu.memory_space<vmem_shared>>
    %dma_wait3A_288 = tpu.memref_slice %arg33[%add3A_153] : memref<100352xf32, #tpu.memory_space<vmem_shared>> -> memref<1568xf32, #tpu.memory_space<vmem_shared>>
    tpu.wait_dma2 semaphore(%arg37 : memref<!tpu.dma_semaphore, #tpu.memory_space<semaphore_mem>>) src(%arg31 : memref<1568xf32, #tpu.memory_space<vmem>>) dst(%dma_wait3A_288 : memref<1568xf32, #tpu.memory_space<vmem_shared>>)
    %dma_wait3A_289 = tpu.memref_slice %arg34[%add3A_157] : memref<100352xf32, #tpu.memory_space<vmem_shared>> -> memref<1568xf32, #tpu.memory_space<vmem_shared>>
    %dma_wait3A_290 = tpu.memref_slice %arg34[%add3A_157] : memref<100352xf32, #tpu.memory_space<vmem_shared>> -> memref<1568xf32, #tpu.memory_space<vmem_shared>>
    tpu.wait_dma2 semaphore(%arg37 : memref<!tpu.dma_semaphore, #tpu.memory_space<semaphore_mem>>) src(%arg31 : memref<1568xf32, #tpu.memory_space<vmem>>) dst(%dma_wait3A_290 : memref<1568xf32, #tpu.memory_space<vmem_shared>>)
    %dma_wait3A_291 = tpu.memref_slice %arg34[%add3A_161] : memref<100352xf32, #tpu.memory_space<vmem_shared>> -> memref<1568xf32, #tpu.memory_space<vmem_shared>>
    %dma_wait3A_292 = tpu.memref_slice %arg34[%add3A_161] : memref<100352xf32, #tpu.memory_space<vmem_shared>> -> memref<1568xf32, #tpu.memory_space<vmem_shared>>
    tpu.wait_dma2 semaphore(%arg37 : memref<!tpu.dma_semaphore, #tpu.memory_space<semaphore_mem>>) src(%arg31 : memref<1568xf32, #tpu.memory_space<vmem>>) dst(%dma_wait3A_292 : memref<1568xf32, #tpu.memory_space<vmem_shared>>)
    %dma_wait3A_293 = tpu.memref_slice %arg34[%add3A_165] : memref<100352xf32, #tpu.memory_space<vmem_shared>> -> memref<1568xf32, #tpu.memory_space<vmem_shared>>
    %dma_wait3A_294 = tpu.memref_slice %arg34[%add3A_165] : memref<100352xf32, #tpu.memory_space<vmem_shared>> -> memref<1568xf32, #tpu.memory_space<vmem_shared>>
    tpu.wait_dma2 semaphore(%arg37 : memref<!tpu.dma_semaphore, #tpu.memory_space<semaphore_mem>>) src(%arg31 : memref<1568xf32, #tpu.memory_space<vmem>>) dst(%dma_wait3A_294 : memref<1568xf32, #tpu.memory_space<vmem_shared>>)
    %dma_wait3A_295 = tpu.memref_slice %arg34[%add3A_169] : memref<100352xf32, #tpu.memory_space<vmem_shared>> -> memref<1568xf32, #tpu.memory_space<vmem_shared>>
    %dma_wait3A_296 = tpu.memref_slice %arg34[%add3A_169] : memref<100352xf32, #tpu.memory_space<vmem_shared>> -> memref<1568xf32, #tpu.memory_space<vmem_shared>>
    tpu.wait_dma2 semaphore(%arg37 : memref<!tpu.dma_semaphore, #tpu.memory_space<semaphore_mem>>) src(%arg31 : memref<1568xf32, #tpu.memory_space<vmem>>) dst(%dma_wait3A_296 : memref<1568xf32, #tpu.memory_space<vmem_shared>>)
    %dma_wait3A_297 = tpu.memref_slice %arg35[%add3A_173] : memref<100352xf32, #tpu.memory_space<vmem_shared>> -> memref<1568xf32, #tpu.memory_space<vmem_shared>>
    %dma_wait3A_298 = tpu.memref_slice %arg35[%add3A_173] : memref<100352xf32, #tpu.memory_space<vmem_shared>> -> memref<1568xf32, #tpu.memory_space<vmem_shared>>
    tpu.wait_dma2 semaphore(%arg37 : memref<!tpu.dma_semaphore, #tpu.memory_space<semaphore_mem>>) src(%arg31 : memref<1568xf32, #tpu.memory_space<vmem>>) dst(%dma_wait3A_298 : memref<1568xf32, #tpu.memory_space<vmem_shared>>)
    %dma_wait3A_299 = tpu.memref_slice %arg35[%add3A_177] : memref<100352xf32, #tpu.memory_space<vmem_shared>> -> memref<1568xf32, #tpu.memory_space<vmem_shared>>
    %dma_wait3A_300 = tpu.memref_slice %arg35[%add3A_177] : memref<100352xf32, #tpu.memory_space<vmem_shared>> -> memref<1568xf32, #tpu.memory_space<vmem_shared>>
    tpu.wait_dma2 semaphore(%arg37 : memref<!tpu.dma_semaphore, #tpu.memory_space<semaphore_mem>>) src(%arg31 : memref<1568xf32, #tpu.memory_space<vmem>>) dst(%dma_wait3A_300 : memref<1568xf32, #tpu.memory_space<vmem_shared>>)
    %dma_wait3A_301 = tpu.memref_slice %arg35[%add3A_181] : memref<100352xf32, #tpu.memory_space<vmem_shared>> -> memref<1568xf32, #tpu.memory_space<vmem_shared>>
    %dma_wait3A_302 = tpu.memref_slice %arg35[%add3A_181] : memref<100352xf32, #tpu.memory_space<vmem_shared>> -> memref<1568xf32, #tpu.memory_space<vmem_shared>>
    tpu.wait_dma2 semaphore(%arg37 : memref<!tpu.dma_semaphore, #tpu.memory_space<semaphore_mem>>) src(%arg31 : memref<1568xf32, #tpu.memory_space<vmem>>) dst(%dma_wait3A_302 : memref<1568xf32, #tpu.memory_space<vmem_shared>>)
    %dma_wait3A_303 = tpu.memref_slice %arg35[%add3A_185] : memref<100352xf32, #tpu.memory_space<vmem_shared>> -> memref<1568xf32, #tpu.memory_space<vmem_shared>>
    %dma_wait3A_304 = tpu.memref_slice %arg35[%add3A_185] : memref<100352xf32, #tpu.memory_space<vmem_shared>> -> memref<1568xf32, #tpu.memory_space<vmem_shared>>
    tpu.wait_dma2 semaphore(%arg37 : memref<!tpu.dma_semaphore, #tpu.memory_space<semaphore_mem>>) src(%arg31 : memref<1568xf32, #tpu.memory_space<vmem>>) dst(%dma_wait3A_304 : memref<1568xf32, #tpu.memory_space<vmem_shared>>)
    %barrier3A = arith.constant 0 : index
    tpu.barrier barrier_id(%barrier3A)
    %dma_start3A_305 = arith.constant 0 : i32
    %dma_start3A_306 = arith.constant 0 : i32
    %dma_start3A_307 = tpu.memref_slice %arg11[%dma_start3A_305, %dma_start3A_306] : memref<3x128xi32, #tpu.memory_space<vmem>> -> memref<1x128xi32, #tpu.memory_space<vmem>>
    %dma_start3A_308 = tpu.memref_squeeze %dma_start3A_307 : memref<1x128xi32, #tpu.memory_space<vmem>> -> memref<128xi32, #tpu.memory_space<vmem>>
    %dma_start3A_309 = arith.constant 0 : i32
    %dma_start3A_310 = tpu.memref_slice %arg32[%dma_start3A_309] : memref<100352xf32, #tpu.memory_space<vmem_shared>> -> memref<100352xf32, #tpu.memory_space<vmem_shared>>
    tpu.enqueue_indirect_dma source(%arg19 : memref<128xf32, #tpu.memory_space<vmem>>) target(%dma_start3A_310 : memref<100352xf32, #tpu.memory_space<vmem_shared>>) offsets(%dma_start3A_308 : memref<128xi32, #tpu.memory_space<vmem>>) semaphore(%arg38 : memref<!tpu.dma_semaphore, #tpu.memory_space<semaphore_mem>>) {add = true}
    %dma_start3A_311 = arith.constant 0 : i32
    %dma_start3A_312 = arith.constant 0 : i32
    %dma_start3A_313 = tpu.memref_slice %arg11[%dma_start3A_311, %dma_start3A_312] : memref<3x128xi32, #tpu.memory_space<vmem>> -> memref<1x128xi32, #tpu.memory_space<vmem>>
    %dma_start3A_314 = tpu.memref_squeeze %dma_start3A_313 : memref<1x128xi32, #tpu.memory_space<vmem>> -> memref<128xi32, #tpu.memory_space<vmem>>
    %dma_start3A_315 = arith.constant 0 : i32
    %dma_start3A_316 = tpu.memref_slice %arg33[%dma_start3A_315] : memref<100352xf32, #tpu.memory_space<vmem_shared>> -> memref<100352xf32, #tpu.memory_space<vmem_shared>>
    tpu.enqueue_indirect_dma source(%arg29 : memref<128xf32, #tpu.memory_space<vmem>>) target(%dma_start3A_316 : memref<100352xf32, #tpu.memory_space<vmem_shared>>) offsets(%dma_start3A_314 : memref<128xi32, #tpu.memory_space<vmem>>) semaphore(%arg38 : memref<!tpu.dma_semaphore, #tpu.memory_space<semaphore_mem>>) {add = true}
    %dma_start3A_317 = arith.constant 2 : i32
    %dma_start3A_318 = arith.constant 0 : i32
    %dma_start3A_319 = tpu.memref_slice %arg11[%dma_start3A_317, %dma_start3A_318] : memref<3x128xi32, #tpu.memory_space<vmem>> -> memref<1x128xi32, #tpu.memory_space<vmem>>
    %dma_start3A_320 = tpu.memref_squeeze %dma_start3A_319 : memref<1x128xi32, #tpu.memory_space<vmem>> -> memref<128xi32, #tpu.memory_space<vmem>>
    %dma_start3A_321 = arith.constant 0 : i32
    %dma_start3A_322 = tpu.memref_slice %arg32[%dma_start3A_321] : memref<100352xf32, #tpu.memory_space<vmem_shared>> -> memref<100352xf32, #tpu.memory_space<vmem_shared>>
    tpu.enqueue_indirect_dma source(%arg20 : memref<128xf32, #tpu.memory_space<vmem>>) target(%dma_start3A_322 : memref<100352xf32, #tpu.memory_space<vmem_shared>>) offsets(%dma_start3A_320 : memref<128xi32, #tpu.memory_space<vmem>>) semaphore(%arg38 : memref<!tpu.dma_semaphore, #tpu.memory_space<semaphore_mem>>) {add = true}
    %dma_start3A_323 = arith.constant 2 : i32
    %dma_start3A_324 = arith.constant 0 : i32
    %dma_start3A_325 = tpu.memref_slice %arg11[%dma_start3A_323, %dma_start3A_324] : memref<3x128xi32, #tpu.memory_space<vmem>> -> memref<1x128xi32, #tpu.memory_space<vmem>>
    %dma_start3A_326 = tpu.memref_squeeze %dma_start3A_325 : memref<1x128xi32, #tpu.memory_space<vmem>> -> memref<128xi32, #tpu.memory_space<vmem>>
    %dma_start3A_327 = arith.constant 0 : i32
    %dma_start3A_328 = tpu.memref_slice %arg33[%dma_start3A_327] : memref<100352xf32, #tpu.memory_space<vmem_shared>> -> memref<100352xf32, #tpu.memory_space<vmem_shared>>
    tpu.enqueue_indirect_dma source(%arg29 : memref<128xf32, #tpu.memory_space<vmem>>) target(%dma_start3A_328 : memref<100352xf32, #tpu.memory_space<vmem_shared>>) offsets(%dma_start3A_326 : memref<128xi32, #tpu.memory_space<vmem>>) semaphore(%arg38 : memref<!tpu.dma_semaphore, #tpu.memory_space<semaphore_mem>>) {add = true}
    %dma_start3A_329 = arith.constant 1 : i32
    %dma_start3A_330 = arith.constant 0 : i32
    %dma_start3A_331 = tpu.memref_slice %arg11[%dma_start3A_329, %dma_start3A_330] : memref<3x128xi32, #tpu.memory_space<vmem>> -> memref<1x128xi32, #tpu.memory_space<vmem>>
    %dma_start3A_332 = tpu.memref_squeeze %dma_start3A_331 : memref<1x128xi32, #tpu.memory_space<vmem>> -> memref<128xi32, #tpu.memory_space<vmem>>
    %dma_start3A_333 = arith.constant 0 : i32
    %dma_start3A_334 = tpu.memref_slice %arg34[%dma_start3A_333] : memref<100352xf32, #tpu.memory_space<vmem_shared>> -> memref<100352xf32, #tpu.memory_space<vmem_shared>>
    tpu.enqueue_indirect_dma source(%arg21 : memref<128xf32, #tpu.memory_space<vmem>>) target(%dma_start3A_334 : memref<100352xf32, #tpu.memory_space<vmem_shared>>) offsets(%dma_start3A_332 : memref<128xi32, #tpu.memory_space<vmem>>) semaphore(%arg38 : memref<!tpu.dma_semaphore, #tpu.memory_space<semaphore_mem>>) {add = true}
    %dma_start3A_335 = arith.constant 1 : i32
    %dma_start3A_336 = arith.constant 0 : i32
    %dma_start3A_337 = tpu.memref_slice %arg11[%dma_start3A_335, %dma_start3A_336] : memref<3x128xi32, #tpu.memory_space<vmem>> -> memref<1x128xi32, #tpu.memory_space<vmem>>
    %dma_start3A_338 = tpu.memref_squeeze %dma_start3A_337 : memref<1x128xi32, #tpu.memory_space<vmem>> -> memref<128xi32, #tpu.memory_space<vmem>>
    %dma_start3A_339 = arith.constant 0 : i32
    %dma_start3A_340 = tpu.memref_slice %arg35[%dma_start3A_339] : memref<100352xf32, #tpu.memory_space<vmem_shared>> -> memref<100352xf32, #tpu.memory_space<vmem_shared>>
    tpu.enqueue_indirect_dma source(%arg29 : memref<128xf32, #tpu.memory_space<vmem>>) target(%dma_start3A_340 : memref<100352xf32, #tpu.memory_space<vmem_shared>>) offsets(%dma_start3A_338 : memref<128xi32, #tpu.memory_space<vmem>>) semaphore(%arg38 : memref<!tpu.dma_semaphore, #tpu.memory_space<semaphore_mem>>) {add = true}
    %dma_wait3A_341 = arith.constant 0 : i32
    %dma_wait3A_342 = arith.constant 0 : i32
    %dma_wait3A_343 = tpu.memref_slice %arg12[%dma_wait3A_341, %dma_wait3A_342] : memref<3x128xi32, #tpu.memory_space<vmem>> -> memref<1x128xi32, #tpu.memory_space<vmem>>
    %dma_wait3A_344 = tpu.memref_squeeze %dma_wait3A_343 : memref<1x128xi32, #tpu.memory_space<vmem>> -> memref<128xi32, #tpu.memory_space<vmem>>
    %dma_wait3A_345 = arith.constant 0 : i32
    %dma_wait3A_346 = arith.constant 0 : i32
    %dma_wait3A_347 = tpu.memref_slice %arg4[%dma_wait3A_345, %dma_wait3A_346] : memref<100000x128xf32, #tpu.memory_space<hbm>> -> memref<100000x128xf32, #tpu.memory_space<hbm>>
    tpu.wait_indirect_dma semaphore(%arg36 : memref<!tpu.dma_semaphore, #tpu.memory_space<semaphore_mem>>) src(%dma_wait3A_347 : memref<100000x128xf32, #tpu.memory_space<hbm>>) dst(%arg16 : memref<128x128xf32, #tpu.memory_space<vmem>>)
    %dma_wait3A_348 = arith.constant 1 : i32
    %dma_wait3A_349 = arith.constant 0 : i32
    %dma_wait3A_350 = tpu.memref_slice %arg12[%dma_wait3A_348, %dma_wait3A_349] : memref<3x128xi32, #tpu.memory_space<vmem>> -> memref<1x128xi32, #tpu.memory_space<vmem>>
    %dma_wait3A_351 = tpu.memref_squeeze %dma_wait3A_350 : memref<1x128xi32, #tpu.memory_space<vmem>> -> memref<128xi32, #tpu.memory_space<vmem>>
    %dma_wait3A_352 = arith.constant 0 : i32
    %dma_wait3A_353 = arith.constant 0 : i32
    %dma_wait3A_354 = tpu.memref_slice %arg5[%dma_wait3A_352, %dma_wait3A_353] : memref<100000x128xf32, #tpu.memory_space<hbm>> -> memref<100000x128xf32, #tpu.memory_space<hbm>>
    tpu.wait_indirect_dma semaphore(%arg36 : memref<!tpu.dma_semaphore, #tpu.memory_space<semaphore_mem>>) src(%dma_wait3A_354 : memref<100000x128xf32, #tpu.memory_space<hbm>>) dst(%arg17 : memref<128x128xf32, #tpu.memory_space<vmem>>)
    %dma_wait3A_355 = arith.constant 2 : i32
    %dma_wait3A_356 = arith.constant 0 : i32
    %dma_wait3A_357 = tpu.memref_slice %arg12[%dma_wait3A_355, %dma_wait3A_356] : memref<3x128xi32, #tpu.memory_space<vmem>> -> memref<1x128xi32, #tpu.memory_space<vmem>>
    %dma_wait3A_358 = tpu.memref_squeeze %dma_wait3A_357 : memref<1x128xi32, #tpu.memory_space<vmem>> -> memref<128xi32, #tpu.memory_space<vmem>>
    %dma_wait3A_359 = arith.constant 0 : i32
    %dma_wait3A_360 = arith.constant 0 : i32
    %dma_wait3A_361 = tpu.memref_slice %arg4[%dma_wait3A_359, %dma_wait3A_360] : memref<100000x128xf32, #tpu.memory_space<hbm>> -> memref<100000x128xf32, #tpu.memory_space<hbm>>
    tpu.wait_indirect_dma semaphore(%arg36 : memref<!tpu.dma_semaphore, #tpu.memory_space<semaphore_mem>>) src(%dma_wait3A_361 : memref<100000x128xf32, #tpu.memory_space<hbm>>) dst(%arg18 : memref<128x128xf32, #tpu.memory_space<vmem>>)
    %scan3A_362 = arith.constant 0 : i32
    %scan3A_363 = arith.constant 8 : i32
    %scan3A_364 = arith.addi %scan3A_362, %scan3A_363 : i32
    %scan3A_365 = arith.constant 1 : i32
    %scan3A_366 = scf.for %scan3A_491 = %scan3A_362 to %scan3A_364 step %scan3A_365 iter_args(%scan3A_492 = %broadcast_in_dim3A_1) -> (vector<16xf32>)  : i32 {
      %scan3A_493 = arith.constant 0 : i32
      %scan3A_494 = arith.constant 16 : i32
      %scan3A_495 = arith.addi %scan3A_493, %scan3A_494 : i32
      %scan3A_496 = arith.constant 1 : i32
      scf.for %scan3A_758 = %scan3A_493 to %scan3A_495 step %scan3A_496  : i32 {
        %mul3A_759 = arith.constant 16 : i32
        %mul3A_760 = arith.muli %scan3A_491, %mul3A_759 : i32
        %add3A_761 = arith.addi %mul3A_760, %scan3A_758 : i32
        %get3A_762 = arith.index_cast %add3A_761 : i32 to index
        %get3A_763 = arith.constant 0 : index
        %get3A_764 = tpu.vector_load %arg16[%get3A_762, %get3A_763] {strides = array<i32>} : memref<128x128xf32, #tpu.memory_space<vmem>>, vector<16xf32>,
        %get3A_765 = arith.index_cast %add3A_761 : i32 to index
        %get3A_766 = arith.constant 0 : index
        %get3A_767 = tpu.vector_load %arg17[%get3A_765, %get3A_766] {strides = array<i32>} : memref<128x128xf32, #tpu.memory_space<vmem>>, vector<16xf32>,
        %get3A_768 = arith.index_cast %add3A_761 : i32 to index
        %get3A_769 = arith.constant 0 : index
        %get3A_770 = tpu.vector_load %arg18[%get3A_768, %get3A_769] {strides = array<i32>} : memref<128x128xf32, #tpu.memory_space<vmem>>, vector<16xf32>,
        %add3A_771 = arith.addf %get3A_764, %get3A_767 : vector<16xf32>
        %sub3A_772 = arith.subf %add3A_771, %get3A_770 : vector<16xf32>
        %mul3A_773 = arith.mulf %sub3A_772, %sub3A_772 : vector<16xf32>
        %add3A_774 = arith.addf %broadcast_in_dim3A_1, %mul3A_773 : vector<16xf32>
        %mul3A_775 = arith.mulf %get3A_764, %get3A_764 : vector<16xf32>
        %add3A_776 = arith.addf %broadcast_in_dim3A_1, %mul3A_775 : vector<16xf32>
        %mul3A_777 = arith.mulf %get3A_770, %get3A_770 : vector<16xf32>
        %add3A_778 = arith.addf %broadcast_in_dim3A_1, %mul3A_777 : vector<16xf32>
        %get3A_779 = arith.index_cast %add3A_761 : i32 to index
        %get3A_780 = arith.constant 16 : index
        %get3A_781 = tpu.vector_load %arg16[%get3A_779, %get3A_780] {strides = array<i32>} : memref<128x128xf32, #tpu.memory_space<vmem>>, vector<16xf32>,
        %get3A_782 = arith.index_cast %add3A_761 : i32 to index
        %get3A_783 = arith.constant 16 : index
        %get3A_784 = tpu.vector_load %arg17[%get3A_782, %get3A_783] {strides = array<i32>} : memref<128x128xf32, #tpu.memory_space<vmem>>, vector<16xf32>,
        %get3A_785 = arith.index_cast %add3A_761 : i32 to index
        %get3A_786 = arith.constant 16 : index
        %get3A_787 = tpu.vector_load %arg18[%get3A_785, %get3A_786] {strides = array<i32>} : memref<128x128xf32, #tpu.memory_space<vmem>>, vector<16xf32>,
        %add3A_788 = arith.addf %get3A_781, %get3A_784 : vector<16xf32>
        %sub3A_789 = arith.subf %add3A_788, %get3A_787 : vector<16xf32>
        %mul3A_790 = arith.mulf %sub3A_789, %sub3A_789 : vector<16xf32>
        %add3A_791 = arith.addf %add3A_774, %mul3A_790 : vector<16xf32>
        %mul3A_792 = arith.mulf %get3A_781, %get3A_781 : vector<16xf32>
        %add3A_793 = arith.addf %add3A_776, %mul3A_792 : vector<16xf32>
        %mul3A_794 = arith.mulf %get3A_787, %get3A_787 : vector<16xf32>
        %add3A_795 = arith.addf %add3A_778, %mul3A_794 : vector<16xf32>
        %get3A_796 = arith.index_cast %add3A_761 : i32 to index
        %get3A_797 = arith.constant 32 : index
        %get3A_798 = tpu.vector_load %arg16[%get3A_796, %get3A_797] {strides = array<i32>} : memref<128x128xf32, #tpu.memory_space<vmem>>, vector<16xf32>,
        %get3A_799 = arith.index_cast %add3A_761 : i32 to index
        %get3A_800 = arith.constant 32 : index
        %get3A_801 = tpu.vector_load %arg17[%get3A_799, %get3A_800] {strides = array<i32>} : memref<128x128xf32, #tpu.memory_space<vmem>>, vector<16xf32>,
        %get3A_802 = arith.index_cast %add3A_761 : i32 to index
        %get3A_803 = arith.constant 32 : index
        %get3A_804 = tpu.vector_load %arg18[%get3A_802, %get3A_803] {strides = array<i32>} : memref<128x128xf32, #tpu.memory_space<vmem>>, vector<16xf32>,
        %add3A_805 = arith.addf %get3A_798, %get3A_801 : vector<16xf32>
        %sub3A_806 = arith.subf %add3A_805, %get3A_804 : vector<16xf32>
        %mul3A_807 = arith.mulf %sub3A_806, %sub3A_806 : vector<16xf32>
        %add3A_808 = arith.addf %add3A_791, %mul3A_807 : vector<16xf32>
        %mul3A_809 = arith.mulf %get3A_798, %get3A_798 : vector<16xf32>
        %add3A_810 = arith.addf %add3A_793, %mul3A_809 : vector<16xf32>
        %mul3A_811 = arith.mulf %get3A_804, %get3A_804 : vector<16xf32>
        %add3A_812 = arith.addf %add3A_795, %mul3A_811 : vector<16xf32>
        %get3A_813 = arith.index_cast %add3A_761 : i32 to index
        %get3A_814 = arith.constant 48 : index
        %get3A_815 = tpu.vector_load %arg16[%get3A_813, %get3A_814] {strides = array<i32>} : memref<128x128xf32, #tpu.memory_space<vmem>>, vector<16xf32>,
        %get3A_816 = arith.index_cast %add3A_761 : i32 to index
        %get3A_817 = arith.constant 48 : index
        %get3A_818 = tpu.vector_load %arg17[%get3A_816, %get3A_817] {strides = array<i32>} : memref<128x128xf32, #tpu.memory_space<vmem>>, vector<16xf32>,
        %get3A_819 = arith.index_cast %add3A_761 : i32 to index
        %get3A_820 = arith.constant 48 : index
        %get3A_821 = tpu.vector_load %arg18[%get3A_819, %get3A_820] {strides = array<i32>} : memref<128x128xf32, #tpu.memory_space<vmem>>, vector<16xf32>,
        %add3A_822 = arith.addf %get3A_815, %get3A_818 : vector<16xf32>
        %sub3A_823 = arith.subf %add3A_822, %get3A_821 : vector<16xf32>
        %mul3A_824 = arith.mulf %sub3A_823, %sub3A_823 : vector<16xf32>
        %add3A_825 = arith.addf %add3A_808, %mul3A_824 : vector<16xf32>
        %mul3A_826 = arith.mulf %get3A_815, %get3A_815 : vector<16xf32>
        %add3A_827 = arith.addf %add3A_810, %mul3A_826 : vector<16xf32>
        %mul3A_828 = arith.mulf %get3A_821, %get3A_821 : vector<16xf32>
        %add3A_829 = arith.addf %add3A_812, %mul3A_828 : vector<16xf32>
        %get3A_830 = arith.index_cast %add3A_761 : i32 to index
        %get3A_831 = arith.constant 64 : index
        %get3A_832 = tpu.vector_load %arg16[%get3A_830, %get3A_831] {strides = array<i32>} : memref<128x128xf32, #tpu.memory_space<vmem>>, vector<16xf32>,
        %get3A_833 = arith.index_cast %add3A_761 : i32 to index
        %get3A_834 = arith.constant 64 : index
        %get3A_835 = tpu.vector_load %arg17[%get3A_833, %get3A_834] {strides = array<i32>} : memref<128x128xf32, #tpu.memory_space<vmem>>, vector<16xf32>,
        %get3A_836 = arith.index_cast %add3A_761 : i32 to index
        %get3A_837 = arith.constant 64 : index
        %get3A_838 = tpu.vector_load %arg18[%get3A_836, %get3A_837] {strides = array<i32>} : memref<128x128xf32, #tpu.memory_space<vmem>>, vector<16xf32>,
        %add3A_839 = arith.addf %get3A_832, %get3A_835 : vector<16xf32>
        %sub3A_840 = arith.subf %add3A_839, %get3A_838 : vector<16xf32>
        %mul3A_841 = arith.mulf %sub3A_840, %sub3A_840 : vector<16xf32>
        %add3A_842 = arith.addf %add3A_825, %mul3A_841 : vector<16xf32>
        %mul3A_843 = arith.mulf %get3A_832, %get3A_832 : vector<16xf32>
        %add3A_844 = arith.addf %add3A_827, %mul3A_843 : vector<16xf32>
        %mul3A_845 = arith.mulf %get3A_838, %get3A_838 : vector<16xf32>
        %add3A_846 = arith.addf %add3A_829, %mul3A_845 : vector<16xf32>
        %get3A_847 = arith.index_cast %add3A_761 : i32 to index
        %get3A_848 = arith.constant 80 : index
        %get3A_849 = tpu.vector_load %arg16[%get3A_847, %get3A_848] {strides = array<i32>} : memref<128x128xf32, #tpu.memory_space<vmem>>, vector<16xf32>,
        %get3A_850 = arith.index_cast %add3A_761 : i32 to index
        %get3A_851 = arith.constant 80 : index
        %get3A_852 = tpu.vector_load %arg17[%get3A_850, %get3A_851] {strides = array<i32>} : memref<128x128xf32, #tpu.memory_space<vmem>>, vector<16xf32>,
        %get3A_853 = arith.index_cast %add3A_761 : i32 to index
        %get3A_854 = arith.constant 80 : index
        %get3A_855 = tpu.vector_load %arg18[%get3A_853, %get3A_854] {strides = array<i32>} : memref<128x128xf32, #tpu.memory_space<vmem>>, vector<16xf32>,
        %add3A_856 = arith.addf %get3A_849, %get3A_852 : vector<16xf32>
        %sub3A_857 = arith.subf %add3A_856, %get3A_855 : vector<16xf32>
        %mul3A_858 = arith.mulf %sub3A_857, %sub3A_857 : vector<16xf32>
        %add3A_859 = arith.addf %add3A_842, %mul3A_858 : vector<16xf32>
        %mul3A_860 = arith.mulf %get3A_849, %get3A_849 : vector<16xf32>
        %add3A_861 = arith.addf %add3A_844, %mul3A_860 : vector<16xf32>
        %mul3A_862 = arith.mulf %get3A_855, %get3A_855 : vector<16xf32>
        %add3A_863 = arith.addf %add3A_846, %mul3A_862 : vector<16xf32>
        %get3A_864 = arith.index_cast %add3A_761 : i32 to index
        %get3A_865 = arith.constant 96 : index
        %get3A_866 = tpu.vector_load %arg16[%get3A_864, %get3A_865] {strides = array<i32>} : memref<128x128xf32, #tpu.memory_space<vmem>>, vector<16xf32>,
        %get3A_867 = arith.index_cast %add3A_761 : i32 to index
        %get3A_868 = arith.constant 96 : index
        %get3A_869 = tpu.vector_load %arg17[%get3A_867, %get3A_868] {strides = array<i32>} : memref<128x128xf32, #tpu.memory_space<vmem>>, vector<16xf32>,
        %get3A_870 = arith.index_cast %add3A_761 : i32 to index
        %get3A_871 = arith.constant 96 : index
        %get3A_872 = tpu.vector_load %arg18[%get3A_870, %get3A_871] {strides = array<i32>} : memref<128x128xf32, #tpu.memory_space<vmem>>, vector<16xf32>,
        %add3A_873 = arith.addf %get3A_866, %get3A_869 : vector<16xf32>
        %sub3A_874 = arith.subf %add3A_873, %get3A_872 : vector<16xf32>
        %mul3A_875 = arith.mulf %sub3A_874, %sub3A_874 : vector<16xf32>
        %add3A_876 = arith.addf %add3A_859, %mul3A_875 : vector<16xf32>
        %mul3A_877 = arith.mulf %get3A_866, %get3A_866 : vector<16xf32>
        %add3A_878 = arith.addf %add3A_861, %mul3A_877 : vector<16xf32>
        %mul3A_879 = arith.mulf %get3A_872, %get3A_872 : vector<16xf32>
        %add3A_880 = arith.addf %add3A_863, %mul3A_879 : vector<16xf32>
        %get3A_881 = arith.index_cast %add3A_761 : i32 to index
        %get3A_882 = arith.constant 112 : index
        %get3A_883 = tpu.vector_load %arg16[%get3A_881, %get3A_882] {strides = array<i32>} : memref<128x128xf32, #tpu.memory_space<vmem>>, vector<16xf32>,
        %get3A_884 = arith.index_cast %add3A_761 : i32 to index
        %get3A_885 = arith.constant 112 : index
        %get3A_886 = tpu.vector_load %arg17[%get3A_884, %get3A_885] {strides = array<i32>} : memref<128x128xf32, #tpu.memory_space<vmem>>, vector<16xf32>,
        %get3A_887 = arith.index_cast %add3A_761 : i32 to index
        %get3A_888 = arith.constant 112 : index
        %get3A_889 = tpu.vector_load %arg18[%get3A_887, %get3A_888] {strides = array<i32>} : memref<128x128xf32, #tpu.memory_space<vmem>>, vector<16xf32>,
        %add3A_890 = arith.addf %get3A_883, %get3A_886 : vector<16xf32>
        %sub3A_891 = arith.subf %add3A_890, %get3A_889 : vector<16xf32>
        %mul3A_892 = arith.mulf %sub3A_891, %sub3A_891 : vector<16xf32>
        %add3A_893 = arith.addf %add3A_876, %mul3A_892 : vector<16xf32>
        %mul3A_894 = arith.mulf %get3A_883, %get3A_883 : vector<16xf32>
        %add3A_895 = arith.addf %add3A_878, %mul3A_894 : vector<16xf32>
        %mul3A_896 = arith.mulf %get3A_889, %get3A_889 : vector<16xf32>
        %add3A_897 = arith.addf %add3A_880, %mul3A_896 : vector<16xf32>
        %mul3A_898 = arith.constant 17 : i32
        %mul3A_899 = arith.muli %scan3A_758, %mul3A_898 : i32
        %swap3A_900 = arith.index_cast %mul3A_899 : i32 to index
        %swap3A_901 = tpu.vector_load %arg25[%swap3A_900] {strides = array<i32>} : memref<272xf32, #tpu.memory_space<vmem>>, vector<16xf32>,
        tpu.vector_store %arg25[%swap3A_900], %add3A_893 {strides = array<i32>} : memref<272xf32, #tpu.memory_space<vmem>>, vector<16xf32>,
        %swap3A_902 = arith.index_cast %mul3A_899 : i32 to index
        %swap3A_903 = tpu.vector_load %arg26[%swap3A_902] {strides = array<i32>} : memref<272xf32, #tpu.memory_space<vmem>>, vector<16xf32>,
        tpu.vector_store %arg26[%swap3A_902], %add3A_895 {strides = array<i32>} : memref<272xf32, #tpu.memory_space<vmem>>, vector<16xf32>,
        %swap3A_904 = arith.index_cast %mul3A_899 : i32 to index
        %swap3A_905 = tpu.vector_load %arg27[%swap3A_904] {strides = array<i32>} : memref<272xf32, #tpu.memory_space<vmem>>, vector<16xf32>,
        tpu.vector_store %arg27[%swap3A_904], %add3A_897 {strides = array<i32>} : memref<272xf32, #tpu.memory_space<vmem>>, vector<16xf32>,
      }
      %scan3A_497 = arith.constant 16 : i32
      %mul3A_498 = arith.constant 16 : i32
      %mul3A_499 = arith.muli %scan3A_491, %mul3A_498 : i32
      %gather3A = tpu.vector_load_idx %arg25[%mul3A_6] : memref<272xf32, #tpu.memory_space<vmem>>[vector<16xi32>], vector<16xf32>,
      %add3A_500 = arith.constant 1 : i32
      %add3A_501 = vector.broadcast %add3A_500 : i32 to vector<16xi32>
      %add3A_502 = arith.addi %mul3A_6, %add3A_501 : vector<16xi32>
      %gather3A_503 = tpu.vector_load_idx %arg25[%add3A_502] : memref<272xf32, #tpu.memory_space<vmem>>[vector<16xi32>], vector<16xf32>,
      %add3A_504 = arith.addf %gather3A, %gather3A_503 : vector<16xf32>
      %add3A_505 = arith.constant 2 : i32
      %add3A_506 = vector.broadcast %add3A_505 : i32 to vector<16xi32>
      %add3A_507 = arith.addi %mul3A_6, %add3A_506 : vector<16xi32>
      %gather3A_508 = tpu.vector_load_idx %arg25[%add3A_507] : memref<272xf32, #tpu.memory_space<vmem>>[vector<16xi32>], vector<16xf32>,
      %add3A_509 = arith.addf %add3A_504, %gather3A_508 : vector<16xf32>
      %add3A_510 = arith.constant 3 : i32
      %add3A_511 = vector.broadcast %add3A_510 : i32 to vector<16xi32>
      %add3A_512 = arith.addi %mul3A_6, %add3A_511 : vector<16xi32>
      %gather3A_513 = tpu.vector_load_idx %arg25[%add3A_512] : memref<272xf32, #tpu.memory_space<vmem>>[vector<16xi32>], vector<16xf32>,
      %add3A_514 = arith.addf %add3A_509, %gather3A_513 : vector<16xf32>
      %add3A_515 = arith.constant 4 : i32
      %add3A_516 = vector.broadcast %add3A_515 : i32 to vector<16xi32>
      %add3A_517 = arith.addi %mul3A_6, %add3A_516 : vector<16xi32>
      %gather3A_518 = tpu.vector_load_idx %arg25[%add3A_517] : memref<272xf32, #tpu.memory_space<vmem>>[vector<16xi32>], vector<16xf32>,
      %add3A_519 = arith.addf %add3A_514, %gather3A_518 : vector<16xf32>
      %add3A_520 = arith.constant 5 : i32
      %add3A_521 = vector.broadcast %add3A_520 : i32 to vector<16xi32>
      %add3A_522 = arith.addi %mul3A_6, %add3A_521 : vector<16xi32>
      %gather3A_523 = tpu.vector_load_idx %arg25[%add3A_522] : memref<272xf32, #tpu.memory_space<vmem>>[vector<16xi32>], vector<16xf32>,
      %add3A_524 = arith.addf %add3A_519, %gather3A_523 : vector<16xf32>
      %add3A_525 = arith.constant 6 : i32
      %add3A_526 = vector.broadcast %add3A_525 : i32 to vector<16xi32>
      %add3A_527 = arith.addi %mul3A_6, %add3A_526 : vector<16xi32>
      %gather3A_528 = tpu.vector_load_idx %arg25[%add3A_527] : memref<272xf32, #tpu.memory_space<vmem>>[vector<16xi32>], vector<16xf32>,
      %add3A_529 = arith.addf %add3A_524, %gather3A_528 : vector<16xf32>
      %add3A_530 = arith.constant 7 : i32
      %add3A_531 = vector.broadcast %add3A_530 : i32 to vector<16xi32>
      %add3A_532 = arith.addi %mul3A_6, %add3A_531 : vector<16xi32>
      %gather3A_533 = tpu.vector_load_idx %arg25[%add3A_532] : memref<272xf32, #tpu.memory_space<vmem>>[vector<16xi32>], vector<16xf32>,
      %add3A_534 = arith.addf %add3A_529, %gather3A_533 : vector<16xf32>
      %add3A_535 = arith.constant 8 : i32
      %add3A_536 = vector.broadcast %add3A_535 : i32 to vector<16xi32>
      %add3A_537 = arith.addi %mul3A_6, %add3A_536 : vector<16xi32>
      %gather3A_538 = tpu.vector_load_idx %arg25[%add3A_537] : memref<272xf32, #tpu.memory_space<vmem>>[vector<16xi32>], vector<16xf32>,
      %add3A_539 = arith.addf %add3A_534, %gather3A_538 : vector<16xf32>
      %add3A_540 = arith.constant 9 : i32
      %add3A_541 = vector.broadcast %add3A_540 : i32 to vector<16xi32>
      %add3A_542 = arith.addi %mul3A_6, %add3A_541 : vector<16xi32>
      %gather3A_543 = tpu.vector_load_idx %arg25[%add3A_542] : memref<272xf32, #tpu.memory_space<vmem>>[vector<16xi32>], vector<16xf32>,
      %add3A_544 = arith.addf %add3A_539, %gather3A_543 : vector<16xf32>
      %add3A_545 = arith.constant 10 : i32
      %add3A_546 = vector.broadcast %add3A_545 : i32 to vector<16xi32>
      %add3A_547 = arith.addi %mul3A_6, %add3A_546 : vector<16xi32>
      %gather3A_548 = tpu.vector_load_idx %arg25[%add3A_547] : memref<272xf32, #tpu.memory_space<vmem>>[vector<16xi32>], vector<16xf32>,
      %add3A_549 = arith.addf %add3A_544, %gather3A_548 : vector<16xf32>
      %add3A_550 = arith.constant 11 : i32
      %add3A_551 = vector.broadcast %add3A_550 : i32 to vector<16xi32>
      %add3A_552 = arith.addi %mul3A_6, %add3A_551 : vector<16xi32>
      %gather3A_553 = tpu.vector_load_idx %arg25[%add3A_552] : memref<272xf32, #tpu.memory_space<vmem>>[vector<16xi32>], vector<16xf32>,
      %add3A_554 = arith.addf %add3A_549, %gather3A_553 : vector<16xf32>
      %add3A_555 = arith.constant 12 : i32
      %add3A_556 = vector.broadcast %add3A_555 : i32 to vector<16xi32>
      %add3A_557 = arith.addi %mul3A_6, %add3A_556 : vector<16xi32>
      %gather3A_558 = tpu.vector_load_idx %arg25[%add3A_557] : memref<272xf32, #tpu.memory_space<vmem>>[vector<16xi32>], vector<16xf32>,
      %add3A_559 = arith.addf %add3A_554, %gather3A_558 : vector<16xf32>
      %add3A_560 = arith.constant 13 : i32
      %add3A_561 = vector.broadcast %add3A_560 : i32 to vector<16xi32>
      %add3A_562 = arith.addi %mul3A_6, %add3A_561 : vector<16xi32>
      %gather3A_563 = tpu.vector_load_idx %arg25[%add3A_562] : memref<272xf32, #tpu.memory_space<vmem>>[vector<16xi32>], vector<16xf32>,
      %add3A_564 = arith.addf %add3A_559, %gather3A_563 : vector<16xf32>
      %add3A_565 = arith.constant 14 : i32
      %add3A_566 = vector.broadcast %add3A_565 : i32 to vector<16xi32>
      %add3A_567 = arith.addi %mul3A_6, %add3A_566 : vector<16xi32>
      %gather3A_568 = tpu.vector_load_idx %arg25[%add3A_567] : memref<272xf32, #tpu.memory_space<vmem>>[vector<16xi32>], vector<16xf32>,
      %add3A_569 = arith.addf %add3A_564, %gather3A_568 : vector<16xf32>
      %add3A_570 = arith.constant 15 : i32
      %add3A_571 = vector.broadcast %add3A_570 : i32 to vector<16xi32>
      %add3A_572 = arith.addi %mul3A_6, %add3A_571 : vector<16xi32>
      %gather3A_573 = tpu.vector_load_idx %arg25[%add3A_572] : memref<272xf32, #tpu.memory_space<vmem>>[vector<16xi32>], vector<16xf32>,
      %add3A_574 = arith.addf %add3A_569, %gather3A_573 : vector<16xf32>
      %bitcast3A = vector.bitcast %add3A_574 : vector<16xf32> to vector<16xi32>
      %shift_right_arithmetic3A = arith.constant 1 : i32
      %shift_right_arithmetic3A_575 = vector.broadcast %shift_right_arithmetic3A : i32 to vector<16xi32>
      %shift_right_arithmetic3A_576 = arith.shrsi %bitcast3A, %shift_right_arithmetic3A_575 : vector<16xi32>
      %add3A_577 = arith.constant 532487669 : i32
      %add3A_578 = vector.broadcast %add3A_577 : i32 to vector<16xi32>
      %add3A_579 = arith.addi %add3A_578, %shift_right_arithmetic3A_576 : vector<16xi32>
      %bitcast3A_580 = vector.bitcast %add3A_579 : vector<16xi32> to vector<16xf32>
      %div3A = arith.divf %add3A_574, %bitcast3A_580 : vector<16xf32>
      %add3A_581 = arith.addf %bitcast3A_580, %div3A : vector<16xf32>
      %mul3A_582 = arith.constant 5.000000e-01 : f32
      %mul3A_583 = vector.broadcast %mul3A_582 : f32 to vector<16xf32>
      %mul3A_584 = arith.mulf %mul3A_583, %add3A_581 : vector<16xf32>
      %div3A_585 = arith.divf %add3A_574, %mul3A_584 : vector<16xf32>
      %add3A_586 = arith.addf %mul3A_584, %div3A_585 : vector<16xf32>
      %mul3A_587 = arith.constant 5.000000e-01 : f32
      %mul3A_588 = vector.broadcast %mul3A_587 : f32 to vector<16xf32>
      %mul3A_589 = arith.mulf %mul3A_588, %add3A_586 : vector<16xf32>
      %div3A_590 = arith.divf %add3A_574, %mul3A_589 : vector<16xf32>
      %add3A_591 = arith.addf %mul3A_589, %div3A_590 : vector<16xf32>
      %mul3A_592 = arith.constant 5.000000e-01 : f32
      %mul3A_593 = vector.broadcast %mul3A_592 : f32 to vector<16xf32>
      %mul3A_594 = arith.mulf %mul3A_593, %add3A_591 : vector<16xf32>
      %gather3A_595 = tpu.vector_load_idx %arg26[%mul3A_6] : memref<272xf32, #tpu.memory_space<vmem>>[vector<16xi32>], vector<16xf32>,
      %add3A_596 = arith.constant 1 : i32
      %add3A_597 = vector.broadcast %add3A_596 : i32 to vector<16xi32>
      %add3A_598 = arith.addi %mul3A_6, %add3A_597 : vector<16xi32>
      %gather3A_599 = tpu.vector_load_idx %arg26[%add3A_598] : memref<272xf32, #tpu.memory_space<vmem>>[vector<16xi32>], vector<16xf32>,
      %add3A_600 = arith.addf %gather3A_595, %gather3A_599 : vector<16xf32>
      %add3A_601 = arith.constant 2 : i32
      %add3A_602 = vector.broadcast %add3A_601 : i32 to vector<16xi32>
      %add3A_603 = arith.addi %mul3A_6, %add3A_602 : vector<16xi32>
      %gather3A_604 = tpu.vector_load_idx %arg26[%add3A_603] : memref<272xf32, #tpu.memory_space<vmem>>[vector<16xi32>], vector<16xf32>,
      %add3A_605 = arith.addf %add3A_600, %gather3A_604 : vector<16xf32>
      %add3A_606 = arith.constant 3 : i32
      %add3A_607 = vector.broadcast %add3A_606 : i32 to vector<16xi32>
      %add3A_608 = arith.addi %mul3A_6, %add3A_607 : vector<16xi32>
      %gather3A_609 = tpu.vector_load_idx %arg26[%add3A_608] : memref<272xf32, #tpu.memory_space<vmem>>[vector<16xi32>], vector<16xf32>,
      %add3A_610 = arith.addf %add3A_605, %gather3A_609 : vector<16xf32>
      %add3A_611 = arith.constant 4 : i32
      %add3A_612 = vector.broadcast %add3A_611 : i32 to vector<16xi32>
      %add3A_613 = arith.addi %mul3A_6, %add3A_612 : vector<16xi32>
      %gather3A_614 = tpu.vector_load_idx %arg26[%add3A_613] : memref<272xf32, #tpu.memory_space<vmem>>[vector<16xi32>], vector<16xf32>,
      %add3A_615 = arith.addf %add3A_610, %gather3A_614 : vector<16xf32>
      %add3A_616 = arith.constant 5 : i32
      %add3A_617 = vector.broadcast %add3A_616 : i32 to vector<16xi32>
      %add3A_618 = arith.addi %mul3A_6, %add3A_617 : vector<16xi32>
      %gather3A_619 = tpu.vector_load_idx %arg26[%add3A_618] : memref<272xf32, #tpu.memory_space<vmem>>[vector<16xi32>], vector<16xf32>,
      %add3A_620 = arith.addf %add3A_615, %gather3A_619 : vector<16xf32>
      %add3A_621 = arith.constant 6 : i32
      %add3A_622 = vector.broadcast %add3A_621 : i32 to vector<16xi32>
      %add3A_623 = arith.addi %mul3A_6, %add3A_622 : vector<16xi32>
      %gather3A_624 = tpu.vector_load_idx %arg26[%add3A_623] : memref<272xf32, #tpu.memory_space<vmem>>[vector<16xi32>], vector<16xf32>,
      %add3A_625 = arith.addf %add3A_620, %gather3A_624 : vector<16xf32>
      %add3A_626 = arith.constant 7 : i32
      %add3A_627 = vector.broadcast %add3A_626 : i32 to vector<16xi32>
      %add3A_628 = arith.addi %mul3A_6, %add3A_627 : vector<16xi32>
      %gather3A_629 = tpu.vector_load_idx %arg26[%add3A_628] : memref<272xf32, #tpu.memory_space<vmem>>[vector<16xi32>], vector<16xf32>,
      %add3A_630 = arith.addf %add3A_625, %gather3A_629 : vector<16xf32>
      %add3A_631 = arith.constant 8 : i32
      %add3A_632 = vector.broadcast %add3A_631 : i32 to vector<16xi32>
      %add3A_633 = arith.addi %mul3A_6, %add3A_632 : vector<16xi32>
      %gather3A_634 = tpu.vector_load_idx %arg26[%add3A_633] : memref<272xf32, #tpu.memory_space<vmem>>[vector<16xi32>], vector<16xf32>,
      %add3A_635 = arith.addf %add3A_630, %gather3A_634 : vector<16xf32>
      %add3A_636 = arith.constant 9 : i32
      %add3A_637 = vector.broadcast %add3A_636 : i32 to vector<16xi32>
      %add3A_638 = arith.addi %mul3A_6, %add3A_637 : vector<16xi32>
      %gather3A_639 = tpu.vector_load_idx %arg26[%add3A_638] : memref<272xf32, #tpu.memory_space<vmem>>[vector<16xi32>], vector<16xf32>,
      %add3A_640 = arith.addf %add3A_635, %gather3A_639 : vector<16xf32>
      %add3A_641 = arith.constant 10 : i32
      %add3A_642 = vector.broadcast %add3A_641 : i32 to vector<16xi32>
      %add3A_643 = arith.addi %mul3A_6, %add3A_642 : vector<16xi32>
      %gather3A_644 = tpu.vector_load_idx %arg26[%add3A_643] : memref<272xf32, #tpu.memory_space<vmem>>[vector<16xi32>], vector<16xf32>,
      %add3A_645 = arith.addf %add3A_640, %gather3A_644 : vector<16xf32>
      %add3A_646 = arith.constant 11 : i32
      %add3A_647 = vector.broadcast %add3A_646 : i32 to vector<16xi32>
      %add3A_648 = arith.addi %mul3A_6, %add3A_647 : vector<16xi32>
      %gather3A_649 = tpu.vector_load_idx %arg26[%add3A_648] : memref<272xf32, #tpu.memory_space<vmem>>[vector<16xi32>], vector<16xf32>,
      %add3A_650 = arith.addf %add3A_645, %gather3A_649 : vector<16xf32>
      %add3A_651 = arith.constant 12 : i32
      %add3A_652 = vector.broadcast %add3A_651 : i32 to vector<16xi32>
      %add3A_653 = arith.addi %mul3A_6, %add3A_652 : vector<16xi32>
      %gather3A_654 = tpu.vector_load_idx %arg26[%add3A_653] : memref<272xf32, #tpu.memory_space<vmem>>[vector<16xi32>], vector<16xf32>,
      %add3A_655 = arith.addf %add3A_650, %gather3A_654 : vector<16xf32>
      %add3A_656 = arith.constant 13 : i32
      %add3A_657 = vector.broadcast %add3A_656 : i32 to vector<16xi32>
      %add3A_658 = arith.addi %mul3A_6, %add3A_657 : vector<16xi32>
      %gather3A_659 = tpu.vector_load_idx %arg26[%add3A_658] : memref<272xf32, #tpu.memory_space<vmem>>[vector<16xi32>], vector<16xf32>,
      %add3A_660 = arith.addf %add3A_655, %gather3A_659 : vector<16xf32>
      %add3A_661 = arith.constant 14 : i32
      %add3A_662 = vector.broadcast %add3A_661 : i32 to vector<16xi32>
      %add3A_663 = arith.addi %mul3A_6, %add3A_662 : vector<16xi32>
      %gather3A_664 = tpu.vector_load_idx %arg26[%add3A_663] : memref<272xf32, #tpu.memory_space<vmem>>[vector<16xi32>], vector<16xf32>,
      %add3A_665 = arith.addf %add3A_660, %gather3A_664 : vector<16xf32>
      %add3A_666 = arith.constant 15 : i32
      %add3A_667 = vector.broadcast %add3A_666 : i32 to vector<16xi32>
      %add3A_668 = arith.addi %mul3A_6, %add3A_667 : vector<16xi32>
      %gather3A_669 = tpu.vector_load_idx %arg26[%add3A_668] : memref<272xf32, #tpu.memory_space<vmem>>[vector<16xi32>], vector<16xf32>,
      %add3A_670 = arith.addf %add3A_665, %gather3A_669 : vector<16xf32>
      %swap3A_671 = arith.index_cast %mul3A_499 : i32 to index
      %swap3A_672 = tpu.vector_load %arg22[%swap3A_671] {strides = array<i32>} : memref<128xf32, #tpu.memory_space<vmem>>, vector<16xf32>,
      tpu.vector_store %arg22[%swap3A_671], %add3A_670 {strides = array<i32>} : memref<128xf32, #tpu.memory_space<vmem>>, vector<16xf32>,
      %gather3A_673 = tpu.vector_load_idx %arg27[%mul3A_6] : memref<272xf32, #tpu.memory_space<vmem>>[vector<16xi32>], vector<16xf32>,
      %add3A_674 = arith.constant 1 : i32
      %add3A_675 = vector.broadcast %add3A_674 : i32 to vector<16xi32>
      %add3A_676 = arith.addi %mul3A_6, %add3A_675 : vector<16xi32>
      %gather3A_677 = tpu.vector_load_idx %arg27[%add3A_676] : memref<272xf32, #tpu.memory_space<vmem>>[vector<16xi32>], vector<16xf32>,
      %add3A_678 = arith.addf %gather3A_673, %gather3A_677 : vector<16xf32>
      %add3A_679 = arith.constant 2 : i32
      %add3A_680 = vector.broadcast %add3A_679 : i32 to vector<16xi32>
      %add3A_681 = arith.addi %mul3A_6, %add3A_680 : vector<16xi32>
      %gather3A_682 = tpu.vector_load_idx %arg27[%add3A_681] : memref<272xf32, #tpu.memory_space<vmem>>[vector<16xi32>], vector<16xf32>,
      %add3A_683 = arith.addf %add3A_678, %gather3A_682 : vector<16xf32>
      %add3A_684 = arith.constant 3 : i32
      %add3A_685 = vector.broadcast %add3A_684 : i32 to vector<16xi32>
      %add3A_686 = arith.addi %mul3A_6, %add3A_685 : vector<16xi32>
      %gather3A_687 = tpu.vector_load_idx %arg27[%add3A_686] : memref<272xf32, #tpu.memory_space<vmem>>[vector<16xi32>], vector<16xf32>,
      %add3A_688 = arith.addf %add3A_683, %gather3A_687 : vector<16xf32>
      %add3A_689 = arith.constant 4 : i32
      %add3A_690 = vector.broadcast %add3A_689 : i32 to vector<16xi32>
      %add3A_691 = arith.addi %mul3A_6, %add3A_690 : vector<16xi32>
      %gather3A_692 = tpu.vector_load_idx %arg27[%add3A_691] : memref<272xf32, #tpu.memory_space<vmem>>[vector<16xi32>], vector<16xf32>,
      %add3A_693 = arith.addf %add3A_688, %gather3A_692 : vector<16xf32>
      %add3A_694 = arith.constant 5 : i32
      %add3A_695 = vector.broadcast %add3A_694 : i32 to vector<16xi32>
      %add3A_696 = arith.addi %mul3A_6, %add3A_695 : vector<16xi32>
      %gather3A_697 = tpu.vector_load_idx %arg27[%add3A_696] : memref<272xf32, #tpu.memory_space<vmem>>[vector<16xi32>], vector<16xf32>,
      %add3A_698 = arith.addf %add3A_693, %gather3A_697 : vector<16xf32>
      %add3A_699 = arith.constant 6 : i32
      %add3A_700 = vector.broadcast %add3A_699 : i32 to vector<16xi32>
      %add3A_701 = arith.addi %mul3A_6, %add3A_700 : vector<16xi32>
      %gather3A_702 = tpu.vector_load_idx %arg27[%add3A_701] : memref<272xf32, #tpu.memory_space<vmem>>[vector<16xi32>], vector<16xf32>,
      %add3A_703 = arith.addf %add3A_698, %gather3A_702 : vector<16xf32>
      %add3A_704 = arith.constant 7 : i32
      %add3A_705 = vector.broadcast %add3A_704 : i32 to vector<16xi32>
      %add3A_706 = arith.addi %mul3A_6, %add3A_705 : vector<16xi32>
      %gather3A_707 = tpu.vector_load_idx %arg27[%add3A_706] : memref<272xf32, #tpu.memory_space<vmem>>[vector<16xi32>], vector<16xf32>,
      %add3A_708 = arith.addf %add3A_703, %gather3A_707 : vector<16xf32>
      %add3A_709 = arith.constant 8 : i32
      %add3A_710 = vector.broadcast %add3A_709 : i32 to vector<16xi32>
      %add3A_711 = arith.addi %mul3A_6, %add3A_710 : vector<16xi32>
      %gather3A_712 = tpu.vector_load_idx %arg27[%add3A_711] : memref<272xf32, #tpu.memory_space<vmem>>[vector<16xi32>], vector<16xf32>,
      %add3A_713 = arith.addf %add3A_708, %gather3A_712 : vector<16xf32>
      %add3A_714 = arith.constant 9 : i32
      %add3A_715 = vector.broadcast %add3A_714 : i32 to vector<16xi32>
      %add3A_716 = arith.addi %mul3A_6, %add3A_715 : vector<16xi32>
      %gather3A_717 = tpu.vector_load_idx %arg27[%add3A_716] : memref<272xf32, #tpu.memory_space<vmem>>[vector<16xi32>], vector<16xf32>,
      %add3A_718 = arith.addf %add3A_713, %gather3A_717 : vector<16xf32>
      %add3A_719 = arith.constant 10 : i32
      %add3A_720 = vector.broadcast %add3A_719 : i32 to vector<16xi32>
      %add3A_721 = arith.addi %mul3A_6, %add3A_720 : vector<16xi32>
      %gather3A_722 = tpu.vector_load_idx %arg27[%add3A_721] : memref<272xf32, #tpu.memory_space<vmem>>[vector<16xi32>], vector<16xf32>,
      %add3A_723 = arith.addf %add3A_718, %gather3A_722 : vector<16xf32>
      %add3A_724 = arith.constant 11 : i32
      %add3A_725 = vector.broadcast %add3A_724 : i32 to vector<16xi32>
      %add3A_726 = arith.addi %mul3A_6, %add3A_725 : vector<16xi32>
      %gather3A_727 = tpu.vector_load_idx %arg27[%add3A_726] : memref<272xf32, #tpu.memory_space<vmem>>[vector<16xi32>], vector<16xf32>,
      %add3A_728 = arith.addf %add3A_723, %gather3A_727 : vector<16xf32>
      %add3A_729 = arith.constant 12 : i32
      %add3A_730 = vector.broadcast %add3A_729 : i32 to vector<16xi32>
      %add3A_731 = arith.addi %mul3A_6, %add3A_730 : vector<16xi32>
      %gather3A_732 = tpu.vector_load_idx %arg27[%add3A_731] : memref<272xf32, #tpu.memory_space<vmem>>[vector<16xi32>], vector<16xf32>,
      %add3A_733 = arith.addf %add3A_728, %gather3A_732 : vector<16xf32>
      %add3A_734 = arith.constant 13 : i32
      %add3A_735 = vector.broadcast %add3A_734 : i32 to vector<16xi32>
      %add3A_736 = arith.addi %mul3A_6, %add3A_735 : vector<16xi32>
      %gather3A_737 = tpu.vector_load_idx %arg27[%add3A_736] : memref<272xf32, #tpu.memory_space<vmem>>[vector<16xi32>], vector<16xf32>,
      %add3A_738 = arith.addf %add3A_733, %gather3A_737 : vector<16xf32>
      %add3A_739 = arith.constant 14 : i32
      %add3A_740 = vector.broadcast %add3A_739 : i32 to vector<16xi32>
      %add3A_741 = arith.addi %mul3A_6, %add3A_740 : vector<16xi32>
      %gather3A_742 = tpu.vector_load_idx %arg27[%add3A_741] : memref<272xf32, #tpu.memory_space<vmem>>[vector<16xi32>], vector<16xf32>,
      %add3A_743 = arith.addf %add3A_738, %gather3A_742 : vector<16xf32>
      %add3A_744 = arith.constant 15 : i32
      %add3A_745 = vector.broadcast %add3A_744 : i32 to vector<16xi32>
      %add3A_746 = arith.addi %mul3A_6, %add3A_745 : vector<16xi32>
      %gather3A_747 = tpu.vector_load_idx %arg27[%add3A_746] : memref<272xf32, #tpu.memory_space<vmem>>[vector<16xi32>], vector<16xf32>,
      %add3A_748 = arith.addf %add3A_743, %gather3A_747 : vector<16xf32>
      %swap3A_749 = arith.index_cast %mul3A_499 : i32 to index
      %swap3A_750 = tpu.vector_load %arg23[%swap3A_749] {strides = array<i32>} : memref<128xf32, #tpu.memory_space<vmem>>, vector<16xf32>,
      tpu.vector_store %arg23[%swap3A_749], %add3A_748 {strides = array<i32>} : memref<128xf32, #tpu.memory_space<vmem>>, vector<16xf32>,
      %get3A = arith.index_cast %mul3A_499 : i32 to index
      %get3A_751 = tpu.vector_load %arg24[%get3A] {strides = array<i32>} : memref<128xf32, #tpu.memory_space<vmem>>, vector<16xf32>,
      %add3A_752 = arith.constant 1.000000e+00 : f32
      %add3A_753 = vector.broadcast %add3A_752 : f32 to vector<16xf32>
      %add3A_754 = arith.addf %add3A_753, %get3A_751 : vector<16xf32>
      %sub3A = arith.subf %add3A_754, %mul3A_594 : vector<16xf32>
      %max3A = arith.constant 0.000000e+00 : f32
      %max3A_755 = vector.broadcast %max3A : f32 to vector<16xf32>
      %max3A_756 = arith.maximumf %sub3A, %max3A_755 : vector<16xf32>
      %add3A_757 = arith.addf %scan3A_492, %max3A_756 : vector<16xf32>
      scf.yield %add3A_757 : vector<16xf32>
    }
    %scan3A_367 = arith.constant 8 : i32
    %swap3A_368 = arith.constant 0 : index
    %swap3A_369 = tpu.vector_load %arg30[%swap3A_368] {strides = array<i32>} : memref<16xf32, #tpu.memory_space<vmem>>, vector<16xf32>,
    tpu.vector_store %arg30[%swap3A_368], %scan3A_366 {strides = array<i32>} : memref<16xf32, #tpu.memory_space<vmem>>, vector<16xf32>,
    %dma_start3A_370 = arith.constant 0 : i32
    %dma_start3A_371 = tpu.memref_slice %arg6[%add3A, %dma_start3A_370] : memref<32x16xf32, #tpu.memory_space<hbm>> -> memref<1x16xf32, #tpu.memory_space<hbm>>
    %dma_start3A_372 = tpu.memref_squeeze %dma_start3A_371 : memref<1x16xf32, #tpu.memory_space<hbm>> -> memref<16xf32, #tpu.memory_space<hbm>>
    %dma_start3A_373 = arith.constant 0 : i32
    %dma_start3A_374 = tpu.memref_slice %arg6[%add3A, %dma_start3A_373] : memref<32x16xf32, #tpu.memory_space<hbm>> -> memref<1x16xf32, #tpu.memory_space<hbm>>
    %dma_start3A_375 = tpu.memref_squeeze %dma_start3A_374 : memref<1x16xf32, #tpu.memory_space<hbm>> -> memref<16xf32, #tpu.memory_space<hbm>>
    tpu.enqueue_dma source(%arg30 : memref<16xf32, #tpu.memory_space<vmem>>) target(%dma_start3A_375 : memref<16xf32, #tpu.memory_space<hbm>>) target_semaphore(%arg37 : memref<!tpu.dma_semaphore, #tpu.memory_space<semaphore_mem>>)
    %dma_start3A_376 = arith.constant 0 : i32
    %dma_start3A_377 = arith.constant 0 : i32
    %dma_start3A_378 = tpu.memref_slice %arg12[%dma_start3A_376, %dma_start3A_377] : memref<3x128xi32, #tpu.memory_space<vmem>> -> memref<1x128xi32, #tpu.memory_space<vmem>>
    %dma_start3A_379 = tpu.memref_squeeze %dma_start3A_378 : memref<1x128xi32, #tpu.memory_space<vmem>> -> memref<128xi32, #tpu.memory_space<vmem>>
    %dma_start3A_380 = arith.constant 0 : i32
    %dma_start3A_381 = tpu.memref_slice %arg32[%dma_start3A_380] : memref<100352xf32, #tpu.memory_space<vmem_shared>> -> memref<100352xf32, #tpu.memory_space<vmem_shared>>
    tpu.enqueue_indirect_dma source(%arg22 : memref<128xf32, #tpu.memory_space<vmem>>) target(%dma_start3A_381 : memref<100352xf32, #tpu.memory_space<vmem_shared>>) offsets(%dma_start3A_379 : memref<128xi32, #tpu.memory_space<vmem>>) semaphore(%arg38 : memref<!tpu.dma_semaphore, #tpu.memory_space<semaphore_mem>>) {add = true}
    %dma_start3A_382 = arith.constant 0 : i32
    %dma_start3A_383 = arith.constant 0 : i32
    %dma_start3A_384 = tpu.memref_slice %arg12[%dma_start3A_382, %dma_start3A_383] : memref<3x128xi32, #tpu.memory_space<vmem>> -> memref<1x128xi32, #tpu.memory_space<vmem>>
    %dma_start3A_385 = tpu.memref_squeeze %dma_start3A_384 : memref<1x128xi32, #tpu.memory_space<vmem>> -> memref<128xi32, #tpu.memory_space<vmem>>
    %dma_start3A_386 = arith.constant 0 : i32
    %dma_start3A_387 = tpu.memref_slice %arg33[%dma_start3A_386] : memref<100352xf32, #tpu.memory_space<vmem_shared>> -> memref<100352xf32, #tpu.memory_space<vmem_shared>>
    tpu.enqueue_indirect_dma source(%arg29 : memref<128xf32, #tpu.memory_space<vmem>>) target(%dma_start3A_387 : memref<100352xf32, #tpu.memory_space<vmem_shared>>) offsets(%dma_start3A_385 : memref<128xi32, #tpu.memory_space<vmem>>) semaphore(%arg38 : memref<!tpu.dma_semaphore, #tpu.memory_space<semaphore_mem>>) {add = true}
    %dma_start3A_388 = arith.constant 2 : i32
    %dma_start3A_389 = arith.constant 0 : i32
    %dma_start3A_390 = tpu.memref_slice %arg12[%dma_start3A_388, %dma_start3A_389] : memref<3x128xi32, #tpu.memory_space<vmem>> -> memref<1x128xi32, #tpu.memory_space<vmem>>
    %dma_start3A_391 = tpu.memref_squeeze %dma_start3A_390 : memref<1x128xi32, #tpu.memory_space<vmem>> -> memref<128xi32, #tpu.memory_space<vmem>>
    %dma_start3A_392 = arith.constant 0 : i32
    %dma_start3A_393 = tpu.memref_slice %arg32[%dma_start3A_392] : memref<100352xf32, #tpu.memory_space<vmem_shared>> -> memref<100352xf32, #tpu.memory_space<vmem_shared>>
    tpu.enqueue_indirect_dma source(%arg23 : memref<128xf32, #tpu.memory_space<vmem>>) target(%dma_start3A_393 : memref<100352xf32, #tpu.memory_space<vmem_shared>>) offsets(%dma_start3A_391 : memref<128xi32, #tpu.memory_space<vmem>>) semaphore(%arg38 : memref<!tpu.dma_semaphore, #tpu.memory_space<semaphore_mem>>) {add = true}
    %dma_start3A_394 = arith.constant 2 : i32
    %dma_start3A_395 = arith.constant 0 : i32
    %dma_start3A_396 = tpu.memref_slice %arg12[%dma_start3A_394, %dma_start3A_395] : memref<3x128xi32, #tpu.memory_space<vmem>> -> memref<1x128xi32, #tpu.memory_space<vmem>>
    %dma_start3A_397 = tpu.memref_squeeze %dma_start3A_396 : memref<1x128xi32, #tpu.memory_space<vmem>> -> memref<128xi32, #tpu.memory_space<vmem>>
    %dma_start3A_398 = arith.constant 0 : i32
    %dma_start3A_399 = tpu.memref_slice %arg33[%dma_start3A_398] : memref<100352xf32, #tpu.memory_space<vmem_shared>> -> memref<100352xf32, #tpu.memory_space<vmem_shared>>
    tpu.enqueue_indirect_dma source(%arg29 : memref<128xf32, #tpu.memory_space<vmem>>) target(%dma_start3A_399 : memref<100352xf32, #tpu.memory_space<vmem_shared>>) offsets(%dma_start3A_397 : memref<128xi32, #tpu.memory_space<vmem>>) semaphore(%arg38 : memref<!tpu.dma_semaphore, #tpu.memory_space<semaphore_mem>>) {add = true}
    %dma_wait3A_400 = arith.constant 0 : i32
    %dma_wait3A_401 = arith.constant 0 : i32
    %dma_wait3A_402 = tpu.memref_slice %arg11[%dma_wait3A_400, %dma_wait3A_401] : memref<3x128xi32, #tpu.memory_space<vmem>> -> memref<1x128xi32, #tpu.memory_space<vmem>>
    %dma_wait3A_403 = tpu.memref_squeeze %dma_wait3A_402 : memref<1x128xi32, #tpu.memory_space<vmem>> -> memref<128xi32, #tpu.memory_space<vmem>>
    %dma_wait3A_404 = arith.constant 0 : i32
    %dma_wait3A_405 = tpu.memref_slice %arg32[%dma_wait3A_404] : memref<100352xf32, #tpu.memory_space<vmem_shared>> -> memref<100352xf32, #tpu.memory_space<vmem_shared>>
    tpu.wait_indirect_dma semaphore(%arg38 : memref<!tpu.dma_semaphore, #tpu.memory_space<semaphore_mem>>) src(%arg19 : memref<128xf32, #tpu.memory_space<vmem>>) dst(%dma_wait3A_405 : memref<100352xf32, #tpu.memory_space<vmem_shared>>)
    %dma_wait3A_406 = arith.constant 0 : i32
    %dma_wait3A_407 = arith.constant 0 : i32
    %dma_wait3A_408 = tpu.memref_slice %arg11[%dma_wait3A_406, %dma_wait3A_407] : memref<3x128xi32, #tpu.memory_space<vmem>> -> memref<1x128xi32, #tpu.memory_space<vmem>>
    %dma_wait3A_409 = tpu.memref_squeeze %dma_wait3A_408 : memref<1x128xi32, #tpu.memory_space<vmem>> -> memref<128xi32, #tpu.memory_space<vmem>>
    %dma_wait3A_410 = arith.constant 0 : i32
    %dma_wait3A_411 = tpu.memref_slice %arg33[%dma_wait3A_410] : memref<100352xf32, #tpu.memory_space<vmem_shared>> -> memref<100352xf32, #tpu.memory_space<vmem_shared>>
    tpu.wait_indirect_dma semaphore(%arg38 : memref<!tpu.dma_semaphore, #tpu.memory_space<semaphore_mem>>) src(%arg29 : memref<128xf32, #tpu.memory_space<vmem>>) dst(%dma_wait3A_411 : memref<100352xf32, #tpu.memory_space<vmem_shared>>)
    %dma_wait3A_412 = arith.constant 2 : i32
    %dma_wait3A_413 = arith.constant 0 : i32
    %dma_wait3A_414 = tpu.memref_slice %arg11[%dma_wait3A_412, %dma_wait3A_413] : memref<3x128xi32, #tpu.memory_space<vmem>> -> memref<1x128xi32, #tpu.memory_space<vmem>>
    %dma_wait3A_415 = tpu.memref_squeeze %dma_wait3A_414 : memref<1x128xi32, #tpu.memory_space<vmem>> -> memref<128xi32, #tpu.memory_space<vmem>>
    %dma_wait3A_416 = arith.constant 0 : i32
    %dma_wait3A_417 = tpu.memref_slice %arg32[%dma_wait3A_416] : memref<100352xf32, #tpu.memory_space<vmem_shared>> -> memref<100352xf32, #tpu.memory_space<vmem_shared>>
    tpu.wait_indirect_dma semaphore(%arg38 : memref<!tpu.dma_semaphore, #tpu.memory_space<semaphore_mem>>) src(%arg20 : memref<128xf32, #tpu.memory_space<vmem>>) dst(%dma_wait3A_417 : memref<100352xf32, #tpu.memory_space<vmem_shared>>)
    %dma_wait3A_418 = arith.constant 2 : i32
    %dma_wait3A_419 = arith.constant 0 : i32
    %dma_wait3A_420 = tpu.memref_slice %arg11[%dma_wait3A_418, %dma_wait3A_419] : memref<3x128xi32, #tpu.memory_space<vmem>> -> memref<1x128xi32, #tpu.memory_space<vmem>>
    %dma_wait3A_421 = tpu.memref_squeeze %dma_wait3A_420 : memref<1x128xi32, #tpu.memory_space<vmem>> -> memref<128xi32, #tpu.memory_space<vmem>>
    %dma_wait3A_422 = arith.constant 0 : i32
    %dma_wait3A_423 = tpu.memref_slice %arg33[%dma_wait3A_422] : memref<100352xf32, #tpu.memory_space<vmem_shared>> -> memref<100352xf32, #tpu.memory_space<vmem_shared>>
    tpu.wait_indirect_dma semaphore(%arg38 : memref<!tpu.dma_semaphore, #tpu.memory_space<semaphore_mem>>) src(%arg29 : memref<128xf32, #tpu.memory_space<vmem>>) dst(%dma_wait3A_423 : memref<100352xf32, #tpu.memory_space<vmem_shared>>)
    %dma_wait3A_424 = arith.constant 1 : i32
    %dma_wait3A_425 = arith.constant 0 : i32
    %dma_wait3A_426 = tpu.memref_slice %arg11[%dma_wait3A_424, %dma_wait3A_425] : memref<3x128xi32, #tpu.memory_space<vmem>> -> memref<1x128xi32, #tpu.memory_space<vmem>>
    %dma_wait3A_427 = tpu.memref_squeeze %dma_wait3A_426 : memref<1x128xi32, #tpu.memory_space<vmem>> -> memref<128xi32, #tpu.memory_space<vmem>>
    %dma_wait3A_428 = arith.constant 0 : i32
    %dma_wait3A_429 = tpu.memref_slice %arg34[%dma_wait3A_428] : memref<100352xf32, #tpu.memory_space<vmem_shared>> -> memref<100352xf32, #tpu.memory_space<vmem_shared>>
    tpu.wait_indirect_dma semaphore(%arg38 : memref<!tpu.dma_semaphore, #tpu.memory_space<semaphore_mem>>) src(%arg21 : memref<128xf32, #tpu.memory_space<vmem>>) dst(%dma_wait3A_429 : memref<100352xf32, #tpu.memory_space<vmem_shared>>)
    %dma_wait3A_430 = arith.constant 1 : i32
    %dma_wait3A_431 = arith.constant 0 : i32
    %dma_wait3A_432 = tpu.memref_slice %arg11[%dma_wait3A_430, %dma_wait3A_431] : memref<3x128xi32, #tpu.memory_space<vmem>> -> memref<1x128xi32, #tpu.memory_space<vmem>>
    %dma_wait3A_433 = tpu.memref_squeeze %dma_wait3A_432 : memref<1x128xi32, #tpu.memory_space<vmem>> -> memref<128xi32, #tpu.memory_space<vmem>>
    %dma_wait3A_434 = arith.constant 0 : i32
    %dma_wait3A_435 = tpu.memref_slice %arg35[%dma_wait3A_434] : memref<100352xf32, #tpu.memory_space<vmem_shared>> -> memref<100352xf32, #tpu.memory_space<vmem_shared>>
    tpu.wait_indirect_dma semaphore(%arg38 : memref<!tpu.dma_semaphore, #tpu.memory_space<semaphore_mem>>) src(%arg29 : memref<128xf32, #tpu.memory_space<vmem>>) dst(%dma_wait3A_435 : memref<100352xf32, #tpu.memory_space<vmem_shared>>)
    %dma_wait3A_436 = arith.constant 0 : i32
    %dma_wait3A_437 = arith.constant 0 : i32
    %dma_wait3A_438 = tpu.memref_slice %arg12[%dma_wait3A_436, %dma_wait3A_437] : memref<3x128xi32, #tpu.memory_space<vmem>> -> memref<1x128xi32, #tpu.memory_space<vmem>>
    %dma_wait3A_439 = tpu.memref_squeeze %dma_wait3A_438 : memref<1x128xi32, #tpu.memory_space<vmem>> -> memref<128xi32, #tpu.memory_space<vmem>>
    %dma_wait3A_440 = arith.constant 0 : i32
    %dma_wait3A_441 = tpu.memref_slice %arg32[%dma_wait3A_440] : memref<100352xf32, #tpu.memory_space<vmem_shared>> -> memref<100352xf32, #tpu.memory_space<vmem_shared>>
    tpu.wait_indirect_dma semaphore(%arg38 : memref<!tpu.dma_semaphore, #tpu.memory_space<semaphore_mem>>) src(%arg22 : memref<128xf32, #tpu.memory_space<vmem>>) dst(%dma_wait3A_441 : memref<100352xf32, #tpu.memory_space<vmem_shared>>)
    %dma_wait3A_442 = arith.constant 0 : i32
    %dma_wait3A_443 = arith.constant 0 : i32
    %dma_wait3A_444 = tpu.memref_slice %arg12[%dma_wait3A_442, %dma_wait3A_443] : memref<3x128xi32, #tpu.memory_space<vmem>> -> memref<1x128xi32, #tpu.memory_space<vmem>>
    %dma_wait3A_445 = tpu.memref_squeeze %dma_wait3A_444 : memref<1x128xi32, #tpu.memory_space<vmem>> -> memref<128xi32, #tpu.memory_space<vmem>>
    %dma_wait3A_446 = arith.constant 0 : i32
    %dma_wait3A_447 = tpu.memref_slice %arg33[%dma_wait3A_446] : memref<100352xf32, #tpu.memory_space<vmem_shared>> -> memref<100352xf32, #tpu.memory_space<vmem_shared>>
    tpu.wait_indirect_dma semaphore(%arg38 : memref<!tpu.dma_semaphore, #tpu.memory_space<semaphore_mem>>) src(%arg29 : memref<128xf32, #tpu.memory_space<vmem>>) dst(%dma_wait3A_447 : memref<100352xf32, #tpu.memory_space<vmem_shared>>)
    %dma_wait3A_448 = arith.constant 2 : i32
    %dma_wait3A_449 = arith.constant 0 : i32
    %dma_wait3A_450 = tpu.memref_slice %arg12[%dma_wait3A_448, %dma_wait3A_449] : memref<3x128xi32, #tpu.memory_space<vmem>> -> memref<1x128xi32, #tpu.memory_space<vmem>>
    %dma_wait3A_451 = tpu.memref_squeeze %dma_wait3A_450 : memref<1x128xi32, #tpu.memory_space<vmem>> -> memref<128xi32, #tpu.memory_space<vmem>>
    %dma_wait3A_452 = arith.constant 0 : i32
    %dma_wait3A_453 = tpu.memref_slice %arg32[%dma_wait3A_452] : memref<100352xf32, #tpu.memory_space<vmem_shared>> -> memref<100352xf32, #tpu.memory_space<vmem_shared>>
    tpu.wait_indirect_dma semaphore(%arg38 : memref<!tpu.dma_semaphore, #tpu.memory_space<semaphore_mem>>) src(%arg23 : memref<128xf32, #tpu.memory_space<vmem>>) dst(%dma_wait3A_453 : memref<100352xf32, #tpu.memory_space<vmem_shared>>)
    %dma_wait3A_454 = arith.constant 2 : i32
    %dma_wait3A_455 = arith.constant 0 : i32
    %dma_wait3A_456 = tpu.memref_slice %arg12[%dma_wait3A_454, %dma_wait3A_455] : memref<3x128xi32, #tpu.memory_space<vmem>> -> memref<1x128xi32, #tpu.memory_space<vmem>>
    %dma_wait3A_457 = tpu.memref_squeeze %dma_wait3A_456 : memref<1x128xi32, #tpu.memory_space<vmem>> -> memref<128xi32, #tpu.memory_space<vmem>>
    %dma_wait3A_458 = arith.constant 0 : i32
    %dma_wait3A_459 = tpu.memref_slice %arg33[%dma_wait3A_458] : memref<100352xf32, #tpu.memory_space<vmem_shared>> -> memref<100352xf32, #tpu.memory_space<vmem_shared>>
    tpu.wait_indirect_dma semaphore(%arg38 : memref<!tpu.dma_semaphore, #tpu.memory_space<semaphore_mem>>) src(%arg29 : memref<128xf32, #tpu.memory_space<vmem>>) dst(%dma_wait3A_459 : memref<100352xf32, #tpu.memory_space<vmem_shared>>)
    %dma_wait3A_460 = arith.constant 0 : i32
    %dma_wait3A_461 = tpu.memref_slice %arg6[%add3A, %dma_wait3A_460] : memref<32x16xf32, #tpu.memory_space<hbm>> -> memref<1x16xf32, #tpu.memory_space<hbm>>
    %dma_wait3A_462 = tpu.memref_squeeze %dma_wait3A_461 : memref<1x16xf32, #tpu.memory_space<hbm>> -> memref<16xf32, #tpu.memory_space<hbm>>
    %dma_wait3A_463 = arith.constant 0 : i32
    %dma_wait3A_464 = tpu.memref_slice %arg6[%add3A, %dma_wait3A_463] : memref<32x16xf32, #tpu.memory_space<hbm>> -> memref<1x16xf32, #tpu.memory_space<hbm>>
    %dma_wait3A_465 = tpu.memref_squeeze %dma_wait3A_464 : memref<1x16xf32, #tpu.memory_space<hbm>> -> memref<16xf32, #tpu.memory_space<hbm>>
    tpu.wait_dma2 semaphore(%arg37 : memref<!tpu.dma_semaphore, #tpu.memory_space<semaphore_mem>>) src(%arg30 : memref<16xf32, #tpu.memory_space<vmem>>) dst(%dma_wait3A_465 : memref<16xf32, #tpu.memory_space<hbm>>)
    %barrier3A_466 = arith.constant 0 : index
    tpu.barrier barrier_id(%barrier3A_466)
    %dma_start3A_467 = tpu.memref_slice %arg7[%arg0, %mul3A_27] : memref<2x100352xf32, #tpu.memory_space<hbm>> -> memref<1x6272xf32, #tpu.memory_space<hbm>>
    %dma_start3A_468 = tpu.memref_squeeze %dma_start3A_467 : memref<1x6272xf32, #tpu.memory_space<hbm>> -> memref<6272xf32, #tpu.memory_space<hbm>>
    %dma_start3A_469 = tpu.memref_slice %arg32[%mul3A_27] : memref<100352xf32, #tpu.memory_space<vmem_shared>> -> memref<6272xf32, #tpu.memory_space<vmem_shared>>
    tpu.enqueue_dma source(%dma_start3A_469 : memref<6272xf32, #tpu.memory_space<vmem_shared>>) target(%dma_start3A_468 : memref<6272xf32, #tpu.memory_space<hbm>>) target_semaphore(%arg36 : memref<!tpu.dma_semaphore, #tpu.memory_space<semaphore_mem>>)
    %dma_start3A_470 = tpu.memref_slice %arg8[%arg0, %mul3A_27] : memref<2x100352xf32, #tpu.memory_space<hbm>> -> memref<1x6272xf32, #tpu.memory_space<hbm>>
    %dma_start3A_471 = tpu.memref_squeeze %dma_start3A_470 : memref<1x6272xf32, #tpu.memory_space<hbm>> -> memref<6272xf32, #tpu.memory_space<hbm>>
    %dma_start3A_472 = tpu.memref_slice %arg33[%mul3A_27] : memref<100352xf32, #tpu.memory_space<vmem_shared>> -> memref<6272xf32, #tpu.memory_space<vmem_shared>>
    tpu.enqueue_dma source(%dma_start3A_472 : memref<6272xf32, #tpu.memory_space<vmem_shared>>) target(%dma_start3A_471 : memref<6272xf32, #tpu.memory_space<hbm>>) target_semaphore(%arg36 : memref<!tpu.dma_semaphore, #tpu.memory_space<semaphore_mem>>)
    %dma_start3A_473 = tpu.memref_slice %arg9[%arg0, %mul3A_27] : memref<2x100352xf32, #tpu.memory_space<hbm>> -> memref<1x6272xf32, #tpu.memory_space<hbm>>
    %dma_start3A_474 = tpu.memref_squeeze %dma_start3A_473 : memref<1x6272xf32, #tpu.memory_space<hbm>> -> memref<6272xf32, #tpu.memory_space<hbm>>
    %dma_start3A_475 = tpu.memref_slice %arg34[%mul3A_27] : memref<100352xf32, #tpu.memory_space<vmem_shared>> -> memref<6272xf32, #tpu.memory_space<vmem_shared>>
    tpu.enqueue_dma source(%dma_start3A_475 : memref<6272xf32, #tpu.memory_space<vmem_shared>>) target(%dma_start3A_474 : memref<6272xf32, #tpu.memory_space<hbm>>) target_semaphore(%arg36 : memref<!tpu.dma_semaphore, #tpu.memory_space<semaphore_mem>>)
    %dma_start3A_476 = tpu.memref_slice %arg10[%arg0, %mul3A_27] : memref<2x100352xf32, #tpu.memory_space<hbm>> -> memref<1x6272xf32, #tpu.memory_space<hbm>>
    %dma_start3A_477 = tpu.memref_squeeze %dma_start3A_476 : memref<1x6272xf32, #tpu.memory_space<hbm>> -> memref<6272xf32, #tpu.memory_space<hbm>>
    %dma_start3A_478 = tpu.memref_slice %arg35[%mul3A_27] : memref<100352xf32, #tpu.memory_space<vmem_shared>> -> memref<6272xf32, #tpu.memory_space<vmem_shared>>
    tpu.enqueue_dma source(%dma_start3A_478 : memref<6272xf32, #tpu.memory_space<vmem_shared>>) target(%dma_start3A_477 : memref<6272xf32, #tpu.memory_space<hbm>>) target_semaphore(%arg36 : memref<!tpu.dma_semaphore, #tpu.memory_space<semaphore_mem>>)
    %dma_wait3A_479 = tpu.memref_slice %arg7[%arg0, %mul3A_27] : memref<2x100352xf32, #tpu.memory_space<hbm>> -> memref<1x6272xf32, #tpu.memory_space<hbm>>
    %dma_wait3A_480 = tpu.memref_squeeze %dma_wait3A_479 : memref<1x6272xf32, #tpu.memory_space<hbm>> -> memref<6272xf32, #tpu.memory_space<hbm>>
    %dma_wait3A_481 = tpu.memref_slice %arg32[%mul3A_27] : memref<100352xf32, #tpu.memory_space<vmem_shared>> -> memref<6272xf32, #tpu.memory_space<vmem_shared>>
    tpu.wait_dma2 semaphore(%arg36 : memref<!tpu.dma_semaphore, #tpu.memory_space<semaphore_mem>>) src(%dma_wait3A_481 : memref<6272xf32, #tpu.memory_space<vmem_shared>>) dst(%dma_wait3A_480 : memref<6272xf32, #tpu.memory_space<hbm>>)
    %dma_wait3A_482 = tpu.memref_slice %arg8[%arg0, %mul3A_27] : memref<2x100352xf32, #tpu.memory_space<hbm>> -> memref<1x6272xf32, #tpu.memory_space<hbm>>
    %dma_wait3A_483 = tpu.memref_squeeze %dma_wait3A_482 : memref<1x6272xf32, #tpu.memory_space<hbm>> -> memref<6272xf32, #tpu.memory_space<hbm>>
    %dma_wait3A_484 = tpu.memref_slice %arg33[%mul3A_27] : memref<100352xf32, #tpu.memory_space<vmem_shared>> -> memref<6272xf32, #tpu.memory_space<vmem_shared>>
    tpu.wait_dma2 semaphore(%arg36 : memref<!tpu.dma_semaphore, #tpu.memory_space<semaphore_mem>>) src(%dma_wait3A_484 : memref<6272xf32, #tpu.memory_space<vmem_shared>>) dst(%dma_wait3A_483 : memref<6272xf32, #tpu.memory_space<hbm>>)
    %dma_wait3A_485 = tpu.memref_slice %arg9[%arg0, %mul3A_27] : memref<2x100352xf32, #tpu.memory_space<hbm>> -> memref<1x6272xf32, #tpu.memory_space<hbm>>
    %dma_wait3A_486 = tpu.memref_squeeze %dma_wait3A_485 : memref<1x6272xf32, #tpu.memory_space<hbm>> -> memref<6272xf32, #tpu.memory_space<hbm>>
    %dma_wait3A_487 = tpu.memref_slice %arg34[%mul3A_27] : memref<100352xf32, #tpu.memory_space<vmem_shared>> -> memref<6272xf32, #tpu.memory_space<vmem_shared>>
    tpu.wait_dma2 semaphore(%arg36 : memref<!tpu.dma_semaphore, #tpu.memory_space<semaphore_mem>>) src(%dma_wait3A_487 : memref<6272xf32, #tpu.memory_space<vmem_shared>>) dst(%dma_wait3A_486 : memref<6272xf32, #tpu.memory_space<hbm>>)
    %dma_wait3A_488 = tpu.memref_slice %arg10[%arg0, %mul3A_27] : memref<2x100352xf32, #tpu.memory_space<hbm>> -> memref<1x6272xf32, #tpu.memory_space<hbm>>
    %dma_wait3A_489 = tpu.memref_squeeze %dma_wait3A_488 : memref<1x6272xf32, #tpu.memory_space<hbm>> -> memref<6272xf32, #tpu.memory_space<hbm>>
    %dma_wait3A_490 = tpu.memref_slice %arg35[%mul3A_27] : memref<100352xf32, #tpu.memory_space<vmem_shared>> -> memref<6272xf32, #tpu.memory_space<vmem_shared>>
    tpu.wait_dma2 semaphore(%arg36 : memref<!tpu.dma_semaphore, #tpu.memory_space<semaphore_mem>>) src(%dma_wait3A_490 : memref<6272xf32, #tpu.memory_space<vmem_shared>>) dst(%dma_wait3A_489 : memref<6272xf32, #tpu.memory_space<hbm>>)
    return
  }
}

module attributes {stable_mosaic.version = 14 : i64} {
  func.func @_tc_reduce(%arg0: memref<32x16xf32, #tpu.memory_space<vmem>>, %arg1: memref<2x784x128xf32, #tpu.memory_space<vmem>>, %arg2: memref<2x784x128xf32, #tpu.memory_space<vmem>>, %arg3: memref<2x784x128xf32, #tpu.memory_space<vmem>>, %arg4: memref<2x784x128xf32, #tpu.memory_space<vmem>>, %arg5: memref<1x1xf32, #tpu.memory_space<vmem>>) attributes {dimension_semantics = [], scalar_prefetch = 0 : i64, scratch_operands = 0 : i64, tpu.core_type = #tpu.core_type<tc>} {
    %get3A = arith.constant 0 : index
    %get3A_0 = arith.constant 0 : index
    %get3A_1 = vector.load %arg0[%get3A, %get3A_0] : memref<32x16xf32, #tpu.memory_space<vmem>>, vector<32x16xf32>
    %reduce_sum3A = vector.shape_cast %get3A_1 : vector<32x16xf32> to vector<1x32x16xf32>
    %reduce_sum3A_2 = arith.constant dense<0.000000e+00> : vector<1xf32>
    %reduce_sum3A_3 = vector.multi_reduction <add>, %reduce_sum3A, %reduce_sum3A_2 [1, 2] : vector<1x32x16xf32> to vector<1xf32>
    %reduce_sum3A_4 = vector.shape_cast %reduce_sum3A_3 : vector<1xf32> to vector<1x1x1xf32>
    %reduce_sum3A_5 = vector.extract %reduce_sum3A_4[0, 0, 0] : f32 from vector<1x1x1xf32>
    %get3A_6 = arith.constant 0 : index
    %get3A_7 = arith.constant 0 : index
    %get3A_8 = arith.constant 0 : index
    %get3A_9 = vector.load %arg1[%get3A_6, %get3A_7, %get3A_8] : memref<2x784x128xf32, #tpu.memory_space<vmem>>, vector<1x784x128xf32>
    %get3A_10 = vector.shape_cast %get3A_9 : vector<1x784x128xf32> to vector<784x128xf32>
    %get3A_11 = arith.constant 1 : index
    %get3A_12 = arith.constant 0 : index
    %get3A_13 = arith.constant 0 : index
    %get3A_14 = vector.load %arg1[%get3A_11, %get3A_12, %get3A_13] : memref<2x784x128xf32, #tpu.memory_space<vmem>>, vector<1x784x128xf32>
    %get3A_15 = vector.shape_cast %get3A_14 : vector<1x784x128xf32> to vector<784x128xf32>
    %add3A = arith.addf %get3A_10, %get3A_15 : vector<784x128xf32>
    %get3A_16 = arith.constant 0 : index
    %get3A_17 = arith.constant 0 : index
    %get3A_18 = arith.constant 0 : index
    %get3A_19 = vector.load %arg2[%get3A_16, %get3A_17, %get3A_18] : memref<2x784x128xf32, #tpu.memory_space<vmem>>, vector<1x784x128xf32>
    %get3A_20 = vector.shape_cast %get3A_19 : vector<1x784x128xf32> to vector<784x128xf32>
    %get3A_21 = arith.constant 1 : index
    %get3A_22 = arith.constant 0 : index
    %get3A_23 = arith.constant 0 : index
    %get3A_24 = vector.load %arg2[%get3A_21, %get3A_22, %get3A_23] : memref<2x784x128xf32, #tpu.memory_space<vmem>>, vector<1x784x128xf32>
    %get3A_25 = vector.shape_cast %get3A_24 : vector<1x784x128xf32> to vector<784x128xf32>
    %add3A_26 = arith.addf %get3A_20, %get3A_25 : vector<784x128xf32>
    %gt3A = arith.constant 5.000000e-01 : f32
    %gt3A_27 = vector.broadcast %gt3A : f32 to vector<784x128xf32>
    %gt3A_28 = arith.cmpf ogt, %add3A_26, %gt3A_27 : vector<784x128xf32>
    %max3A = arith.constant 1.000000e+00 : f32
    %max3A_29 = vector.broadcast %max3A : f32 to vector<784x128xf32>
    %max3A_30 = arith.maximumf %add3A_26, %max3A_29 : vector<784x128xf32>
    %div3A = arith.divf %add3A, %max3A_30 : vector<784x128xf32>
    %sqrt3A = math.sqrt %div3A : vector<784x128xf32>
    %sub3A = arith.constant 1.000000e+00 : f32
    %sub3A_31 = vector.broadcast %sub3A : f32 to vector<784x128xf32>
    %sub3A_32 = arith.subf %sqrt3A, %sub3A_31 : vector<784x128xf32>
    %max3A_33 = arith.constant 0.000000e+00 : f32
    %max3A_34 = vector.broadcast %max3A_33 : f32 to vector<784x128xf32>
    %max3A_35 = arith.maximumf %sub3A_32, %max3A_34 : vector<784x128xf32>
    %jit3A = arith.constant 0.000000e+00 : f32
    %broadcast_in_dim3A = vector.broadcast %jit3A : f32 to vector<784x128xf32>
    %select_n3A = arith.select %gt3A_28, %max3A_35, %broadcast_in_dim3A : vector<784x128xi1>, vector<784x128xf32>
    %reduce_sum3A_36 = vector.shape_cast %select_n3A : vector<784x128xf32> to vector<1x784x128xf32>
    %reduce_sum3A_37 = arith.constant dense<0.000000e+00> : vector<1xf32>
    %reduce_sum3A_38 = vector.multi_reduction <add>, %reduce_sum3A_36, %reduce_sum3A_37 [1, 2] : vector<1x784x128xf32> to vector<1xf32>
    %reduce_sum3A_39 = vector.shape_cast %reduce_sum3A_38 : vector<1xf32> to vector<1x1x1xf32>
    %reduce_sum3A_40 = vector.extract %reduce_sum3A_39[0, 0, 0] : f32 from vector<1x1x1xf32>
    %jit3A_41 = arith.constant 1.000000e+00 : f32
    %jit3A_42 = arith.constant 0.000000e+00 : f32
    %broadcast_in_dim3A_43 = vector.broadcast %jit3A_41 : f32 to vector<784x128xf32>
    %broadcast_in_dim3A_44 = vector.broadcast %jit3A_42 : f32 to vector<784x128xf32>
    %select_n3A_45 = arith.select %gt3A_28, %broadcast_in_dim3A_43, %broadcast_in_dim3A_44 : vector<784x128xi1>, vector<784x128xf32>
    %reduce_sum3A_46 = vector.shape_cast %select_n3A_45 : vector<784x128xf32> to vector<1x784x128xf32>
    %reduce_sum3A_47 = arith.constant dense<0.000000e+00> : vector<1xf32>
    %reduce_sum3A_48 = vector.multi_reduction <add>, %reduce_sum3A_46, %reduce_sum3A_47 [1, 2] : vector<1x784x128xf32> to vector<1xf32>
    %reduce_sum3A_49 = vector.shape_cast %reduce_sum3A_48 : vector<1xf32> to vector<1x1x1xf32>
    %reduce_sum3A_50 = vector.extract %reduce_sum3A_49[0, 0, 0] : f32 from vector<1x1x1xf32>
    %div3A_51 = arith.divf %reduce_sum3A_40, %reduce_sum3A_50 : f32
    %add3A_52 = arith.addf %reduce_sum3A_5, %div3A_51 : f32
    %get3A_53 = arith.constant 0 : index
    %get3A_54 = arith.constant 0 : index
    %get3A_55 = arith.constant 0 : index
    %get3A_56 = vector.load %arg3[%get3A_53, %get3A_54, %get3A_55] : memref<2x784x128xf32, #tpu.memory_space<vmem>>, vector<1x784x128xf32>
    %get3A_57 = vector.shape_cast %get3A_56 : vector<1x784x128xf32> to vector<784x128xf32>
    %get3A_58 = arith.constant 1 : index
    %get3A_59 = arith.constant 0 : index
    %get3A_60 = arith.constant 0 : index
    %get3A_61 = vector.load %arg3[%get3A_58, %get3A_59, %get3A_60] : memref<2x784x128xf32, #tpu.memory_space<vmem>>, vector<1x784x128xf32>
    %get3A_62 = vector.shape_cast %get3A_61 : vector<1x784x128xf32> to vector<784x128xf32>
    %add3A_63 = arith.addf %get3A_57, %get3A_62 : vector<784x128xf32>
    %get3A_64 = arith.constant 0 : index
    %get3A_65 = arith.constant 0 : index
    %get3A_66 = arith.constant 0 : index
    %get3A_67 = vector.load %arg4[%get3A_64, %get3A_65, %get3A_66] : memref<2x784x128xf32, #tpu.memory_space<vmem>>, vector<1x784x128xf32>
    %get3A_68 = vector.shape_cast %get3A_67 : vector<1x784x128xf32> to vector<784x128xf32>
    %get3A_69 = arith.constant 1 : index
    %get3A_70 = arith.constant 0 : index
    %get3A_71 = arith.constant 0 : index
    %get3A_72 = vector.load %arg4[%get3A_69, %get3A_70, %get3A_71] : memref<2x784x128xf32, #tpu.memory_space<vmem>>, vector<1x784x128xf32>
    %get3A_73 = vector.shape_cast %get3A_72 : vector<1x784x128xf32> to vector<784x128xf32>
    %add3A_74 = arith.addf %get3A_68, %get3A_73 : vector<784x128xf32>
    %gt3A_75 = arith.constant 5.000000e-01 : f32
    %gt3A_76 = vector.broadcast %gt3A_75 : f32 to vector<784x128xf32>
    %gt3A_77 = arith.cmpf ogt, %add3A_74, %gt3A_76 : vector<784x128xf32>
    %max3A_78 = arith.constant 1.000000e+00 : f32
    %max3A_79 = vector.broadcast %max3A_78 : f32 to vector<784x128xf32>
    %max3A_80 = arith.maximumf %add3A_74, %max3A_79 : vector<784x128xf32>
    %div3A_81 = arith.divf %add3A_63, %max3A_80 : vector<784x128xf32>
    %sqrt3A_82 = math.sqrt %div3A_81 : vector<784x128xf32>
    %sub3A_83 = arith.constant 1.000000e+00 : f32
    %sub3A_84 = vector.broadcast %sub3A_83 : f32 to vector<784x128xf32>
    %sub3A_85 = arith.subf %sqrt3A_82, %sub3A_84 : vector<784x128xf32>
    %max3A_86 = arith.constant 0.000000e+00 : f32
    %max3A_87 = vector.broadcast %max3A_86 : f32 to vector<784x128xf32>
    %max3A_88 = arith.maximumf %sub3A_85, %max3A_87 : vector<784x128xf32>
    %jit3A_89 = arith.constant 0.000000e+00 : f32
    %broadcast_in_dim3A_90 = vector.broadcast %jit3A_89 : f32 to vector<784x128xf32>
    %select_n3A_91 = arith.select %gt3A_77, %max3A_88, %broadcast_in_dim3A_90 : vector<784x128xi1>, vector<784x128xf32>
    %reduce_sum3A_92 = vector.shape_cast %select_n3A_91 : vector<784x128xf32> to vector<1x784x128xf32>
    %reduce_sum3A_93 = arith.constant dense<0.000000e+00> : vector<1xf32>
    %reduce_sum3A_94 = vector.multi_reduction <add>, %reduce_sum3A_92, %reduce_sum3A_93 [1, 2] : vector<1x784x128xf32> to vector<1xf32>
    %reduce_sum3A_95 = vector.shape_cast %reduce_sum3A_94 : vector<1xf32> to vector<1x1x1xf32>
    %reduce_sum3A_96 = vector.extract %reduce_sum3A_95[0, 0, 0] : f32 from vector<1x1x1xf32>
    %jit3A_97 = arith.constant 1.000000e+00 : f32
    %jit3A_98 = arith.constant 0.000000e+00 : f32
    %broadcast_in_dim3A_99 = vector.broadcast %jit3A_97 : f32 to vector<784x128xf32>
    %broadcast_in_dim3A_100 = vector.broadcast %jit3A_98 : f32 to vector<784x128xf32>
    %select_n3A_101 = arith.select %gt3A_77, %broadcast_in_dim3A_99, %broadcast_in_dim3A_100 : vector<784x128xi1>, vector<784x128xf32>
    %reduce_sum3A_102 = vector.shape_cast %select_n3A_101 : vector<784x128xf32> to vector<1x784x128xf32>
    %reduce_sum3A_103 = arith.constant dense<0.000000e+00> : vector<1xf32>
    %reduce_sum3A_104 = vector.multi_reduction <add>, %reduce_sum3A_102, %reduce_sum3A_103 [1, 2] : vector<1x784x128xf32> to vector<1xf32>
    %reduce_sum3A_105 = vector.shape_cast %reduce_sum3A_104 : vector<1xf32> to vector<1x1x1xf32>
    %reduce_sum3A_106 = vector.extract %reduce_sum3A_105[0, 0, 0] : f32 from vector<1x1x1xf32>
    %div3A_107 = arith.divf %reduce_sum3A_96, %reduce_sum3A_106 : f32
    %add3A_108 = arith.addf %add3A_52, %div3A_107 : f32
    %reshape3A = vector.broadcast %add3A_108 : f32 to vector<1x1xf32>
    %swap3A = arith.constant 0 : index
    %swap3A_109 = arith.constant 0 : index
    %swap3A_110 = vector.load %arg5[%swap3A, %swap3A_109] : memref<1x1xf32, #tpu.memory_space<vmem>>, vector<1x1xf32>
    tpu.vector_store %arg5[%swap3A, %swap3A_109], %reshape3A {strides = array<i32>} : memref<1x1xf32, #tpu.memory_space<vmem>>, vector<1x1xf32>,
    return
  }
}

</mosaic_0001>

<sc_bundles>
// kernel: _impl.4.cloned.1.call-start
scs
__scs_entry_jumppad:
0x0: {  	(pc) =	sbr.rel $0x88, $3  }
0x1: {  	(tag) =	ssettag $0x0;
	lr =	simm.s32 $0x1  }
0x2: {  	[smem:$0x3F9D] =	sst lr;
	_ =	strace $0xD0000000  }
0x3: {  	_ = 	snop  }
0x4: {  	_ = 	snop  }
0x5: {  	_ = 	snop  }
0x6: {  	_ = 	snop  }
0x7: {  	_ = 	snop  }
__scs_overlays_trampoline_lowered:
0x8: {  	[smem:$0x3FAC] =	sst s0  }
0x9: {  	[smem:$0x3FAD] =	sst s1  }
0xa: {  	[smem:$0x3FAE] =	sst s2  }
0xb: {  	[smem:$0x3FAF] =	sst s3  }
0xc: {  	[smem:$0x3FB0] =	sst s4  }
0xd: {  	[smem:$0x3FB1] =	sst s5  }
0xe: {  	[smem:$0x3FB2] =	sst s6  }
0xf: {  	[smem:$0x3FB3] =	sst s7  }
0x10: {  	[smem:$0x3FB4] =	sst s8  }
0x11: {  	[smem:$0x3FB5] =	sst s9;
	s0 =	simm.s32 @!p0 $0x0  }
0x12: {  	s1 =	sld [smem:$0x3F9B];
	s0 =	simm.s32 @p0 $0x1  }
0x13: {  	[smem:$0x3FB6] =	sst s0;
	s0 =	simm.s32 @!p1 $0x0  }
0x14: {  	s2 =	sld [smem:$0x3F9A];
	s0 =	simm.s32 @p1 $0x1  }
0x15: {  	[smem:$0x3FB7] =	sst s0;
	s0 =	simm.s32 @!p2 $0x0  }
0x16: {  	s3 =	sld [smem:$0x3FDB];
	s0 =	simm.s32 @p2 $0x1  }
0x17: {  	s4 =	simm.s32 $0x1BF5;
	[smem:$0x3FB9] =	sst s0  }
0x18: {  	s0 =	sld [smem:$0x3F9C];
	_ =	swait.ge [sflag:s4], $0x0  }
0x19: {  	s7 =	sld [smem:$0x3F9D]  }
0x1a: {  	s8 =	sadd.s32 $0xFFFFE003, lr  }
0x1b: {  	s9 =	sadd.s32 $0xFFFFFEF7, lr;
	s5 =	simm.s32 $0xFFFFFFFF;
	p2 =	slt.u32 s8, $0xFFFFF086  }
0x1c: {  	p1 =	slt.u32 s9, $0xF7A;
	s5 =	simm.s32 @!p2 $0x0  }
0x1d: {  	s5 =	simm.s32 @p1 $0x1;
	p0 =	seq.s32 s7, s2  }
0x1e: {  	s7 =	smul.u32 @!p0 $0xF7A, s2;
	p2 =	seq.s32 @!p0 s5, $0x0  }
0x1f: {  	s9 =	smul.u32 $0xF7A, s1;
	s8 =	simm.s32 @!p0 $0x1BF5;
	p2 =	por !p2, p0  }
0x20: {  	[sflag:s8] =	ssyncset.s32 @!p0 $0xFFFFF086;
	s6 =	sadd.s32 @!p0 s3, s7;
	s7 =	simm.s32 @!p0 $0x108  }
0x21: {  	s3 =	sadd.s32 s3, s9;
	s6 =	sadd.s32 @!p0 $0x88, s6;
	s7 =	simm.s32 @p2 $0x1082  }
0x22: {  	[simem:s7], [sflag:s8] =	dma.local @!p0 [hbm:s6], $0xF7A  }
0x23: {  	s9 =	sor.u32 $0xD0000000, s2;
	s6 =	simm.s32 $0x108;
	_ =	swait.ge @!p0 [sflag:s8], $0x0  }
0x24: {  	s3 =	sadd.s32 $0x88, s3;
	s6 =	simm.s32 @!p1 $0x1082;
	[sflag:s4] =	ssyncset.s32 $0xFFFFF086  }
0x25: {  	[simem:s6], [sflag:s4] =	dma.local [hbm:s3], $0xF7A  }
0x26: {  	[smem:$0x3F9D] =	sst s1;
	(tag) =	ssettag s2;
	_ =	strace s9  }
0x27: {  	s1 =	sld [smem:$0x3FAD]  }
0x28: {  	s2 =	sld [smem:$0x3FAE]  }
0x29: {  	s4 =	sld [smem:$0x3FB0]  }
0x2a: {  	p0 =	seq.s32 s5, $0x0;
	s5 =	sld [smem:$0x3FB1]  }
0x2b: {  	s6 =	sld [smem:$0x3FB2]  }
0x2c: {  	s7 =	sld [smem:$0x3FB3]  }
0x2d: {  	s3 =	simm.s32 $0x108;
	s8 =	sld [smem:$0x3FB4]  }
0x2e: {  	s3 =	simm.s32 @!p0 $0x1082;
	s9 =	sld [smem:$0x3FB5]  }
0x2f: {  	lr =	sadd.s32 s0, s3;
	s0 =	sld [smem:$0x3FAC]  }
0x30: {  	s3 =	sld [smem:$0x3FAF]  }
0x31: {  	[smem:$0x3FB8] =	sst s10  }
0x32: {  	s10 =	sld [smem:$0x3FB6];
	_ =	sdelay $0x3  }
0x33: {  	p0 =	seq.s32 s10, $0x1;
	s10 =	sld [smem:$0x3FB8];
	_ =	sdelay $0x3  }
0x34: {  	[smem:$0x3FB8] =	sst s10  }
0x35: {  	s10 =	sld [smem:$0x3FB7];
	_ =	sdelay $0x3  }
0x36: {  	p1 =	seq.s32 s10, $0x1;
	s10 =	sld [smem:$0x3FB8];
	_ =	sdelay $0x3  }
0x37: {  	[smem:$0x3FB8] =	sst s10  }
0x38: {  	s10 =	sld [smem:$0x3FB9]  }
0x39: {  	_ = 	snop;
	(pc) =	sbr.ind lr, $3  }
0x3a: {  	_ = 	snop  }
0x3b: {  	_ = 	snop  }
0x3c: {  	p2 =	seq.s32 s10, $0x1;
	s10 =	sld [smem:$0x3FB8]  }
0x3d: {  	_ =	shalt  }
0x3e: {  	_ =	shalt  }
0x3f: {  	_ =	shalt  }
0x40: {  	_ =	shalt  }
0x41: {  	_ =	shalt  }
0x42: {  	_ =	shalt  }
0x43: {  	_ =	shalt  }
0x44: {  	_ =	shalt  }
0x45: {  	_ =	shalt  }
0x46: {  	_ =	shalt  }
0x47: {  	_ =	shalt  }
0x48: {  	_ =	shalt  }
0x49: {  	_ =	shalt  }
0x4a: {  	_ =	shalt  }
0x4b: {  	_ =	shalt  }
0x4c: {  	_ =	shalt  }
0x4d: {  	_ =	shalt  }
0x4e: {  	_ =	shalt  }
0x4f: {  	_ =	shalt  }
0x50: {  	_ =	shalt  }
0x51: {  	_ =	shalt  }
0x52: {  	_ =	shalt  }
0x53: {  	_ =	shalt  }
0x54: {  	_ =	shalt  }
0x55: {  	_ =	shalt  }
0x56: {  	_ =	shalt  }
0x57: {  	_ =	shalt  }
0x58: {  	_ =	shalt  }
0x59: {  	_ =	shalt  }
0x5a: {  	_ =	shalt  }
0x5b: {  	_ =	shalt  }
0x5c: {  	_ =	shalt  }
0x5d: {  	_ =	shalt  }
0x5e: {  	_ =	shalt  }
0x5f: {  	_ =	shalt  }
0x60: {  	_ =	shalt  }
0x61: {  	_ =	shalt  }
0x62: {  	_ =	shalt  }
0x63: {  	_ =	shalt  }
0x64: {  	_ =	shalt  }
0x65: {  	_ =	shalt  }
0x66: {  	_ =	shalt  }
0x67: {  	_ =	shalt  }
0x68: {  	_ =	shalt  }
0x69: {  	_ =	shalt  }
0x6a: {  	_ =	shalt  }
0x6b: {  	_ =	shalt  }
0x6c: {  	_ =	shalt  }
0x6d: {  	_ =	shalt  }
0x6e: {  	_ =	shalt  }
0x6f: {  	_ =	shalt  }
0x70: {  	_ =	shalt  }
0x71: {  	_ =	shalt  }
0x72: {  	_ =	shalt  }
0x73: {  	_ =	shalt  }
0x74: {  	_ =	shalt  }
0x75: {  	_ =	shalt  }
0x76: {  	_ =	shalt  }
0x77: {  	_ =	shalt  }
0x78: {  	_ =	shalt  }
0x79: {  	_ =	shalt  }
0x7a: {  	_ =	shalt  }
0x7b: {  	_ =	shalt  }
0x7c: {  	_ =	shalt  }
0x7d: {  	_ =	shalt  }
0x7e: {  	_ =	shalt  }
0x7f: {  	_ =	shalt  }
0x80: {  	_ =	shalt  }
0x81: {  	_ =	shalt  }
0x82: {  	_ =	shalt  }
0x83: {  	_ =	shalt  }
0x84: {  	_ =	shalt  }
0x85: {  	_ =	shalt  }
0x86: {  	_ =	shalt  }
0x87: {  	_ =	shalt  }
.Lfunc_end0:
.L_simem_size_0:
called_computation_lowered:
.L_overlay_start_0:
0x88: {  	s2 =	sld [smem:$0x3FD9]  }
0x89: {  	s3 =	sld [smem:$0x3FFE];
	_ =	sdelay $0x1  }
0x8a: {  	s1 =	srdreg.scid  }
0x8b: {  	s0 =	sand.u32 $0x1, s1  }
0x8c: {  	s17 =	sshll.u32 s0, $0xA;
	s2 =	sadd.s32 s3, s2  }
0x8d: {  	s2 =	sadd.s32 s2, s17  }
0x8e: {  	[smem:$0x3FC4] =	sst s2  }
0x8f: {  	_ = 	snop  }
0x90: {  	s2 =	sld [smem:$0x3FC9]  }
0x91: {  	s18 =	sld [smem:$0x3FC8]  }
0x92: {  	s4 =	sld [smem:$0x3FC7]  }
0x93: {  	s5 =	sld [smem:$0x3FC6];
	(tm) =	ssettm $0x1  }
0x94: {  	s6 =	sld [smem:$0x3FFB];
	_ =	sdelay $0x3  }
0x95: {  	_ =	strace s6  }
0x96: {  	s6 =	sld [smem:$0x3FFC];
	_ =	sdelay $0x3  }
0x97: {  	_ =	strace s6  }
0x98: {  	s6 =	sld [smem:$0x3FFD];
	_ =	sdelay $0x3  }
0x99: {  	_ =	strace s6  }
0x9a: {  	_ =	strace $0x8FFFFFFF  }
0x9b: {  	s19 =	sld [smem:$0x3FDB];
	_ =	sdelay $0x1  }
0x9c: {  	s7 =	simm.s32 $_scs_section_size  }
0x9d: {  	s8 =	simm.s32 $_size__tile_overlayer_lowered;
	s9 =	simm.s32 $_tile_overlayer_lowered  }
0x9e: {  	s22 =	simm.s32 $0x1BFF;
	s21 =	sshll.u32 s9, $0x1;
	s6 =	sadd.s32 s7, s19  }
0x9f: {  	s10 =	simm.s32 $0x0;
	s20 =	sshll.u32 s8, $0x1;
	s8 =	sadd.s32 s21, s6  }
0xa0: {  	[timem:s10], [sflag:s22] =	dma.local [hbm:s8], s20  }
0xa1: {  	_ =	swait.ge [sflag:s22], s20  }
0xa2: {  	s7 =	ssub.s32 $0x0, s20;
	[sflag:s22] =	ssyncset.done $0x0  }
0xa3: {  	[sflag:s22] =	ssyncadd.s32 s7;
	_ =	sdelay $0x1  }
0xa4: {  	s23 =	simm.s32 $0x1B8B  }
0xa5: {  	_ =	swait.ge [sflag:s23], $0x1  }
0xa6: {  	[sflag:s23] =	ssyncset.done $0x0  }
0xa7: {  	s25 =	simm.s32 $0x1B8E;
	s24 =	sld [smem:$0x3FFE];
	[sflag:s23] =	ssyncadd.s32 $0xFFFFFFFF  }
0xa8: {  	s26 =	simm.s32 $execute0_lowered;
	[smem:$0x3FD2] =	sst s25  }
0xa9: {  	s8 =	sshll.u32 s26, $0x1;
	_ =	strace $0x80000046;
	[dreg:$0x1] =	wrdreg $0xFFFFFFFF  }
0xaa: {  	s28 =	simm.s32 $_size_execute0_lowered;
	s6 =	sadd.s32 s6, s8;
	[dreg:$0x0] =	wrdreg $0x0  }
0xab: {  	s8 =	sshll.u32 s28, $0x1;
	[dreg:$0x2] =	wrdreg s6  }
0xac: {  	[dreg:$0x3] =	wrdreg s8  }
0xad: {  	[dreg:$0x4] =	wrdreg $0xC0  }
0xae: {  	_ =	task [dreg:s10], $0x5FFFF  }
0xaf: {  	[dreg:$0x1] =	wrdreg $0xFFFFFFFF  }
0xb0: {  	[dreg:$0x0] =	wrdreg $0x60  }
0xb1: {  	[dreg:$0x2] =	wrdreg s2  }
0xb2: {  	[dreg:$0x3] =	wrdreg s18  }
0xb3: {  	[dreg:$0x4] =	wrdreg s4  }
0xb4: {  	[dreg:$0x5] =	wrdreg s5  }
0xb5: {  	[dreg:$0x6] =	wrdreg s24  }
0xb6: {  	[dreg:$0x7] =	wrdreg $0x194800  }
0xb7: {  	[dreg:$0x8] =	wrdreg $0x1AD000  }
0xb8: {  	[dreg:$0x9] =	wrdreg $0x1C5800  }
0xb9: {  	[dreg:$0xa] =	wrdreg $0x1DE000  }
0xba: {  	[dreg:$0xb] =	wrdreg $0x9  }
0xbb: {  	_ =	task.clear_ibuf [dreg:s10], $0xCFFFF;
	_ =	strace $0x90000046  }
0xbc: {  	s29 =	simm.s32 $0x9;
	_ =	strace $0x80000048  }
0xbd: {  	_ =	swait.ge [sflag:s29], $0x1  }
0xbe: {  	[sflag:s29] =	ssyncadd.s32 $0xFFFFFFFF  }
0xbf: {  	_ =	strace $0x90000048  }
0xc0: {  	_ =	sfence  }
0xc1: {  	s30 =	sld [smem:$0x0];
	_ =	sdelay $0x2  }
0xc2: {  	s31 =	sshll.u32 s1, $0xD;
	s1 =	sshrl.u32 s1, $0x2  }
0xc3: {  	s3 =	sand.u32 $0x4000, s31;
	s1 =	sadd.s32 s1, s30  }
0xc4: {  	s0 =	sor.u32 s3, s0;
	s1 =	sshll.u32 s1, $0x11  }
0xc5: {  	s0 =	sor.u32 s1, s0  }
0xc6: {  	s0 =	sadd.s32 $0x8F2B, s0  }
0xc7: {  	[sflag:s0] =	ssyncadd.remote.s32 $0x1  }
0xc8: {  	_ =	sfence.sel $0xFFFF  }
0xc9: {  	[dreg:$0x0] =	wrdreg $0xFFFFFFFF;
	(pc) =	sbr.abs _section_cstart, $3  }
0xca: {  	[dreg:$0x1] =	wrdreg $0xFFFFFFFF  }
0xcb: {  	_ =	task.clear_ibuf [dreg:s10], $0x2FFFF;
	_ =	strace $0x9FFFFFFF  }
0xcc: {  	(tm) =	ssettm $0x7FFFFFFF  }
0xcd: {  	_ =	shalt  }
tec
execute0_lowered:
.L_overlay_start_1:
0x0: {  	(tag) =	ssettag $0x1  }
0x1: {  	s1 =	rddreg [dreg:$0x0]  }
0x2: {  	s2 =	rddreg [dreg:$0x1]  }
0x3: {  	s0 =	rddreg [dreg:$0x2]  }
0x4: {  	s5 =	rddreg [dreg:$0x4]  }
0x5: {  	s17 =	rddreg [dreg:$0x5]  }
0x6: {  	s19 =	rddreg [dreg:$0x6]  }
0x7: {  	s3 =	rddreg [dreg:$0x7]  }
0x8: {  	s13 =	rddreg [dreg:$0x8]  }
0x9: {  	s14 =	simm.s32 $0x0;
	s4 =	stileid.u32;
	s6 =	srdreg.scid  }
0xa: {  	s28 =	simm.s32 $0x100;
	s30 =	simm.s32 $0x0;
	[smem:$0x7FF] =	sst s14  }
0xb: {  	s7 =	sshll.u32 s4, $0x4;
	s6 =	sand.u32 $0x1, s6;
	s8 =	smul.u32 $0x3100, s4  }
0xc: {  	s12 =	smul.u32 $0x1880, s4;
	_ =	strace $0x80000047;
	s7 =	sand.u32 $0x70, s7  }
0xd: {  	s9 =	sshll.u32 s6, $0x7;
	s18 =	sshll.u32 s6, $0x4;
	s6 =	ssub.s32 $0x2, s6  }
0xe: {  	s7 =	sadd.s32 s7, s5;
	s8 =	sor.u32 s9, s8;
	s9 =	sor.u32 s4, s18  }
0xf: {  	s10 =	sshrl.u32 s6, $0x1;
	s21 =	sadd.s32 $0x620, s12;
	s31 =	sadd.s32 s12, s3  }
0x10: {  	s22 =	sadd.s32 $0xC40, s12;
	s23 =	sadd.s32 s21, s17;
	[dreg:$0x10] =	wrdreg s31  }
0x11: {  	s4 =	sadd.s32 s12, s17;
	s24 =	sadd.s32 s22, s17;
	[dreg:$0xc] =	wrdreg s23  }
0x12: {  	s25 =	sadd.s32 $0x1260, s12;
	s26 =	sadd.s32 s21, s19;
	[dreg:$0xd] =	wrdreg s24  }
0x13: {  	s8 =	sshrl.u32 s8, $0x3;
	s29 =	sadd.s32 s22, s19;
	[dreg:$0xe] =	wrdreg s26  }
0x14: {  	s6 =	ssub.s32 s6, s10;
	s10 =	sadd.s32 s21, s3;
	[dreg:$0xf] =	wrdreg s29  }
0x15: {  	s11 =	sshll.u32 s9, $0x6;
	s15 =	sadd.s32 s22, s3;
	[dreg:$0x11] =	wrdreg s10  }
0x16: {  	s9 =	sshll.u32 s9, $0x4;
	s16 =	sadd.s32 s22, s13;
	[dreg:$0x13] =	wrdreg s15  }
0x17: {  	s18 =	sadd.s32 s25, s17;
	s22 =	sadd.s32 s25, s13;
	[dreg:$0x14] =	wrdreg s16  }
0x18: {  	s5 =	sadd.s32 s8, s5;
	s1 =	sadd.s32 s1, s11;
	[dreg:$0x15] =	wrdreg s18  }
0x19: {  	s20 =	sadd.s32 s2, s11;
	s11 =	sadd.s32 s12, s19;
	[dreg:$0x18] =	wrdreg s22  }
0x1a: {  	s9 =	sand.u32 $0x180, s9;
	s12 =	sadd.s32 s12, s13;
	[dreg:$0xa] =	wrdreg s1  }
0x1b: {  	s31 =	smax.u32 s6, $0x1;
	s6 =	simm.s32 $0x2;
	[dreg:$0xb] =	wrdreg s20  }
0x1c: {  	s10 =	simm.s32 $0x80;
	s15 =	simm.s32 $0x18E00;
	[dreg:$0x1e] =	wrdreg s31  }
0x1d: {  	s16 =	simm.s32 $0x4;
	s1 =	sadd.s32 s21, s13;
	[dreg:$0x1f] =	wrdreg s11  }
0x1e: {  	s18 =	simm.s32 $0x18700;
	s20 =	sadd.s32 s25, s19;
	[dreg:$0x12] =	wrdreg s1  }
0x1f: {  	v0 =	vlaneseq.u32;
	s22 =	simm.s32 $0x18B80;
	s21 =	sadd.s32 s25, s3;
	[dreg:$0x16] =	wrdreg s20  }
0x20: {  	v0 =	vmul.u32 $0x11, v0;
	s7 =	sadd.s32 s9, s7;
	s24 =	sadd.s32 $0xE00, s5;
	[dreg:$0x17] =	wrdreg s21  }
0x21: {  	v1 =	vimm.f32 $0.0e+00;
	v2 =	vimm.f32 $1.000000000e+00;
	s25 =	sadd.s32 $0x7000, s5;
	s26 =	sadd.s32 $0xD200, s5;
	[dreg:$0x1a] =	wrdreg s24  }
0x22: {  	v3 =	vadd.s32 $0x1, v0;
	v4 =	vadd.s32 $0x2, v0;
	v5 =	vadd.s32 $0x3, v0;
	s29 =	sadd.s32 $0x13400, s5;
	s5 =	simm.s32 $0x200;
	[dreg:$0x1b] =	wrdreg s25  }
0x23: {  	v6 =	vadd.s32 $0x4, v0;
	v7 =	vadd.s32 $0x5, v0;
	v8 =	vadd.s32 $0x6, v0;
	s9 =	simm.s32 $0x40;
	s23 =	sadd.s32 $0x19600, s7;
	[dreg:$0x1c] =	wrdreg s26  }
0x24: {  	v9 =	vadd.s32 $0x7, v0;
	v10 =	vadd.s32 $0x8, v0;
	v11 =	vadd.s32 $0x9, v0;
	[dreg:$0x1d] =	wrdreg s29;
	s7 =	simm.s32 $0x300;
	s20 =	simm.s32 $0x18880  }
0x25: {  	v12 =	vadd.s32 $0xA, v0;
	v13 =	vadd.s32 $0xB, v0;
	v14 =	vadd.s32 $0xC, v0;
	s21 =	simm.s32 $0x18A00;
	s24 =	simm.s32 $0x18D00;
	s25 =	simm.s32 $0x1  }
0x26: {  	v15 =	vadd.s32 $0xD, v0;
	v16 =	vadd.s32 $0xE, v0;
	v17 =	vadd.s32 $0xF, v0;
	s26 =	simm.s32 $0x3;
	[dreg:$0x19] =	wrdreg s23;
	s23 =	simm.s32 $0x5  }
.LBB2_1:
0x27: {  	s1 =	rddreg [dreg:$0xa]  }
0x28: {  	[tilespmem:s14], [sflag:$0x2] =	stream.linear.gather [hbm4b:s1+s14], $0x180, $0x38;
	[tilespmem:$0x1F680] =	vst v63  }
0x29: {  	s31 =	rddreg [dreg:$0xb];
	s2 =	simm.s32 $0x0;
	s1 =	simm.s32 $0x40  }
0x2a: {  	[tilespmem:s5], [sflag:$0x2] =	stream.linear.gather [hbm4b:s31+s14], $0x180, $0x38;
	[tilespmem:$0x1F680] =	vst v63  }
.LBB2_2:
0x2b: {  	p0 =	sne.s32 s1, $0x1840;
	[tilespmem:s2+$0x18E00] =	vst v1;
	s2 =	smov.u32 s1;
	s1 =	sadd.s32 $0x40, s1  }
.Ltmp0:
0x2c: {  	(pc) =	sbr.rel @p0 .LBB2_2-.Ltmp0, $2  }
0x2d: {  	_ =	sdelay $0x2  }
0x2e: {  	s2 =	sshra.s32 s2, $0x2  }
0x2f: {  	[tilespmem:s2+$0x18E00] =	vst v1  }
0x30: {  	_ =	swait.ge [sflag:s6], $0x180  }
0x31: {  	[sflag:s6] =	ssyncset.done $0x0  }
0x32: {  	[sflag:s6] =	ssyncadd.s32 $0xFFFFFE80  }
0x33: {  	_ =	swait.ge [sflag:s6], $0x180  }
0x34: {  	[sflag:s6] =	ssyncset.done $0x0  }
0x35: {  	s31 =	simm.s32 $0x0;
	s1 =	simm.s32 $0x400;
	[sflag:s6] =	ssyncadd.s32 $0xFFFFFE80  }
0x36: {  	[tilespmem:s1], [sflag:$0x4] =	stream.indirect.gather [hbm4b:s0+s9], $0x80, s31, s9, $0xb8;
	[tilespmem:$0x1F680] =	vst v63  }
0x37: {  	s8 =	simm.s32 $0x4400;
	s1 =	rddreg [dreg:$0x3]  }
0x38: {  	[tilespmem:s8], [sflag:$0x4] =	stream.indirect.gather [hbm4b:s1+s9], $0x80, s10, s9, $0xb8;
	[tilespmem:$0x1F680] =	vst v63  }
0x39: {  	s13 =	simm.s32 $0x8400  }
0x3a: {  	[tilespmem:s13], [sflag:$0x4] =	stream.indirect.gather [hbm4b:s0+s9], $0x80, s28, s9, $0xb8;
	[tilespmem:$0x1F680] =	vst v63  }
0x3b: {  	s14 =	simm.s32 $0x2400  }
0x3c: {  	[tilespmem:s14], [sflag:$0x5] =	stream.indirect.gather [hbm4b:s0+s9], $0x80, s9, s9, $0xb8;
	[tilespmem:$0x1F680] =	vst v63  }
0x3d: {  	s3 =	simm.s32 $0x6400;
	s28 =	simm.s32 $0xC0  }
0x3e: {  	[tilespmem:s3], [sflag:$0x5] =	stream.indirect.gather [hbm4b:s1+s9], $0x80, s28, s9, $0xb8;
	[tilespmem:$0x1F680] =	vst v63  }
0x3f: {  	s8 =	simm.s32 $0xA400;
	s3 =	simm.s32 $0x140  }
0x40: {  	[tilespmem:s8], [sflag:$0x5] =	stream.indirect.gather [hbm4b:s0+s9], $0x80, s3, s9, $0xb8;
	[tilespmem:$0x1F680] =	vst v63  }
0x41: {  	s13 =	simm.s32 $0xC400  }
0x42: {  	[tilespmem:s13], [sflag:$0x1] =	stream.indirect.gather [hbm4b:s0+s10], $0x80, s5, s10, $0xb8;
	[tilespmem:$0x1F680] =	vst v63  }
0x43: {  	s14 =	simm.s32 $0x280;
	s28 =	simm.s32 $0x10400  }
0x44: {  	[tilespmem:s28], [sflag:$0x1] =	stream.indirect.gather [hbm4b:s1+s10], $0x80, s14, s10, $0xb8;
	[tilespmem:$0x1F680] =	vst v63  }
0x45: {  	s5 =	simm.s32 $0x14400  }
0x46: {  	[tilespmem:s5], [sflag:$0x1] =	stream.indirect.gather [hbm4b:s0+s10], $0x80, s7, s10, $0xb8;
	[tilespmem:$0x1F680] =	vst v63  }
0x47: {  	_ = 	snop  }
0x48: {  	[spmem:s4] =	stream.linear.scatter [tilespmem:s15], [sflag:$0x2], $0x620, $0x38;
	[tilespmem:$0x1F680] =	vst v63  }
0x49: {  	s8 =	rddreg [dreg:$0xc]  }
0x4a: {  	[spmem:s8] =	stream.linear.scatter [tilespmem:s15], [sflag:$0x2], $0x620, $0x38;
	[tilespmem:$0x1F680] =	vst v63  }
0x4b: {  	s13 =	rddreg [dreg:$0xd]  }
0x4c: {  	[spmem:s13] =	stream.linear.scatter [tilespmem:s15], [sflag:$0x2], $0x620, $0x38;
	[tilespmem:$0x1F680] =	vst v63  }
0x4d: {  	s14 =	rddreg [dreg:$0x15]  }
0x4e: {  	[spmem:s14] =	stream.linear.scatter [tilespmem:s15], [sflag:$0x2], $0x620, $0x38;
	[tilespmem:$0x1F680] =	vst v63  }
0x4f: {  	_ = 	snop  }
0x50: {  	[spmem:s11] =	stream.linear.scatter [tilespmem:s15], [sflag:$0x2], $0x620, $0x38;
	[tilespmem:$0x1F680] =	vst v63  }
0x51: {  	s28 =	rddreg [dreg:$0xe]  }
0x52: {  	[spmem:s28] =	stream.linear.scatter [tilespmem:s15], [sflag:$0x2], $0x620, $0x38;
	[tilespmem:$0x1F680] =	vst v63  }
0x53: {  	s2 =	rddreg [dreg:$0xf]  }
0x54: {  	[spmem:s2] =	stream.linear.scatter [tilespmem:s15], [sflag:$0x2], $0x620, $0x38;
	[tilespmem:$0x1F680] =	vst v63  }
0x55: {  	s3 =	rddreg [dreg:$0x16]  }
0x56: {  	[spmem:s3] =	stream.linear.scatter [tilespmem:s15], [sflag:$0x2], $0x620, $0x38;
	[tilespmem:$0x1F680] =	vst v63  }
0x57: {  	s7 =	smov.u32 s4;
	s4 =	rddreg [dreg:$0x10]  }
0x58: {  	[spmem:s4] =	stream.linear.scatter [tilespmem:s15], [sflag:$0x2], $0x620, $0x38;
	[tilespmem:$0x1F680] =	vst v63  }
0x59: {  	s5 =	rddreg [dreg:$0x11]  }
0x5a: {  	[spmem:s5] =	stream.linear.scatter [tilespmem:s15], [sflag:$0x2], $0x620, $0x38;
	[tilespmem:$0x1F680] =	vst v63  }
0x5b: {  	s8 =	rddreg [dreg:$0x13]  }
0x5c: {  	[spmem:s8] =	stream.linear.scatter [tilespmem:s15], [sflag:$0x2], $0x620, $0x38;
	[tilespmem:$0x1F680] =	vst v63  }
0x5d: {  	s11 =	rddreg [dreg:$0x17]  }
0x5e: {  	[spmem:s11] =	stream.linear.scatter [tilespmem:s15], [sflag:$0x2], $0x620, $0x38;
	[tilespmem:$0x1F680] =	vst v63  }
0x5f: {  	_ = 	snop  }
0x60: {  	[spmem:s12] =	stream.linear.scatter [tilespmem:s15], [sflag:$0x2], $0x620, $0x38;
	[tilespmem:$0x1F680] =	vst v63  }
0x61: {  	s13 =	rddreg [dreg:$0x12]  }
0x62: {  	[spmem:s13] =	stream.linear.scatter [tilespmem:s15], [sflag:$0x2], $0x620, $0x38;
	[tilespmem:$0x1F680] =	vst v63  }
0x63: {  	s14 =	rddreg [dreg:$0x14]  }
0x64: {  	[spmem:s14] =	stream.linear.scatter [tilespmem:s15], [sflag:$0x2], $0x620, $0x38;
	[tilespmem:$0x1F680] =	vst v63  }
0x65: {  	s28 =	rddreg [dreg:$0x18]  }
0x66: {  	[spmem:s28] =	stream.linear.scatter [tilespmem:s15], [sflag:$0x2], $0x620, $0x38;
	[tilespmem:$0x1F680] =	vst v63  }
0x67: {  	[tilespmem:$0x18D00] =	vst v2  }
0x68: {  	[tilespmem:$0x18D10] =	vst v2  }
0x69: {  	[tilespmem:$0x18D20] =	vst v2  }
0x6a: {  	[tilespmem:$0x18D30] =	vst v2  }
0x6b: {  	[tilespmem:$0x18D40] =	vst v2  }
0x6c: {  	[tilespmem:$0x18D50] =	vst v2  }
0x6d: {  	[tilespmem:$0x18D60] =	vst v2  }
0x6e: {  	[tilespmem:$0x18D70] =	vst v2  }
0x6f: {  	_ =	swait.ge [sflag:s16], $0x2000  }
0x70: {  	[sflag:s16] =	ssyncset.done $0x0  }
0x71: {  	[sflag:s16] =	ssyncadd.s32 $0xFFFFE000  }
0x72: {  	_ =	swait.ge [sflag:s16], $0x2000  }
0x73: {  	[sflag:s16] =	ssyncset.done $0x0  }
0x74: {  	[sflag:s16] =	ssyncadd.s32 $0xFFFFE000  }
0x75: {  	_ =	swait.ge [sflag:s16], $0x2000  }
0x76: {  	s29 =	smov.u32 s12;
	s11 =	simm.s32 $0x4440;
	[sflag:s16] =	ssyncset.done $0x0  }
0x77: {  	s13 =	simm.s32 $0x440;
	s14 =	simm.s32 $0x8440;
	[sflag:s16] =	ssyncadd.s32 $0xFFFFE000  }
.LBB2_4:
0x78: {  	v18 =	vld [tilespmem:s13+$0xFFFFFFC0]  }
0x79: {  	v19 =	vld [tilespmem:s11+$0xFFFFFFE0]  }
0x7a: {  	v21 =	vld [tilespmem:s13+$0xFFFFFFD0]  }
0x7b: {  	v22 =	vld [tilespmem:s11+$0xFFFFFFC0]  }
0x7c: {  	v23 =	vld [tilespmem:s13+$0xFFFFFFF0]  }
0x7d: {  	v24 =	vld [tilespmem:s11+$0xFFFFFFD0]  }
0x7e: {  	v25 =	vld [tilespmem:s14+$0xFFFFFFD0]  }
0x7f: {  	v30 =	vld [tilespmem:s11+$0xFFFFFFF0]  }
0x80: {  	v34 =	vld [tilespmem:s11+$0x0]  }
0x81: {  	v20 =	vld [tilespmem:s13+$0xFFFFFFE0]  }
0x82: {  	v26 =	vld [tilespmem:s14+$0xFFFFFFC0];
	v27 =	vmul.f32 v18, v18;
	v28 =	vmul.f32 v21, v21  }
0x83: {  	v29 =	vld [tilespmem:s14+$0xFFFFFFE0];
	v18 =	vadd.f32 v22, v18;
	v31 =	vmul.f32 v23, v23;
	v22 =	vmul.f32 v22, v22  }
0x84: {  	v21 =	vadd.f32 v24, v21;
	v24 =	vmul.f32 v24, v24;
	v33 =	vmul.f32 v25, v25  }
0x85: {  	v23 =	vadd.f32 v30, v23;
	v30 =	vmul.f32 v30, v30;
	v36 =	vmul.f32 v34, v34  }
0x86: {  	v32 =	vld [tilespmem:s13+$0x0];
	v27 =	vadd.f32 v28, v27;
	v28 =	vmul.f32 v19, v19;
	v19 =	vadd.f32 v19, v20  }
0x87: {  	v18 =	vsub.f32 v18, v26;
	v21 =	vsub.f32 v21, v25;
	v25 =	vld [tilespmem:s14+$0xFFFFFFF0];
	v26 =	vmul.f32 v26, v26  }
0x88: {  	v35 =	vld [tilespmem:s13+$0x10];
	v20 =	vmul.f32 v20, v20;
	v22 =	vadd.f32 v24, v22;
	v24 =	vmul.f32 v29, v29  }
0x89: {  	v19 =	vsub.f32 v19, v29;
	v29 =	vld [tilespmem:s14+$0x0];
	v18 =	vmul.f32 v18, v18;
	v26 =	vadd.f32 v33, v26  }
0x8a: {  	v57 =	vld [tilespmem:s14+$0x10];
	v20 =	vadd.f32 v20, v27;
	v21 =	vmul.f32 v21, v21;
	v22 =	vadd.f32 v28, v22  }
0x8b: {  	v59 =	vld [tilespmem:s14+$0x20];
	v28 =	vmul.f32 v32, v32;
	v24 =	vadd.f32 v24, v26;
	v26 =	vadd.f32 v34, v32  }
0x8c: {  	v27 =	vld [tilespmem:s11+$0x10];
	v20 =	vadd.f32 v31, v20;
	v23 =	vsub.f32 v23, v25;
	v25 =	vmul.f32 v25, v25  }
0x8d: {  	v19 =	vmul.f32 v19, v19;
	v21 =	vadd.f32 v21, v18;
	v31 =	vld [tilespmem:s13+$0x20];
	v22 =	vadd.f32 v30, v22  }
0x8e: {  	v18 =	vld [tilespmem:s14+$0x30];
	v20 =	vadd.f32 v28, v20;
	v58 =	vmul.f32 v29, v29;
	v24 =	vadd.f32 v25, v24  }
0x8f: {  	v60 =	vmul.f32 v57, v57;
	v19 =	vadd.f32 v19, v21;
	v22 =	vadd.f32 v36, v22  }
0x90: {  	v30 =	vld [tilespmem:s11+$0x20];
	v23 =	vmul.f32 v23, v23;
	v25 =	vmul.f32 v35, v35;
	v21 =	vadd.f32 v58, v24  }
0x91: {  	v61 =	vld [tilespmem:s13+$0x30];
	v28 =	vadd.f32 v27, v35;
	v26 =	vsub.f32 v26, v29;
	v24 =	vmul.f32 v27, v27  }
0x92: {  	v62 =	vld [tilespmem:s11+$0x30];
	v25 =	vadd.f32 v25, v20;
	v27 =	vmul.f32 v59, v59;
	v21 =	vadd.f32 v60, v21  }
0x93: {  	v29 =	vmul.f32 v31, v31;
	v63 =	vadd.f32 v23, v19;
	v20 =	vmul.f32 v18, v18  }
0x94: {  	v19 =	vadd.f32 v24, v22;
	v22 =	vmul.f32 v26, v26;
	v23 =	vadd.f32 v27, v21  }
0x95: {  	v26 =	vmul.f32 v30, v30;
	v27 =	vadd.f32 v30, v31;
	v21 =	vadd.f32 v29, v25  }
0x96: {  	s8 =	simm.s32 $0x44;
	s1 =	smov.u32 s13;
	v24 =	vmul.f32 v61, v61;
	v22 =	vadd.f32 v22, v63;
	v29 =	vsub.f32 v28, v57  }
0x97: {  	s5 =	smov.u32 s11;
	s2 =	smov.u32 s14;
	s12 =	simm.s32 $0x0;
	v28 =	vadd.f32 v62, v61;
	v25 =	vmul.f32 v62, v62;
	v27 =	vsub.f32 v27, v59  }
.LBB2_5:
0x98: {  	s1 =	sadd.s32 $0x80, s1  }
0x99: {  	v29 =	vmul.f32 v29, v29;
	v19 =	vadd.f32 v26, v19;
	v20 =	vadd.f32 v20, v23;
	s5 =	sadd.s32 $0x80, s5;
	s2 =	sadd.s32 $0x80, s2;
	s3 =	smov.u32 s8  }
0x9a: {  	p0 =	sne.s32 s8, $0x3FC;
	s8 =	sadd.s32 $0x44, s8;
	v21 =	vadd.f32 v24, v21;
	s4 =	sshra.s32 s12, $0x2;
	v23 =	vmul.f32 v27, v27;
	v18 =	vsub.f32 v28, v18  }
0x9b: {  	s12 =	smov.u32 s3;
	v22 =	vadd.f32 v29, v22;
	v19 =	vadd.f32 v25, v19;
	[tilespmem:s4+$0x18A00] =	vst v20  }
0x9c: {  	v18 =	vmul.f32 v18, v18;
	[tilespmem:s4+$0x18880] =	vst v21  }
0x9d: {  	v20 =	vadd.f32 v23, v22;
	[tilespmem:s4+$0x18B80] =	vst v19;
	_ =	sdelay $0x1  }
0x9e: {  	v18 =	vadd.f32 v18, v20;
	_ =	sdelay $0x1  }
0x9f: {  	[tilespmem:s4+$0x18700] =	vst v18  }
0xa0: {  	v18 =	vld [tilespmem:s1+$0xFFFFFFC0]  }
0xa1: {  	v19 =	vld [tilespmem:s5+$0xFFFFFFE0]  }
0xa2: {  	v20 =	vld [tilespmem:s1+$0xFFFFFFE0]  }
0xa3: {  	v21 =	vld [tilespmem:s1+$0xFFFFFFD0]  }
0xa4: {  	v22 =	vld [tilespmem:s5+$0xFFFFFFC0]  }
0xa5: {  	v23 =	vld [tilespmem:s1+$0xFFFFFFF0]  }
0xa6: {  	v24 =	vld [tilespmem:s5+$0xFFFFFFD0]  }
0xa7: {  	v25 =	vld [tilespmem:s2+$0xFFFFFFD0]  }
0xa8: {  	v27 =	vmul.f32 v18, v18;
	v26 =	vld [tilespmem:s2+$0xFFFFFFC0];
	v28 =	vmul.f32 v21, v21  }
0xa9: {  	v18 =	vadd.f32 v22, v18;
	v29 =	vld [tilespmem:s2+$0xFFFFFFE0]  }
0xaa: {  	v27 =	vadd.f32 v28, v27;
	v28 =	vmul.f32 v19, v19;
	v30 =	vld [tilespmem:s5+$0xFFFFFFF0];
	v31 =	vmul.f32 v23, v23  }
0xab: {  	v22 =	vmul.f32 v22, v22;
	v21 =	vadd.f32 v24, v21;
	v24 =	vmul.f32 v24, v24;
	v32 =	vld [tilespmem:s1+$0x0]  }
0xac: {  	v19 =	vadd.f32 v19, v20;
	v20 =	vmul.f32 v20, v20;
	v33 =	vmul.f32 v25, v25;
	v34 =	vld [tilespmem:s5+$0x0]  }
0xad: {  	v18 =	vsub.f32 v18, v26;
	v26 =	vmul.f32 v26, v26;
	v21 =	vsub.f32 v21, v25;
	v25 =	vld [tilespmem:s2+$0xFFFFFFF0]  }
0xae: {  	v22 =	vadd.f32 v24, v22;
	v19 =	vsub.f32 v19, v29;
	v24 =	vmul.f32 v29, v29;
	v29 =	vld [tilespmem:s2+$0x0]  }
0xaf: {  	v20 =	vadd.f32 v20, v27;
	v35 =	vmul.f32 v18, v18;
	v21 =	vmul.f32 v21, v21;
	v27 =	vld [tilespmem:s5+$0x10]  }
0xb0: {  	v22 =	vadd.f32 v28, v22;
	v18 =	vadd.f32 v30, v23;
	v23 =	vmul.f32 v32, v32;
	v28 =	vld [tilespmem:s1+$0x10]  }
0xb1: {  	v26 =	vadd.f32 v33, v26;
	v30 =	vmul.f32 v30, v30;
	v19 =	vmul.f32 v19, v19;
	v33 =	vld [tilespmem:s2+$0x10]  }
0xb2: {  	v37 =	vmul.f32 v34, v34;
	v36 =	vsub.f32 v18, v25;
	v25 =	vmul.f32 v25, v25;
	v18 =	vld [tilespmem:s2+$0x30]  }
0xb3: {  	v24 =	vadd.f32 v24, v26;
	v26 =	vadd.f32 v34, v32;
	v32 =	vmul.f32 v29, v29;
	v34 =	vld [tilespmem:s2+$0x20]  }
0xb4: {  	v20 =	vadd.f32 v31, v20;
	v21 =	vadd.f32 v21, v35;
	v35 =	vmul.f32 v36, v36;
	v31 =	vld [tilespmem:s1+$0x20]  }
0xb5: {  	v22 =	vadd.f32 v30, v22;
	v24 =	vadd.f32 v25, v24;
	v25 =	vmul.f32 v28, v28;
	v30 =	vld [tilespmem:s5+$0x20]  }
0xb6: {  	v20 =	vadd.f32 v23, v20;
	v28 =	vadd.f32 v27, v28;
	v23 =	vmul.f32 v33, v33;
	v36 =	vld [tilespmem:s1+$0x30]  }
0xb7: {  	v19 =	vadd.f32 v19, v21;
	v21 =	vadd.f32 v32, v24;
	v24 =	vmul.f32 v27, v27  }
0xb8: {  	v22 =	vadd.f32 v37, v22;
	v25 =	vadd.f32 v25, v20;
	v27 =	vmul.f32 v34, v34  }
0xb9: {  	v26 =	vsub.f32 v26, v29;
	v21 =	vadd.f32 v23, v21;
	v29 =	vmul.f32 v31, v31;
	v32 =	vld [tilespmem:s5+$0x30]  }
.Ltmp1:
0xba: {  	v35 =	vadd.f32 v35, v19;
	v20 =	vmul.f32 v18, v18;
	v19 =	vadd.f32 v24, v22;
	(pc) =	sbr.rel @p0 .LBB2_5-.Ltmp1, $4  }
0xbb: {  	v22 =	vmul.f32 v26, v26;
	v23 =	vadd.f32 v27, v21;
	v26 =	vmul.f32 v30, v30  }
0xbc: {  	v27 =	vadd.f32 v30, v31;
	v21 =	vadd.f32 v29, v25  }
0xbd: {  	v22 =	vadd.f32 v22, v35;
	v29 =	vsub.f32 v28, v33;
	v24 =	vmul.f32 v36, v36  }
0xbe: {  	v27 =	vsub.f32 v27, v34;
	v28 =	vadd.f32 v32, v36;
	v25 =	vmul.f32 v32, v32  }
0xbf: {  	v29 =	vmul.f32 v29, v29;
	_ =	sdelay $0x1  }
0xc0: {  	v27 =	vmul.f32 v27, v27;
	v18 =	vsub.f32 v28, v18;
	v22 =	vadd.f32 v29, v22  }
0xc1: {  	v19 =	vadd.f32 v26, v19;
	v20 =	vadd.f32 v20, v23  }
0xc2: {  	v21 =	vadd.f32 v24, v21;
	s1 =	sshra.s32 s12, $0x2;
	v18 =	vmul.f32 v18, v18;
	v22 =	vadd.f32 v27, v22  }
0xc3: {  	v19 =	vadd.f32 v25, v19;
	[tilespmem:s1+$0x18A00] =	vst v20  }
0xc4: {  	[tilespmem:s1+$0x18880] =	vst v21;
	v18 =	vadd.f32 v18, v22  }
0xc5: {  	[tilespmem:s1+$0x18B80] =	vst v19  }
0xc6: {  	[tilespmem:s1+$0x18700] =	vst v18  }
0xc7: {  	v18 =	vld.idx.msk [tilespmem:v0+s18+$0x0], $0xffff  }
0xc8: {  	v19 =	vld.idx.msk [tilespmem:v3+s18+$0x0], $0xffff;
	_ =	sdelay $0x1  }
0xc9: {  	v20 =	vld.idx.msk [tilespmem:v4+s18+$0x0], $0xffff;
	_ =	sdelay $0x1  }
0xca: {  	v21 =	vld.idx.msk [tilespmem:v5+s18+$0x0], $0xffff  }
0xcb: {  	v18 =	vadd.f32 v19, v18  }
0xcc: {  	v19 =	vld.idx.msk [tilespmem:v6+s18+$0x0], $0xffff  }
0xcd: {  	v18 =	vadd.f32 v20, v18  }
0xce: {  	v63 =	vld.idx.msk [tilespmem:v7+s18+$0x0], $0xffff  }
0xcf: {  	v18 =	vadd.f32 v21, v18  }
0xd0: {  	v24 =	vld.idx.msk [tilespmem:v8+s18+$0x0], $0xffff  }
0xd1: {  	v18 =	vadd.f32 v19, v18  }
0xd2: {  	v19 =	vld.idx.msk [tilespmem:v9+s18+$0x0], $0xffff  }
0xd3: {  	v18 =	vadd.f32 v63, v18  }
0xd4: {  	v25 =	vld.idx.msk [tilespmem:v10+s18+$0x0], $0xffff  }
0xd5: {  	v18 =	vadd.f32 v24, v18  }
0xd6: {  	v26 =	vld.idx.msk [tilespmem:v11+s18+$0x0], $0xffff  }
0xd7: {  	v18 =	vadd.f32 v19, v18  }
0xd8: {  	v19 =	vld.idx.msk [tilespmem:v12+s18+$0x0], $0xffff  }
0xd9: {  	v18 =	vadd.f32 v25, v18  }
0xda: {  	v27 =	vld.idx.msk [tilespmem:v13+s18+$0x0], $0xffff  }
0xdb: {  	v18 =	vadd.f32 v26, v18  }
0xdc: {  	v28 =	vld.idx.msk [tilespmem:v14+s18+$0x0], $0xffff  }
0xdd: {  	v18 =	vadd.f32 v19, v18  }
0xde: {  	v19 =	vld.idx.msk [tilespmem:v15+s18+$0x0], $0xffff  }
0xdf: {  	v18 =	vadd.f32 v27, v18  }
0xe0: {  	v29 =	vld.idx.msk [tilespmem:v16+s18+$0x0], $0xffff  }
0xe1: {  	v18 =	vadd.f32 v28, v18  }
0xe2: {  	v30 =	vld.idx.msk [tilespmem:v17+s18+$0x0], $0xffff  }
0xe3: {  	v18 =	vadd.f32 v19, v18;
	_ =	sdelay $0x1  }
0xe4: {  	v18 =	vadd.f32 v29, v18;
	_ =	sdelay $0x1  }
0xe5: {  	v18 =	vadd.f32 v30, v18;
	_ =	sdelay $0x1  }
0xe6: {  	v19 =	vshra.s32 v18, $0x1  }
0xe7: {  	v19 =	vadd.s32 $0x1FBD1DF5, v19  }
0xe8: {  	(erf) = vrcp.f32 v19;
	_ =	sdelay $0x8  }
0xe9: {  	v31 =	vpop (erf)  }
0xea: {  	v20 =	vmul.f32 v31, v18;
	_ =	sdelay $0x1  }
0xeb: {  	v19 =	vadd.f32 v19, v20;
	_ =	sdelay $0x1  }
0xec: {  	v19 =	vmul.f32 $5.000000000e-01, v19;
	_ =	sdelay $0x1  }
0xed: {  	(erf) = vrcp.f32 v19;
	_ =	sdelay $0x8  }
0xee: {  	v32 =	vpop (erf)  }
0xef: {  	v20 =	vmul.f32 v32, v18;
	_ =	sdelay $0x1  }
0xf0: {  	v19 =	vadd.f32 v20, v19;
	_ =	sdelay $0x1  }
0xf1: {  	v19 =	vmul.f32 $5.000000000e-01, v19;
	_ =	sdelay $0x1  }
0xf2: {  	(erf) = vrcp.f32 v19;
	_ =	sdelay $0x8  }
0xf3: {  	v33 =	vpop (erf)  }
0xf4: {  	v18 =	vmul.f32 v33, v18;
	_ =	sdelay $0x1  }
0xf5: {  	v18 =	vadd.f32 v18, v19;
	_ =	sdelay $0x1  }
0xf6: {  	v18 =	vmul.f32 $5.000000000e-01, v18  }
0xf7: {  	s28 =	sshll.u32 s31, $0x4  }
0xf8: {  	[tilespmem:s28+$0x18680] =	vst v18  }
0xf9: {  	v18 =	vld.idx.msk [tilespmem:v0+s20+$0x0], $0xffff  }
0xfa: {  	v19 =	vld.idx.msk [tilespmem:v3+s20+$0x0], $0xffff;
	_ =	sdelay $0x1  }
0xfb: {  	v34 =	vld.idx.msk [tilespmem:v4+s20+$0x0], $0xffff;
	_ =	sdelay $0x1  }
0xfc: {  	v35 =	vld.idx.msk [tilespmem:v5+s20+$0x0], $0xffff  }
0xfd: {  	v18 =	vadd.f32 v19, v18  }
0xfe: {  	v19 =	vld.idx.msk [tilespmem:v6+s20+$0x0], $0xffff  }
0xff: {  	v18 =	vadd.f32 v34, v18  }
0x100: {  	v36 =	vld.idx.msk [tilespmem:v7+s20+$0x0], $0xffff  }
0x101: {  	v18 =	vadd.f32 v35, v18  }
0x102: {  	v37 =	vld.idx.msk [tilespmem:v8+s20+$0x0], $0xffff  }
0x103: {  	v18 =	vadd.f32 v19, v18  }
0x104: {  	v19 =	vld.idx.msk [tilespmem:v9+s20+$0x0], $0xffff  }
0x105: {  	v18 =	vadd.f32 v36, v18  }
0x106: {  	v38 =	vld.idx.msk [tilespmem:v10+s20+$0x0], $0xffff  }
0x107: {  	v18 =	vadd.f32 v37, v18  }
0x108: {  	v39 =	vld.idx.msk [tilespmem:v11+s20+$0x0], $0xffff  }
0x109: {  	v18 =	vadd.f32 v19, v18  }
0x10a: {  	v19 =	vld.idx.msk [tilespmem:v12+s20+$0x0], $0xffff  }
0x10b: {  	v18 =	vadd.f32 v38, v18  }
0x10c: {  	v40 =	vld.idx.msk [tilespmem:v13+s20+$0x0], $0xffff  }
0x10d: {  	v18 =	vadd.f32 v39, v18  }
0x10e: {  	v41 =	vld.idx.msk [tilespmem:v14+s20+$0x0], $0xffff  }
0x10f: {  	v18 =	vadd.f32 v19, v18  }
0x110: {  	v19 =	vld.idx.msk [tilespmem:v15+s20+$0x0], $0xffff  }
0x111: {  	v18 =	vadd.f32 v40, v18  }
0x112: {  	v42 =	vld.idx.msk [tilespmem:v16+s20+$0x0], $0xffff  }
0x113: {  	v18 =	vadd.f32 v41, v18  }
0x114: {  	v43 =	vld.idx.msk [tilespmem:v17+s20+$0x0], $0xffff  }
0x115: {  	v18 =	vadd.f32 v19, v18;
	_ =	sdelay $0x1  }
0x116: {  	v18 =	vadd.f32 v42, v18;
	_ =	sdelay $0x1  }
0x117: {  	v18 =	vadd.f32 v43, v18;
	_ =	sdelay $0x1  }
0x118: {  	[tilespmem:s28+$0x18400] =	vst v18  }
0x119: {  	v18 =	vld.idx.msk [tilespmem:v0+s21+$0x0], $0xffff  }
0x11a: {  	v19 =	vld.idx.msk [tilespmem:v3+s21+$0x0], $0xffff;
	_ =	sdelay $0x1  }
0x11b: {  	v44 =	vld.idx.msk [tilespmem:v4+s21+$0x0], $0xffff;
	_ =	sdelay $0x1  }
0x11c: {  	v45 =	vld.idx.msk [tilespmem:v5+s21+$0x0], $0xffff  }
0x11d: {  	v18 =	vadd.f32 v19, v18  }
0x11e: {  	v19 =	vld.idx.msk [tilespmem:v6+s21+$0x0], $0xffff  }
0x11f: {  	v18 =	vadd.f32 v44, v18  }
0x120: {  	v46 =	vld.idx.msk [tilespmem:v7+s21+$0x0], $0xffff  }
0x121: {  	v18 =	vadd.f32 v45, v18  }
0x122: {  	v47 =	vld.idx.msk [tilespmem:v8+s21+$0x0], $0xffff  }
0x123: {  	v18 =	vadd.f32 v19, v18  }
0x124: {  	v19 =	vld.idx.msk [tilespmem:v9+s21+$0x0], $0xffff  }
0x125: {  	v18 =	vadd.f32 v46, v18  }
0x126: {  	v48 =	vld.idx.msk [tilespmem:v10+s21+$0x0], $0xffff  }
0x127: {  	v18 =	vadd.f32 v47, v18  }
0x128: {  	v49 =	vld.idx.msk [tilespmem:v11+s21+$0x0], $0xffff  }
0x129: {  	v18 =	vadd.f32 v19, v18  }
0x12a: {  	v19 =	vld.idx.msk [tilespmem:v12+s21+$0x0], $0xffff  }
0x12b: {  	v18 =	vadd.f32 v48, v18  }
0x12c: {  	v50 =	vld.idx.msk [tilespmem:v13+s21+$0x0], $0xffff  }
0x12d: {  	v18 =	vadd.f32 v49, v18  }
0x12e: {  	v51 =	vld.idx.msk [tilespmem:v14+s21+$0x0], $0xffff  }
0x12f: {  	v18 =	vadd.f32 v19, v18  }
0x130: {  	v19 =	vld.idx.msk [tilespmem:v15+s21+$0x0], $0xffff  }
0x131: {  	v18 =	vadd.f32 v50, v18  }
0x132: {  	v52 =	vld.idx.msk [tilespmem:v16+s21+$0x0], $0xffff  }
0x133: {  	v18 =	vadd.f32 v51, v18  }
0x134: {  	v53 =	vld.idx.msk [tilespmem:v17+s21+$0x0], $0xffff  }
0x135: {  	v18 =	vadd.f32 v19, v18;
	_ =	sdelay $0x1  }
0x136: {  	v18 =	vadd.f32 v52, v18;
	_ =	sdelay $0x1  }
0x137: {  	v18 =	vadd.f32 v53, v18;
	_ =	sdelay $0x1  }
0x138: {  	[tilespmem:s28+$0x18480] =	vst v18  }
0x139: {  	v18 =	vld.idx.msk [tilespmem:v0+s22+$0x0], $0xffff  }
0x13a: {  	v19 =	vld.idx.msk [tilespmem:v3+s22+$0x0], $0xffff;
	_ =	sdelay $0x1  }
0x13b: {  	v54 =	vld.idx.msk [tilespmem:v4+s22+$0x0], $0xffff;
	_ =	sdelay $0x1  }
0x13c: {  	v55 =	vld.idx.msk [tilespmem:v5+s22+$0x0], $0xffff  }
0x13d: {  	v18 =	vadd.f32 v19, v18  }
0x13e: {  	v19 =	vld.idx.msk [tilespmem:v6+s22+$0x0], $0xffff  }
0x13f: {  	v18 =	vadd.f32 v54, v18  }
0x140: {  	v56 =	vld.idx.msk [tilespmem:v7+s22+$0x0], $0xffff  }
0x141: {  	v18 =	vadd.f32 v55, v18  }
0x142: {  	v57 =	vld.idx.msk [tilespmem:v8+s22+$0x0], $0xffff  }
0x143: {  	v18 =	vadd.f32 v19, v18  }
0x144: {  	v19 =	vld.idx.msk [tilespmem:v9+s22+$0x0], $0xffff  }
0x145: {  	v18 =	vadd.f32 v56, v18  }
0x146: {  	v58 =	vld.idx.msk [tilespmem:v10+s22+$0x0], $0xffff  }
0x147: {  	v18 =	vadd.f32 v57, v18  }
0x148: {  	v59 =	vld.idx.msk [tilespmem:v11+s22+$0x0], $0xffff  }
0x149: {  	v18 =	vadd.f32 v19, v18  }
0x14a: {  	v19 =	vld.idx.msk [tilespmem:v12+s22+$0x0], $0xffff  }
0x14b: {  	v18 =	vadd.f32 v58, v18  }
0x14c: {  	v60 =	vld.idx.msk [tilespmem:v13+s22+$0x0], $0xffff  }
0x14d: {  	v18 =	vadd.f32 v59, v18  }
0x14e: {  	v61 =	vld.idx.msk [tilespmem:v14+s22+$0x0], $0xffff  }
0x14f: {  	v18 =	vadd.f32 v19, v18  }
0x150: {  	v19 =	vld.idx.msk [tilespmem:v15+s22+$0x0], $0xffff  }
0x151: {  	v18 =	vadd.f32 v60, v18  }
0x152: {  	v62 =	vld.idx.msk [tilespmem:v16+s22+$0x0], $0xffff  }
0x153: {  	v18 =	vadd.f32 v61, v18  }
0x154: {  	v63 =	vld.idx.msk [tilespmem:v17+s22+$0x0], $0xffff  }
0x155: {  	s31 =	sadd.s32 $0x1, s31;
	v18 =	vadd.f32 v19, v18  }
0x156: {  	p0 =	sne.s32 s31, $0x4  }
.Ltmp2:
0x157: {  	v18 =	vadd.f32 v62, v18;
	(pc) =	sbr.rel @p0 .LBB2_4-.Ltmp2, $3  }
0x158: {  	_ = 	snop  }
0x159: {  	v18 =	vadd.f32 v63, v18;
	_ =	sdelay $0x1  }
0x15a: {  	s13 =	sadd.s32 $0x800, s13;
	s11 =	sadd.s32 $0x800, s11;
	s14 =	sadd.s32 $0x800, s14;
	[tilespmem:s28+$0x18500] =	vst v18  }
0x15b: {  	_ =	swait.ge [sflag:s23], $0x2000  }
0x15c: {  	[sflag:s23] =	ssyncset.done $0x0  }
0x15d: {  	[sflag:s23] =	ssyncadd.s32 $0xFFFFE000  }
0x15e: {  	_ =	swait.ge [sflag:s23], $0x2000  }
0x15f: {  	[sflag:s23] =	ssyncset.done $0x0  }
0x160: {  	[sflag:s23] =	ssyncadd.s32 $0xFFFFE000  }
0x161: {  	_ =	swait.ge [sflag:s23], $0x2000  }
0x162: {  	s31 =	simm.s32 $0x4;
	s1 =	simm.s32 $0x2470;
	[sflag:s23] =	ssyncset.done $0x0  }
0x163: {  	s5 =	simm.s32 $0x6470;
	s2 =	simm.s32 $0xA470;
	[sflag:s23] =	ssyncadd.s32 $0xFFFFE000  }
.LBB2_8:
0x164: {  	v18 =	vld [tilespmem:s1+$0xFFFFFF90]  }
0x165: {  	v19 =	vld [tilespmem:s5+$0xFFFFFFB0]  }
0x166: {  	v21 =	vld [tilespmem:s1+$0xFFFFFFA0]  }
0x167: {  	v22 =	vld [tilespmem:s5+$0xFFFFFF90]  }
0x168: {  	v23 =	vld [tilespmem:s1+$0xFFFFFFC0]  }
0x169: {  	v24 =	vld [tilespmem:s5+$0xFFFFFFA0]  }
0x16a: {  	v25 =	vld [tilespmem:s2+$0xFFFFFFA0]  }
0x16b: {  	v30 =	vld [tilespmem:s5+$0xFFFFFFC0]  }
0x16c: {  	v34 =	vld [tilespmem:s5+$0xFFFFFFD0]  }
0x16d: {  	v20 =	vld [tilespmem:s1+$0xFFFFFFB0]  }
0x16e: {  	v26 =	vld [tilespmem:s2+$0xFFFFFF90];
	v27 =	vmul.f32 v18, v18;
	v28 =	vmul.f32 v21, v21  }
0x16f: {  	v29 =	vld [tilespmem:s2+$0xFFFFFFB0];
	v18 =	vadd.f32 v22, v18;
	v31 =	vmul.f32 v23, v23;
	v22 =	vmul.f32 v22, v22  }
0x170: {  	v21 =	vadd.f32 v24, v21;
	v24 =	vmul.f32 v24, v24;
	v33 =	vmul.f32 v25, v25  }
0x171: {  	v23 =	vadd.f32 v30, v23;
	v30 =	vmul.f32 v30, v30;
	v36 =	vmul.f32 v34, v34  }
0x172: {  	v32 =	vld [tilespmem:s1+$0xFFFFFFD0];
	v27 =	vadd.f32 v28, v27;
	v28 =	vmul.f32 v19, v19;
	v19 =	vadd.f32 v19, v20  }
0x173: {  	v35 =	vld [tilespmem:s1+$0xFFFFFFE0];
	v20 =	vmul.f32 v20, v20;
	v18 =	vsub.f32 v18, v26;
	v26 =	vmul.f32 v26, v26  }
0x174: {  	v21 =	vsub.f32 v21, v25;
	v25 =	vld [tilespmem:s2+$0xFFFFFFC0];
	v22 =	vadd.f32 v24, v22;
	v24 =	vmul.f32 v29, v29  }
0x175: {  	v57 =	vld [tilespmem:s2+$0xFFFFFFE0];
	v19 =	vsub.f32 v19, v29;
	v18 =	vmul.f32 v18, v18;
	v26 =	vadd.f32 v33, v26  }
0x176: {  	v29 =	vld [tilespmem:s2+$0xFFFFFFD0];
	v20 =	vadd.f32 v20, v27;
	v21 =	vmul.f32 v21, v21;
	v22 =	vadd.f32 v28, v22  }
0x177: {  	v27 =	vld [tilespmem:s5+$0xFFFFFFE0];
	v28 =	vmul.f32 v32, v32;
	v24 =	vadd.f32 v24, v26;
	v26 =	vadd.f32 v34, v32  }
0x178: {  	v59 =	vld [tilespmem:s2+$0xFFFFFFF0];
	v19 =	vmul.f32 v19, v19;
	v21 =	vadd.f32 v21, v18;
	v20 =	vadd.f32 v31, v20  }
0x179: {  	v31 =	vld [tilespmem:s1+$0xFFFFFFF0];
	v22 =	vadd.f32 v30, v22;
	v23 =	vsub.f32 v23, v25;
	v25 =	vmul.f32 v25, v25  }
0x17a: {  	v60 =	vmul.f32 v57, v57;
	v18 =	vld [tilespmem:s2+$0x0];
	v20 =	vadd.f32 v28, v20;
	v19 =	vadd.f32 v19, v21  }
0x17b: {  	v30 =	vld [tilespmem:s5+$0xFFFFFFF0];
	v22 =	vadd.f32 v36, v22;
	v58 =	vmul.f32 v29, v29;
	v24 =	vadd.f32 v25, v24  }
0x17c: {  	v61 =	vld [tilespmem:s1+$0x0];
	v23 =	vmul.f32 v23, v23;
	v25 =	vmul.f32 v35, v35;
	v28 =	vadd.f32 v27, v35  }
0x17d: {  	v26 =	vsub.f32 v26, v29;
	v21 =	vadd.f32 v58, v24;
	v24 =	vmul.f32 v27, v27  }
0x17e: {  	v62 =	vld [tilespmem:s5+$0x0];
	v27 =	vadd.f32 v25, v20;
	v25 =	vmul.f32 v59, v59;
	v29 =	vmul.f32 v31, v31  }
0x17f: {  	v63 =	vadd.f32 v23, v19;
	v20 =	vmul.f32 v18, v18;
	v21 =	vadd.f32 v60, v21  }
0x180: {  	v19 =	vadd.f32 v24, v22;
	v22 =	vmul.f32 v26, v26;
	v26 =	vadd.f32 v30, v31  }
0x181: {  	v24 =	vmul.f32 v61, v61;
	v23 =	vadd.f32 v25, v21;
	v21 =	vadd.f32 v29, v27  }
0x182: {  	s8 =	simm.s32 $0x0;
	s12 =	simm.s32 $0x44;
	v25 =	vmul.f32 v30, v30;
	v22 =	vadd.f32 v22, v63;
	v29 =	vsub.f32 v28, v57  }
0x183: {  	s11 =	smov.u32 s1;
	s13 =	smov.u32 s5;
	s14 =	smov.u32 s2;
	v27 =	vsub.f32 v26, v59;
	v28 =	vadd.f32 v62, v61;
	v26 =	vmul.f32 v62, v62  }
.LBB2_9:
0x184: {  	s11 =	sadd.s32 $0x80, s11  }
0x185: {  	v29 =	vmul.f32 v29, v29;
	v19 =	vadd.f32 v25, v19;
	v20 =	vadd.f32 v20, v23;
	s13 =	sadd.s32 $0x80, s13;
	s14 =	sadd.s32 $0x80, s14;
	s3 =	smov.u32 s12  }
0x186: {  	p0 =	sne.s32 s12, $0x3FC;
	s12 =	sadd.s32 $0x44, s12;
	v21 =	vadd.f32 v24, v21;
	s4 =	sshra.s32 s8, $0x2;
	v23 =	vmul.f32 v27, v27;
	v18 =	vsub.f32 v28, v18  }
0x187: {  	s8 =	smov.u32 s3;
	v22 =	vadd.f32 v29, v22;
	v19 =	vadd.f32 v26, v19;
	[tilespmem:s4+$0x18A00] =	vst v20  }
0x188: {  	v18 =	vmul.f32 v18, v18;
	[tilespmem:s4+$0x18880] =	vst v21  }
0x189: {  	v20 =	vadd.f32 v23, v22;
	[tilespmem:s4+$0x18B80] =	vst v19;
	_ =	sdelay $0x1  }
0x18a: {  	v18 =	vadd.f32 v18, v20;
	_ =	sdelay $0x1  }
0x18b: {  	[tilespmem:s4+$0x18700] =	vst v18  }
0x18c: {  	v18 =	vld [tilespmem:s11+$0xFFFFFF90]  }
0x18d: {  	v19 =	vld [tilespmem:s13+$0xFFFFFFB0]  }
0x18e: {  	v20 =	vld [tilespmem:s11+$0xFFFFFFB0]  }
0x18f: {  	v21 =	vld [tilespmem:s11+$0xFFFFFFA0]  }
0x190: {  	v22 =	vld [tilespmem:s13+$0xFFFFFF90]  }
0x191: {  	v23 =	vld [tilespmem:s11+$0xFFFFFFC0]  }
0x192: {  	v24 =	vld [tilespmem:s13+$0xFFFFFFA0]  }
0x193: {  	v25 =	vld [tilespmem:s14+$0xFFFFFFA0]  }
0x194: {  	v27 =	vmul.f32 v18, v18;
	v26 =	vld [tilespmem:s14+$0xFFFFFF90];
	v28 =	vmul.f32 v21, v21  }
0x195: {  	v18 =	vadd.f32 v22, v18;
	v29 =	vld [tilespmem:s14+$0xFFFFFFB0]  }
0x196: {  	v27 =	vadd.f32 v28, v27;
	v28 =	vmul.f32 v19, v19;
	v30 =	vld [tilespmem:s13+$0xFFFFFFC0];
	v31 =	vmul.f32 v23, v23  }
0x197: {  	v22 =	vmul.f32 v22, v22;
	v21 =	vadd.f32 v24, v21;
	v24 =	vmul.f32 v24, v24;
	v32 =	vld [tilespmem:s11+$0xFFFFFFD0]  }
0x198: {  	v19 =	vadd.f32 v19, v20;
	v20 =	vmul.f32 v20, v20;
	v33 =	vmul.f32 v25, v25;
	v34 =	vld [tilespmem:s13+$0xFFFFFFD0]  }
0x199: {  	v18 =	vsub.f32 v18, v26;
	v26 =	vmul.f32 v26, v26;
	v21 =	vsub.f32 v21, v25;
	v25 =	vld [tilespmem:s14+$0xFFFFFFC0]  }
0x19a: {  	v22 =	vadd.f32 v24, v22;
	v19 =	vsub.f32 v19, v29;
	v24 =	vmul.f32 v29, v29;
	v29 =	vld [tilespmem:s14+$0xFFFFFFD0]  }
0x19b: {  	v20 =	vadd.f32 v20, v27;
	v35 =	vmul.f32 v18, v18;
	v21 =	vmul.f32 v21, v21;
	v27 =	vld [tilespmem:s13+$0xFFFFFFE0]  }
0x19c: {  	v22 =	vadd.f32 v28, v22;
	v18 =	vadd.f32 v30, v23;
	v23 =	vmul.f32 v32, v32;
	v28 =	vld [tilespmem:s11+$0xFFFFFFE0]  }
0x19d: {  	v26 =	vadd.f32 v33, v26;
	v30 =	vmul.f32 v30, v30;
	v19 =	vmul.f32 v19, v19;
	v33 =	vld [tilespmem:s14+$0xFFFFFFE0]  }
0x19e: {  	v37 =	vmul.f32 v34, v34;
	v36 =	vsub.f32 v18, v25;
	v25 =	vmul.f32 v25, v25;
	v18 =	vld [tilespmem:s14+$0x0]  }
0x19f: {  	v24 =	vadd.f32 v24, v26;
	v26 =	vadd.f32 v34, v32;
	v32 =	vmul.f32 v29, v29;
	v34 =	vld [tilespmem:s14+$0xFFFFFFF0]  }
0x1a0: {  	v20 =	vadd.f32 v31, v20;
	v21 =	vadd.f32 v21, v35;
	v35 =	vmul.f32 v36, v36;
	v31 =	vld [tilespmem:s11+$0xFFFFFFF0]  }
0x1a1: {  	v22 =	vadd.f32 v30, v22;
	v24 =	vadd.f32 v25, v24;
	v25 =	vmul.f32 v28, v28;
	v30 =	vld [tilespmem:s13+$0xFFFFFFF0]  }
0x1a2: {  	v20 =	vadd.f32 v23, v20;
	v28 =	vadd.f32 v27, v28;
	v23 =	vmul.f32 v33, v33;
	v36 =	vld [tilespmem:s11+$0x0]  }
0x1a3: {  	v19 =	vadd.f32 v19, v21;
	v21 =	vadd.f32 v32, v24;
	v24 =	vmul.f32 v27, v27  }
0x1a4: {  	v22 =	vadd.f32 v37, v22;
	v27 =	vadd.f32 v25, v20;
	v25 =	vmul.f32 v34, v34  }
0x1a5: {  	v26 =	vsub.f32 v26, v29;
	v21 =	vadd.f32 v23, v21;
	v29 =	vmul.f32 v31, v31;
	v32 =	vld [tilespmem:s13+$0x0]  }
.Ltmp3:
0x1a6: {  	v35 =	vadd.f32 v35, v19;
	v20 =	vmul.f32 v18, v18;
	v19 =	vadd.f32 v24, v22;
	(pc) =	sbr.rel @p0 .LBB2_9-.Ltmp3, $4  }
0x1a7: {  	v22 =	vmul.f32 v26, v26;
	v23 =	vadd.f32 v25, v21;
	v25 =	vmul.f32 v30, v30  }
0x1a8: {  	v26 =	vadd.f32 v30, v31;
	v21 =	vadd.f32 v29, v27  }
0x1a9: {  	v22 =	vadd.f32 v22, v35;
	v29 =	vsub.f32 v28, v33;
	v24 =	vmul.f32 v36, v36  }
0x1aa: {  	v27 =	vsub.f32 v26, v34;
	v28 =	vadd.f32 v32, v36;
	v26 =	vmul.f32 v32, v32  }
0x1ab: {  	v29 =	vmul.f32 v29, v29;
	_ =	sdelay $0x1  }
0x1ac: {  	v27 =	vmul.f32 v27, v27;
	v18 =	vsub.f32 v28, v18;
	v22 =	vadd.f32 v29, v22  }
0x1ad: {  	v19 =	vadd.f32 v25, v19;
	v20 =	vadd.f32 v20, v23  }
0x1ae: {  	v21 =	vadd.f32 v24, v21;
	s3 =	sshra.s32 s8, $0x2;
	v18 =	vmul.f32 v18, v18;
	v22 =	vadd.f32 v27, v22  }
0x1af: {  	v19 =	vadd.f32 v26, v19;
	[tilespmem:s3+$0x18A00] =	vst v20  }
0x1b0: {  	[tilespmem:s3+$0x18880] =	vst v21;
	v18 =	vadd.f32 v18, v22  }
0x1b1: {  	[tilespmem:s3+$0x18B80] =	vst v19  }
0x1b2: {  	[tilespmem:s3+$0x18700] =	vst v18  }
0x1b3: {  	v18 =	vld.idx.msk [tilespmem:v0+s18+$0x0], $0xffff  }
0x1b4: {  	v19 =	vld.idx.msk [tilespmem:v3+s18+$0x0], $0xffff;
	_ =	sdelay $0x1  }
0x1b5: {  	v20 =	vld.idx.msk [tilespmem:v4+s18+$0x0], $0xffff;
	_ =	sdelay $0x1  }
0x1b6: {  	v21 =	vld.idx.msk [tilespmem:v5+s18+$0x0], $0xffff  }
0x1b7: {  	v18 =	vadd.f32 v19, v18  }
0x1b8: {  	v19 =	vld.idx.msk [tilespmem:v6+s18+$0x0], $0xffff  }
0x1b9: {  	v18 =	vadd.f32 v20, v18  }
0x1ba: {  	v63 =	vld.idx.msk [tilespmem:v7+s18+$0x0], $0xffff  }
0x1bb: {  	v18 =	vadd.f32 v21, v18  }
0x1bc: {  	v24 =	vld.idx.msk [tilespmem:v8+s18+$0x0], $0xffff  }
0x1bd: {  	v18 =	vadd.f32 v19, v18  }
0x1be: {  	v19 =	vld.idx.msk [tilespmem:v9+s18+$0x0], $0xffff  }
0x1bf: {  	v18 =	vadd.f32 v63, v18  }
0x1c0: {  	v25 =	vld.idx.msk [tilespmem:v10+s18+$0x0], $0xffff  }
0x1c1: {  	v18 =	vadd.f32 v24, v18  }
0x1c2: {  	v26 =	vld.idx.msk [tilespmem:v11+s18+$0x0], $0xffff  }
0x1c3: {  	v18 =	vadd.f32 v19, v18  }
0x1c4: {  	v19 =	vld.idx.msk [tilespmem:v12+s18+$0x0], $0xffff  }
0x1c5: {  	v18 =	vadd.f32 v25, v18  }
0x1c6: {  	v27 =	vld.idx.msk [tilespmem:v13+s18+$0x0], $0xffff  }
0x1c7: {  	v18 =	vadd.f32 v26, v18  }
0x1c8: {  	v28 =	vld.idx.msk [tilespmem:v14+s18+$0x0], $0xffff  }
0x1c9: {  	v18 =	vadd.f32 v19, v18  }
0x1ca: {  	v19 =	vld.idx.msk [tilespmem:v15+s18+$0x0], $0xffff  }
0x1cb: {  	v18 =	vadd.f32 v27, v18  }
0x1cc: {  	v29 =	vld.idx.msk [tilespmem:v16+s18+$0x0], $0xffff  }
0x1cd: {  	v18 =	vadd.f32 v28, v18  }
0x1ce: {  	v30 =	vld.idx.msk [tilespmem:v17+s18+$0x0], $0xffff  }
0x1cf: {  	v18 =	vadd.f32 v19, v18;
	_ =	sdelay $0x1  }
0x1d0: {  	v18 =	vadd.f32 v29, v18;
	_ =	sdelay $0x1  }
0x1d1: {  	v18 =	vadd.f32 v30, v18;
	_ =	sdelay $0x1  }
0x1d2: {  	v19 =	vshra.s32 v18, $0x1  }
0x1d3: {  	v19 =	vadd.s32 $0x1FBD1DF5, v19  }
0x1d4: {  	(erf) = vrcp.f32 v19;
	_ =	sdelay $0x8  }
0x1d5: {  	v31 =	vpop (erf)  }
0x1d6: {  	v20 =	vmul.f32 v31, v18;
	_ =	sdelay $0x1  }
0x1d7: {  	v19 =	vadd.f32 v19, v20;
	_ =	sdelay $0x1  }
0x1d8: {  	v19 =	vmul.f32 $5.000000000e-01, v19;
	_ =	sdelay $0x1  }
0x1d9: {  	(erf) = vrcp.f32 v19;
	_ =	sdelay $0x8  }
0x1da: {  	v32 =	vpop (erf)  }
0x1db: {  	v20 =	vmul.f32 v32, v18;
	_ =	sdelay $0x1  }
0x1dc: {  	v19 =	vadd.f32 v20, v19;
	_ =	sdelay $0x1  }
0x1dd: {  	v19 =	vmul.f32 $5.000000000e-01, v19;
	_ =	sdelay $0x1  }
0x1de: {  	(erf) = vrcp.f32 v19;
	_ =	sdelay $0x8  }
0x1df: {  	v33 =	vpop (erf)  }
0x1e0: {  	v18 =	vmul.f32 v33, v18;
	_ =	sdelay $0x1  }
0x1e1: {  	v18 =	vadd.f32 v18, v19;
	_ =	sdelay $0x1  }
0x1e2: {  	v18 =	vmul.f32 $5.000000000e-01, v18  }
0x1e3: {  	s28 =	sshll.u32 s31, $0x4  }
0x1e4: {  	[tilespmem:s28+$0x18680] =	vst v18  }
0x1e5: {  	v18 =	vld.idx.msk [tilespmem:v0+s20+$0x0], $0xffff  }
0x1e6: {  	v19 =	vld.idx.msk [tilespmem:v3+s20+$0x0], $0xffff;
	_ =	sdelay $0x1  }
0x1e7: {  	v34 =	vld.idx.msk [tilespmem:v4+s20+$0x0], $0xffff;
	_ =	sdelay $0x1  }
0x1e8: {  	v35 =	vld.idx.msk [tilespmem:v5+s20+$0x0], $0xffff  }
0x1e9: {  	v18 =	vadd.f32 v19, v18  }
0x1ea: {  	v19 =	vld.idx.msk [tilespmem:v6+s20+$0x0], $0xffff  }
0x1eb: {  	v18 =	vadd.f32 v34, v18  }
0x1ec: {  	v36 =	vld.idx.msk [tilespmem:v7+s20+$0x0], $0xffff  }
0x1ed: {  	v18 =	vadd.f32 v35, v18  }
0x1ee: {  	v37 =	vld.idx.msk [tilespmem:v8+s20+$0x0], $0xffff  }
0x1ef: {  	v18 =	vadd.f32 v19, v18  }
0x1f0: {  	v19 =	vld.idx.msk [tilespmem:v9+s20+$0x0], $0xffff  }
0x1f1: {  	v18 =	vadd.f32 v36, v18  }
0x1f2: {  	v38 =	vld.idx.msk [tilespmem:v10+s20+$0x0], $0xffff  }
0x1f3: {  	v18 =	vadd.f32 v37, v18  }
0x1f4: {  	v39 =	vld.idx.msk [tilespmem:v11+s20+$0x0], $0xffff  }
0x1f5: {  	v18 =	vadd.f32 v19, v18  }
0x1f6: {  	v19 =	vld.idx.msk [tilespmem:v12+s20+$0x0], $0xffff  }
0x1f7: {  	v18 =	vadd.f32 v38, v18  }
0x1f8: {  	v40 =	vld.idx.msk [tilespmem:v13+s20+$0x0], $0xffff  }
0x1f9: {  	v18 =	vadd.f32 v39, v18  }
0x1fa: {  	v41 =	vld.idx.msk [tilespmem:v14+s20+$0x0], $0xffff  }
0x1fb: {  	v18 =	vadd.f32 v19, v18  }
0x1fc: {  	v19 =	vld.idx.msk [tilespmem:v15+s20+$0x0], $0xffff  }
0x1fd: {  	v18 =	vadd.f32 v40, v18  }
0x1fe: {  	v42 =	vld.idx.msk [tilespmem:v16+s20+$0x0], $0xffff  }
0x1ff: {  	v18 =	vadd.f32 v41, v18  }
0x200: {  	v43 =	vld.idx.msk [tilespmem:v17+s20+$0x0], $0xffff  }
0x201: {  	v18 =	vadd.f32 v19, v18;
	_ =	sdelay $0x1  }
0x202: {  	v18 =	vadd.f32 v42, v18;
	_ =	sdelay $0x1  }
0x203: {  	v18 =	vadd.f32 v43, v18;
	_ =	sdelay $0x1  }
0x204: {  	[tilespmem:s28+$0x18400] =	vst v18  }
0x205: {  	v18 =	vld.idx.msk [tilespmem:v0+s21+$0x0], $0xffff  }
0x206: {  	v19 =	vld.idx.msk [tilespmem:v3+s21+$0x0], $0xffff;
	_ =	sdelay $0x1  }
0x207: {  	v44 =	vld.idx.msk [tilespmem:v4+s21+$0x0], $0xffff;
	_ =	sdelay $0x1  }
0x208: {  	v45 =	vld.idx.msk [tilespmem:v5+s21+$0x0], $0xffff  }
0x209: {  	v18 =	vadd.f32 v19, v18  }
0x20a: {  	v19 =	vld.idx.msk [tilespmem:v6+s21+$0x0], $0xffff  }
0x20b: {  	v18 =	vadd.f32 v44, v18  }
0x20c: {  	v46 =	vld.idx.msk [tilespmem:v7+s21+$0x0], $0xffff  }
0x20d: {  	v18 =	vadd.f32 v45, v18  }
0x20e: {  	v47 =	vld.idx.msk [tilespmem:v8+s21+$0x0], $0xffff  }
0x20f: {  	v18 =	vadd.f32 v19, v18  }
0x210: {  	v19 =	vld.idx.msk [tilespmem:v9+s21+$0x0], $0xffff  }
0x211: {  	v18 =	vadd.f32 v46, v18  }
0x212: {  	v48 =	vld.idx.msk [tilespmem:v10+s21+$0x0], $0xffff  }
0x213: {  	v18 =	vadd.f32 v47, v18  }
0x214: {  	v49 =	vld.idx.msk [tilespmem:v11+s21+$0x0], $0xffff  }
0x215: {  	v18 =	vadd.f32 v19, v18  }
0x216: {  	v19 =	vld.idx.msk [tilespmem:v12+s21+$0x0], $0xffff  }
0x217: {  	v18 =	vadd.f32 v48, v18  }
0x218: {  	v50 =	vld.idx.msk [tilespmem:v13+s21+$0x0], $0xffff  }
0x219: {  	v18 =	vadd.f32 v49, v18  }
0x21a: {  	v51 =	vld.idx.msk [tilespmem:v14+s21+$0x0], $0xffff  }
0x21b: {  	v18 =	vadd.f32 v19, v18  }
0x21c: {  	v19 =	vld.idx.msk [tilespmem:v15+s21+$0x0], $0xffff  }
0x21d: {  	v18 =	vadd.f32 v50, v18  }
0x21e: {  	v52 =	vld.idx.msk [tilespmem:v16+s21+$0x0], $0xffff  }
0x21f: {  	v18 =	vadd.f32 v51, v18  }
0x220: {  	v53 =	vld.idx.msk [tilespmem:v17+s21+$0x0], $0xffff  }
0x221: {  	v18 =	vadd.f32 v19, v18;
	_ =	sdelay $0x1  }
0x222: {  	v18 =	vadd.f32 v52, v18;
	_ =	sdelay $0x1  }
0x223: {  	v18 =	vadd.f32 v53, v18;
	_ =	sdelay $0x1  }
0x224: {  	[tilespmem:s28+$0x18480] =	vst v18  }
0x225: {  	v18 =	vld.idx.msk [tilespmem:v0+s22+$0x0], $0xffff  }
0x226: {  	v19 =	vld.idx.msk [tilespmem:v3+s22+$0x0], $0xffff;
	_ =	sdelay $0x1  }
0x227: {  	v54 =	vld.idx.msk [tilespmem:v4+s22+$0x0], $0xffff;
	_ =	sdelay $0x1  }
0x228: {  	v55 =	vld.idx.msk [tilespmem:v5+s22+$0x0], $0xffff  }
0x229: {  	v18 =	vadd.f32 v19, v18  }
0x22a: {  	v19 =	vld.idx.msk [tilespmem:v6+s22+$0x0], $0xffff  }
0x22b: {  	v18 =	vadd.f32 v54, v18  }
0x22c: {  	v56 =	vld.idx.msk [tilespmem:v7+s22+$0x0], $0xffff  }
0x22d: {  	v18 =	vadd.f32 v55, v18  }
0x22e: {  	v57 =	vld.idx.msk [tilespmem:v8+s22+$0x0], $0xffff  }
0x22f: {  	v18 =	vadd.f32 v19, v18  }
0x230: {  	v19 =	vld.idx.msk [tilespmem:v9+s22+$0x0], $0xffff  }
0x231: {  	v18 =	vadd.f32 v56, v18  }
0x232: {  	v58 =	vld.idx.msk [tilespmem:v10+s22+$0x0], $0xffff  }
0x233: {  	v18 =	vadd.f32 v57, v18  }
0x234: {  	v59 =	vld.idx.msk [tilespmem:v11+s22+$0x0], $0xffff  }
0x235: {  	v18 =	vadd.f32 v19, v18  }
0x236: {  	v19 =	vld.idx.msk [tilespmem:v12+s22+$0x0], $0xffff  }
0x237: {  	v18 =	vadd.f32 v58, v18  }
0x238: {  	v60 =	vld.idx.msk [tilespmem:v13+s22+$0x0], $0xffff  }
0x239: {  	v18 =	vadd.f32 v59, v18  }
0x23a: {  	v61 =	vld.idx.msk [tilespmem:v14+s22+$0x0], $0xffff  }
0x23b: {  	v18 =	vadd.f32 v19, v18  }
0x23c: {  	v19 =	vld.idx.msk [tilespmem:v15+s22+$0x0], $0xffff  }
0x23d: {  	v18 =	vadd.f32 v60, v18  }
0x23e: {  	v62 =	vld.idx.msk [tilespmem:v16+s22+$0x0], $0xffff  }
0x23f: {  	v18 =	vadd.f32 v61, v18  }
0x240: {  	v63 =	vld.idx.msk [tilespmem:v17+s22+$0x0], $0xffff  }
0x241: {  	s31 =	sadd.s32 $0x1, s31;
	v18 =	vadd.f32 v19, v18  }
0x242: {  	p0 =	sne.s32 s31, $0x8  }
.Ltmp4:
0x243: {  	v18 =	vadd.f32 v62, v18;
	(pc) =	sbr.rel @p0 .LBB2_8-.Ltmp4, $3  }
0x244: {  	_ = 	snop  }
0x245: {  	v18 =	vadd.f32 v63, v18;
	_ =	sdelay $0x1  }
0x246: {  	s1 =	sadd.s32 $0x800, s1;
	s5 =	sadd.s32 $0x800, s5;
	s2 =	sadd.s32 $0x800, s2;
	[tilespmem:s28+$0x18500] =	vst v18  }
0x247: {  	_ =	swait.ge [sflag:s6], $0x620  }
0x248: {  	[sflag:s6] =	ssyncset.done $0x0  }
0x249: {  	[sflag:s6] =	ssyncadd.s32 $0xFFFFF9E0  }
0x24a: {  	_ =	swait.ge [sflag:s6], $0x620  }
0x24b: {  	[sflag:s6] =	ssyncset.done $0x0  }
0x24c: {  	[sflag:s6] =	ssyncadd.s32 $0xFFFFF9E0  }
0x24d: {  	_ =	swait.ge [sflag:s6], $0x620  }
0x24e: {  	[sflag:s6] =	ssyncset.done $0x0  }
0x24f: {  	[sflag:s6] =	ssyncadd.s32 $0xFFFFF9E0  }
0x250: {  	_ =	swait.ge [sflag:s6], $0x620  }
0x251: {  	[sflag:s6] =	ssyncset.done $0x0  }
0x252: {  	[sflag:s6] =	ssyncadd.s32 $0xFFFFF9E0  }
0x253: {  	_ =	swait.ge [sflag:s6], $0x620  }
0x254: {  	[sflag:s6] =	ssyncset.done $0x0  }
0x255: {  	[sflag:s6] =	ssyncadd.s32 $0xFFFFF9E0  }
0x256: {  	_ =	swait.ge [sflag:s6], $0x620  }
0x257: {  	[sflag:s6] =	ssyncset.done $0x0  }
0x258: {  	[sflag:s6] =	ssyncadd.s32 $0xFFFFF9E0  }
0x259: {  	_ =	swait.ge [sflag:s6], $0x620  }
0x25a: {  	[sflag:s6] =	ssyncset.done $0x0  }
0x25b: {  	[sflag:s6] =	ssyncadd.s32 $0xFFFFF9E0  }
0x25c: {  	_ =	swait.ge [sflag:s6], $0x620  }
0x25d: {  	[sflag:s6] =	ssyncset.done $0x0  }
0x25e: {  	[sflag:s6] =	ssyncadd.s32 $0xFFFFF9E0  }
0x25f: {  	_ =	swait.ge [sflag:s6], $0x620  }
0x260: {  	[sflag:s6] =	ssyncset.done $0x0  }
0x261: {  	[sflag:s6] =	ssyncadd.s32 $0xFFFFF9E0  }
0x262: {  	_ =	swait.ge [sflag:s6], $0x620  }
0x263: {  	[sflag:s6] =	ssyncset.done $0x0  }
0x264: {  	[sflag:s6] =	ssyncadd.s32 $0xFFFFF9E0  }
0x265: {  	_ =	swait.ge [sflag:s6], $0x620  }
0x266: {  	[sflag:s6] =	ssyncset.done $0x0  }
0x267: {  	[sflag:s6] =	ssyncadd.s32 $0xFFFFF9E0  }
0x268: {  	_ =	swait.ge [sflag:s6], $0x620  }
0x269: {  	[sflag:s6] =	ssyncset.done $0x0  }
0x26a: {  	[sflag:s6] =	ssyncadd.s32 $0xFFFFF9E0  }
0x26b: {  	_ =	swait.ge [sflag:s6], $0x620  }
0x26c: {  	[sflag:s6] =	ssyncset.done $0x0  }
0x26d: {  	[sflag:s6] =	ssyncadd.s32 $0xFFFFF9E0  }
0x26e: {  	_ =	swait.ge [sflag:s6], $0x620  }
0x26f: {  	[sflag:s6] =	ssyncset.done $0x0  }
0x270: {  	[sflag:s6] =	ssyncadd.s32 $0xFFFFF9E0  }
0x271: {  	_ =	swait.ge [sflag:s6], $0x620  }
0x272: {  	[sflag:s6] =	ssyncset.done $0x0  }
0x273: {  	[sflag:s6] =	ssyncadd.s32 $0xFFFFF9E0  }
0x274: {  	_ =	swait.ge [sflag:s6], $0x620  }
0x275: {  	[sflag:s6] =	ssyncset.done $0x0  }
0x276: {  	[sflag:s6] =	ssyncadd.s32 $0xFFFFF9E0  }
0x277: {  	s1 =	simm.s32 $0x0;
	s2 =	simm.s32 $0x18400;
	[bflag:$0x0] =	sbarrier.arrive $0xFFFF  }
0x278: {  	[spmem:s17] =	stream.indirect.scatter.add.f32 [tilespmem:s2], [sflag:$0x3], $0x1, s1, s10, $0xb8;
	[tilespmem:$0x1F680] =	vst v63  }
0x279: {  	_ = 	snop  }
0x27a: {  	[spmem:s19] =	stream.indirect.scatter.add.f32 [tilespmem:s24], [sflag:$0x3], $0x1, s1, s10, $0xb8;
	[tilespmem:$0x1F680] =	vst v63  }
0x27b: {  	s11 =	simm.s32 $0x100;
	s3 =	simm.s32 $0x18480  }
0x27c: {  	[spmem:s17] =	stream.indirect.scatter.add.f32 [tilespmem:s3], [sflag:$0x3], $0x1, s11, s10, $0xb8;
	[tilespmem:$0x1F680] =	vst v63  }
0x27d: {  	_ = 	snop  }
0x27e: {  	[spmem:s19] =	stream.indirect.scatter.add.f32 [tilespmem:s24], [sflag:$0x3], $0x1, s11, s10, $0xb8;
	[tilespmem:$0x1F680] =	vst v63  }
0x27f: {  	s13 =	simm.s32 $0x18500;
	s12 =	rddreg [dreg:$0x7]  }
0x280: {  	[spmem:s12] =	stream.indirect.scatter.add.f32 [tilespmem:s13], [sflag:$0x3], $0x1, s10, s10, $0xb8;
	[tilespmem:$0x1F680] =	vst v63  }
0x281: {  	s14 =	rddreg [dreg:$0x8]  }
0x282: {  	[spmem:s14] =	stream.indirect.scatter.add.f32 [tilespmem:s24], [sflag:$0x3], $0x1, s10, s10, $0xb8;
	[tilespmem:$0x1F680] =	vst v63  }
0x283: {  	_ =	swait.ge [sflag:s25], $0x4000  }
0x284: {  	[sflag:s25] =	ssyncset.done $0x0  }
0x285: {  	[sflag:s25] =	ssyncadd.s32 $0xFFFFC000  }
0x286: {  	_ =	swait.ge [sflag:s25], $0x4000  }
0x287: {  	[sflag:s25] =	ssyncset.done $0x0  }
0x288: {  	[sflag:s25] =	ssyncadd.s32 $0xFFFFC000  }
0x289: {  	s28 =	simm.s32 $0x100;
	s5 =	simm.s32 $0x10440;
	_ =	swait.ge [sflag:s25], $0x4000  }
0x28a: {  	s31 =	simm.s32 $0x14440;
	s4 =	smov.u32 s7;
	[sflag:s25] =	ssyncset.done $0x0  }
0x28b: {  	v18 =	vimm.f32 $0.0e+00;
	s7 =	simm.s32 $0x300;
	s2 =	simm.s32 $0xC440;
	[sflag:s25] =	ssyncadd.s32 $0xFFFFC000  }
.LBB2_12:
0x28c: {  	v19 =	vld [tilespmem:s5+$0xFFFFFFD0]  }
0x28d: {  	v20 =	vld [tilespmem:s2+$0xFFFFFFD0]  }
0x28e: {  	v22 =	vld [tilespmem:s5+$0x20]  }
0x28f: {  	v23 =	vld [tilespmem:s2+$0xFFFFFFF0]  }
0x290: {  	v24 =	vld [tilespmem:s5+$0xFFFFFFE0]  }
0x291: {  	v25 =	vld [tilespmem:s2+$0xFFFFFFC0]  }
0x292: {  	v26 =	vld [tilespmem:s5+$0xFFFFFFC0]  }
0x293: {  	v27 =	vld [tilespmem:s2+$0xFFFFFFE0]  }
0x294: {  	v28 =	vld [tilespmem:s31+$0xFFFFFFC0]  }
0x295: {  	v31 =	vld [tilespmem:s5+$0xFFFFFFF0]  }
0x296: {  	v42 =	vld [tilespmem:s2+$0x0]  }
0x297: {  	v32 =	vld [tilespmem:s5+$0x0]  }
0x298: {  	v33 =	vld [tilespmem:s31+$0x0]  }
0x299: {  	v34 =	vld [tilespmem:s5+$0x10]  }
0x29a: {  	v47 =	vld [tilespmem:s2+$0x10]  }
0x29b: {  	v48 =	vld [tilespmem:s2+$0x20]  }
0x29c: {  	v21 =	vld [tilespmem:s31+$0xFFFFFFD0];
	v19 =	vadd.f32 v19, v20;
	v30 =	vmul.f32 v25, v25  }
0x29d: {  	v29 =	vld [tilespmem:s31+$0xFFFFFFE0];
	v20 =	vmul.f32 v20, v20;
	v25 =	vadd.f32 v26, v25;
	v43 =	vmul.f32 v27, v27  }
0x29e: {  	v24 =	vadd.f32 v24, v27;
	v44 =	vmul.f32 v28, v28;
	v46 =	vmul.f32 v23, v23  }
0x29f: {  	v45 =	vld [tilespmem:s31+$0xFFFFFFF0];
	v23 =	vadd.f32 v31, v23;
	v49 =	vadd.f32 v32, v42;
	v26 =	vmul.f32 v42, v42  }
0x2a0: {  	v54 =	vmul.f32 v33, v33;
	v56 =	vadd.f32 v34, v47;
	v22 =	vadd.f32 v22, v48  }
0x2a1: {  	v19 =	vsub.f32 v19, v21;
	v25 =	vsub.f32 v25, v28;
	v21 =	vmul.f32 v21, v21  }
0x2a2: {  	v20 =	vadd.f32 v20, v30;
	v24 =	vsub.f32 v24, v29;
	v29 =	vmul.f32 v29, v29  }
0x2a3: {  	v50 =	vld [tilespmem:s31+$0x10];
	v19 =	vmul.f32 v19, v19;
	v25 =	vmul.f32 v25, v25;
	v21 =	vadd.f32 v21, v44  }
0x2a4: {  	v23 =	vsub.f32 v23, v45;
	v28 =	vmul.f32 v45, v45;
	v20 =	vadd.f32 v43, v20  }
0x2a5: {  	v52 =	vld [tilespmem:s31+$0x20];
	v24 =	vmul.f32 v24, v24;
	v19 =	vadd.f32 v19, v25;
	v21 =	vadd.f32 v29, v21  }
0x2a6: {  	v53 =	vld [tilespmem:s5+$0x30];
	v55 =	vmul.f32 v47, v47;
	v51 =	vsub.f32 v49, v33;
	v20 =	vadd.f32 v46, v20  }
0x2a7: {  	v57 =	vld [tilespmem:s2+$0x30];
	v23 =	vmul.f32 v23, v23;
	v19 =	vadd.f32 v24, v19;
	v21 =	vadd.f32 v28, v21  }
0x2a8: {  	v58 =	vmul.f32 v50, v50;
	v20 =	vadd.f32 v26, v20;
	v26 =	vsub.f32 v56, v50  }
0x2a9: {  	v24 =	vmul.f32 v51, v51;
	v19 =	vadd.f32 v23, v19;
	v23 =	vld [tilespmem:s31+$0x30];
	v21 =	vadd.f32 v54, v21  }
0x2aa: {  	v27 =	vmul.f32 v48, v48;
	v22 =	vsub.f32 v22, v52;
	v20 =	vadd.f32 v55, v20  }
0x2ab: {  	v60 =	vmul.f32 v26, v26;
	v19 =	vadd.f32 v24, v19;
	v21 =	vadd.f32 v58, v21  }
0x2ac: {  	v59 =	vmul.f32 v52, v52;
	v61 =	vadd.f32 v27, v20;
	v20 =	vadd.f32 v53, v57  }
0x2ad: {  	v63 =	vmul.f32 v57, v57;
	v22 =	vmul.f32 v22, v22;
	v25 =	vadd.f32 v60, v19  }
0x2ae: {  	v21 =	vadd.f32 v59, v21;
	v62 =	vmul.f32 v23, v23;
	v23 =	vsub.f32 v20, v23  }
0x2af: {  	s8 =	simm.s32 $0x0;
	s11 =	simm.s32 $0x44;
	v20 =	vadd.f32 v22, v25  }
0x2b0: {  	s12 =	sadd.s32 $0x80, s31;
	s13 =	smov.u32 s2;
	s14 =	smov.u32 s5;
	v22 =	vadd.f32 v63, v61;
	v19 =	vadd.f32 v62, v21;
	v21 =	vmul.f32 v23, v23  }
.LBB2_13:
0x2b1: {  	s3 =	sshra.s32 s11, $0x2;
	s13 =	sadd.s32 $0x80, s13;
	s14 =	sadd.s32 $0x80, s14  }
0x2b2: {  	p0 =	sne.s32 s11, $0x3FC;
	s11 =	sadd.s32 $0x44, s11;
	v20 =	vadd.f32 v21, v20;
	[tilespmem:s8+$0x18880] =	vst v22  }
0x2b3: {  	[tilespmem:s8+$0x18A00] =	vst v19  }
0x2b4: {  	[tilespmem:s8+$0x18700] =	vst v20;
	s8 =	smov.u32 s3  }
0x2b5: {  	v19 =	vld [tilespmem:s14+$0x30]  }
0x2b6: {  	v20 =	vld [tilespmem:s14+$0xFFFFFFD0]  }
0x2b7: {  	v21 =	vld [tilespmem:s13+$0xFFFFFFD0]  }
0x2b8: {  	v22 =	vld [tilespmem:s12+$0xFFFFFFD0]  }
0x2b9: {  	v23 =	vld [tilespmem:s14+$0x20]  }
0x2ba: {  	v24 =	vld [tilespmem:s14+$0x10]  }
0x2bb: {  	v25 =	vld [tilespmem:s13+$0xFFFFFFF0]  }
0x2bc: {  	v20 =	vadd.f32 v20, v21;
	v26 =	vld [tilespmem:s14+$0xFFFFFFE0]  }
0x2bd: {  	v27 =	vld [tilespmem:s13+$0xFFFFFFC0]  }
0x2be: {  	v28 =	vld [tilespmem:s14+$0xFFFFFFC0];
	v20 =	vsub.f32 v20, v22  }
0x2bf: {  	v29 =	vld [tilespmem:s13+$0xFFFFFFE0]  }
0x2c0: {  	v30 =	vld [tilespmem:s12+$0xFFFFFFC0]  }
0x2c1: {  	v31 =	vld [tilespmem:s12+$0xFFFFFFE0]  }
0x2c2: {  	v21 =	vmul.f32 v21, v21;
	v32 =	vmul.f32 v27, v27;
	v33 =	vld [tilespmem:s14+$0xFFFFFFF0]  }
0x2c3: {  	v20 =	vmul.f32 v20, v20;
	v27 =	vadd.f32 v28, v27;
	v28 =	vld [tilespmem:s13+$0x0]  }
0x2c4: {  	v21 =	vadd.f32 v21, v32;
	v26 =	vadd.f32 v26, v29;
	v29 =	vmul.f32 v29, v29;
	v32 =	vld [tilespmem:s14+$0x0]  }
0x2c5: {  	v22 =	vmul.f32 v22, v22;
	v27 =	vsub.f32 v27, v30;
	v30 =	vmul.f32 v30, v30;
	v34 =	vld [tilespmem:s12+$0xFFFFFFF0]  }
0x2c6: {  	v26 =	vsub.f32 v26, v31;
	v21 =	vadd.f32 v29, v21;
	v29 =	vmul.f32 v25, v25;
	v35 =	vld [tilespmem:s12+$0x0]  }
0x2c7: {  	v31 =	vmul.f32 v31, v31;
	v27 =	vmul.f32 v27, v27;
	v25 =	vadd.f32 v33, v25;
	v33 =	vld [tilespmem:s13+$0x10]  }
0x2c8: {  	v22 =	vadd.f32 v22, v30;
	v21 =	vadd.f32 v29, v21;
	v29 =	vmul.f32 v28, v28;
	v30 =	vld [tilespmem:s13+$0x20]  }
0x2c9: {  	v26 =	vmul.f32 v26, v26;
	v20 =	vadd.f32 v20, v27;
	v27 =	vadd.f32 v32, v28;
	v28 =	vld [tilespmem:s12+$0x10]  }
0x2ca: {  	v22 =	vadd.f32 v31, v22;
	v25 =	vsub.f32 v25, v34;
	v31 =	vmul.f32 v34, v34  }
0x2cb: {  	v20 =	vadd.f32 v26, v20;
	v26 =	vsub.f32 v27, v35;
	v27 =	vmul.f32 v35, v35;
	v32 =	vld [tilespmem:s12+$0x20]  }
0x2cc: {  	v25 =	vmul.f32 v25, v25;
	v22 =	vadd.f32 v31, v22;
	v31 =	vmul.f32 v33, v33  }
0x2cd: {  	v21 =	vadd.f32 v29, v21;
	v24 =	vadd.f32 v24, v33;
	v26 =	vmul.f32 v26, v26;
	v29 =	vld [tilespmem:s13+$0x30]  }
0x2ce: {  	v23 =	vadd.f32 v23, v30;
	v20 =	vadd.f32 v25, v20;
	v25 =	vmul.f32 v28, v28;
	v33 =	vld [tilespmem:s12+$0x30]  }
0x2cf: {  	v22 =	vadd.f32 v27, v22;
	v21 =	vadd.f32 v31, v21  }
0x2d0: {  	v24 =	vsub.f32 v24, v28;
	v27 =	vmul.f32 v30, v30;
	v23 =	vsub.f32 v23, v32  }
0x2d1: {  	v20 =	vadd.f32 v26, v20;
	v22 =	vadd.f32 v25, v22;
	v25 =	vmul.f32 v32, v32  }
.Ltmp5:
0x2d2: {  	v24 =	vmul.f32 v24, v24;
	v26 =	vadd.f32 v27, v21;
	v19 =	vadd.f32 v19, v29;
	(pc) =	sbr.rel @p0 .LBB2_13-.Ltmp5, $4  }
0x2d3: {  	v21 =	vmul.f32 v23, v23;
	v22 =	vadd.f32 v25, v22;
	v23 =	vmul.f32 v33, v33  }
0x2d4: {  	v20 =	vadd.f32 v24, v20;
	v25 =	vmul.f32 v29, v29;
	v24 =	vsub.f32 v19, v33  }
0x2d5: {  	v19 =	vadd.f32 v23, v22  }
0x2d6: {  	s12 =	sadd.s32 $0x80, s12;
	v20 =	vadd.f32 v21, v20;
	v22 =	vadd.f32 v25, v26;
	v21 =	vmul.f32 v24, v24  }
0x2d7: {  	_ = 	snop  }
0x2d8: {  	[tilespmem:s8+$0x18A00] =	vst v19;
	v20 =	vadd.f32 v21, v20  }
0x2d9: {  	[tilespmem:s8+$0x18880] =	vst v22  }
0x2da: {  	[tilespmem:s8+$0x18700] =	vst v20  }
0x2db: {  	v19 =	vld.idx.msk [tilespmem:v0+s18+$0x0], $0xffff  }
0x2dc: {  	v20 =	vld.idx.msk [tilespmem:v3+s18+$0x0], $0xffff;
	_ =	sdelay $0x1  }
0x2dd: {  	v55 =	vld.idx.msk [tilespmem:v4+s18+$0x0], $0xffff;
	_ =	sdelay $0x1  }
0x2de: {  	v22 =	vld.idx.msk [tilespmem:v5+s18+$0x0], $0xffff  }
0x2df: {  	v19 =	vadd.f32 v20, v19  }
0x2e0: {  	v20 =	vld.idx.msk [tilespmem:v6+s18+$0x0], $0xffff  }
0x2e1: {  	v19 =	vadd.f32 v55, v19  }
0x2e2: {  	v56 =	vld.idx.msk [tilespmem:v7+s18+$0x0], $0xffff  }
0x2e3: {  	v19 =	vadd.f32 v22, v19  }
0x2e4: {  	v57 =	vld.idx.msk [tilespmem:v8+s18+$0x0], $0xffff  }
0x2e5: {  	v19 =	vadd.f32 v20, v19  }
0x2e6: {  	v20 =	vld.idx.msk [tilespmem:v9+s18+$0x0], $0xffff  }
0x2e7: {  	v58 =	vld.idx.msk [tilespmem:v10+s18+$0x0], $0xffff;
	v19 =	vadd.f32 v56, v19  }
0x2e8: {  	v23 =	vld.idx.msk [tilespmem:v11+s18+$0x0], $0xffff  }
0x2e9: {  	v59 =	vld.idx.msk [tilespmem:v0+s20+$0x0], $0xffff;
	v19 =	vadd.f32 v57, v19  }
0x2ea: {  	v24 =	vld.idx.msk [tilespmem:v3+s20+$0x0], $0xffff  }
0x2eb: {  	v25 =	vld.idx.msk [tilespmem:v4+s20+$0x0], $0xffff;
	v19 =	vadd.f32 v20, v19  }
0x2ec: {  	v20 =	vld.idx.msk [tilespmem:v12+s18+$0x0], $0xffff  }
0x2ed: {  	v60 =	vld.idx.msk [tilespmem:v13+s18+$0x0], $0xffff;
	v19 =	vadd.f32 v58, v19  }
0x2ee: {  	v26 =	vld.idx.msk [tilespmem:v5+s20+$0x0], $0xffff  }
0x2ef: {  	v61 =	vld.idx.msk [tilespmem:v14+s18+$0x0], $0xffff;
	v22 =	vadd.f32 v24, v59;
	v19 =	vadd.f32 v23, v19  }
0x2f0: {  	v62 =	vld.idx.msk [tilespmem:v6+s20+$0x0], $0xffff  }
0x2f1: {  	v63 =	vld.idx.msk [tilespmem:v7+s20+$0x0], $0xffff;
	v22 =	vadd.f32 v25, v22;
	v19 =	vadd.f32 v20, v19  }
0x2f2: {  	v20 =	vld.idx.msk [tilespmem:v15+s18+$0x0], $0xffff  }
0x2f3: {  	v28 =	vld.idx.msk [tilespmem:v16+s18+$0x0], $0xffff;
	v22 =	vadd.f32 v26, v22;
	v19 =	vadd.f32 v60, v19  }
0x2f4: {  	v29 =	vld.idx.msk [tilespmem:v8+s20+$0x0], $0xffff  }
0x2f5: {  	v30 =	vld.idx.msk [tilespmem:v17+s18+$0x0], $0xffff;
	v22 =	vadd.f32 v62, v22;
	v19 =	vadd.f32 v61, v19  }
0x2f6: {  	v31 =	vld.idx.msk [tilespmem:v9+s20+$0x0], $0xffff  }
0x2f7: {  	v19 =	vadd.f32 v20, v19;
	v20 =	vadd.f32 v63, v22  }
0x2f8: {  	v32 =	vld.idx.msk [tilespmem:v10+s20+$0x0], $0xffff  }
0x2f9: {  	v19 =	vadd.f32 v28, v19;
	v20 =	vadd.f32 v29, v20  }
0x2fa: {  	v33 =	vld.idx.msk [tilespmem:v11+s20+$0x0], $0xffff  }
0x2fb: {  	v19 =	vadd.f32 v30, v19;
	v20 =	vadd.f32 v31, v20  }
0x2fc: {  	v34 =	vld.idx.msk [tilespmem:v12+s20+$0x0], $0xffff  }
0x2fd: {  	v35 =	vshra.s32 v19, $0x1;
	v20 =	vadd.f32 v32, v20  }
0x2fe: {  	v37 =	vld.idx.msk [tilespmem:v13+s20+$0x0], $0xffff;
	v36 =	vadd.s32 $0x1FBD1DF5, v35  }
0x2ff: {  	(erf) = vrcp.f32 v36;
	v20 =	vadd.f32 v33, v20  }
0x300: {  	v38 =	vld.idx.msk [tilespmem:v14+s20+$0x0], $0xffff  }
0x301: {  	v20 =	vadd.f32 v34, v20  }
0x302: {  	v39 =	vld.idx.msk [tilespmem:v15+s20+$0x0], $0xffff  }
0x303: {  	v20 =	vadd.f32 v37, v20  }
0x304: {  	v40 =	vld.idx.msk [tilespmem:v16+s20+$0x0], $0xffff  }
0x305: {  	v20 =	vadd.f32 v38, v20  }
0x306: {  	v41 =	vld.idx.msk [tilespmem:v17+s20+$0x0], $0xffff  }
0x307: {  	v20 =	vadd.f32 v39, v20  }
0x308: {  	v42 =	vpop (erf)  }
0x309: {  	v23 =	vmul.f32 v42, v19;
	v20 =	vadd.f32 v40, v20;
	_ =	sdelay $0x1  }
0x30a: {  	v22 =	vadd.f32 v36, v23;
	v20 =	vadd.f32 v41, v20  }
0x30b: {  	s3 =	sshll.u32 s1, $0x4  }
0x30c: {  	v43 =	vmul.f32 $5.000000000e-01, v22;
	[tilespmem:s3+$0x18580] =	vst v20  }
0x30d: {  	v20 =	vld.idx.msk [tilespmem:v0+s21+$0x0], $0xffff  }
0x30e: {  	v44 =	vld.idx.msk [tilespmem:v3+s21+$0x0], $0xffff;
	(erf) = vrcp.f32 v43;
	_ =	sdelay $0x1  }
0x30f: {  	v45 =	vld.idx.msk [tilespmem:v4+s21+$0x0], $0xffff;
	_ =	sdelay $0x1  }
0x310: {  	v46 =	vld.idx.msk [tilespmem:v5+s21+$0x0], $0xffff  }
0x311: {  	v20 =	vadd.f32 v44, v20  }
0x312: {  	v47 =	vld.idx.msk [tilespmem:v6+s21+$0x0], $0xffff  }
0x313: {  	v20 =	vadd.f32 v45, v20  }
0x314: {  	v48 =	vld.idx.msk [tilespmem:v7+s21+$0x0], $0xffff  }
0x315: {  	v20 =	vadd.f32 v46, v20;
	v49 =	vpop (erf)  }
0x316: {  	v51 =	vld.idx.msk [tilespmem:v8+s21+$0x0], $0xffff;
	v50 =	vmul.f32 v49, v19  }
0x317: {  	v20 =	vadd.f32 v47, v20  }
0x318: {  	v52 =	vld.idx.msk [tilespmem:v9+s21+$0x0], $0xffff;
	v21 =	vadd.f32 v50, v43  }
0x319: {  	v20 =	vadd.f32 v48, v20  }
0x31a: {  	v53 =	vld.idx.msk [tilespmem:v10+s21+$0x0], $0xffff;
	v21 =	vmul.f32 $5.000000000e-01, v21  }
0x31b: {  	v20 =	vadd.f32 v51, v20  }
0x31c: {  	v54 =	vld.idx.msk [tilespmem:v11+s21+$0x0], $0xffff;
	(erf) = vrcp.f32 v21  }
0x31d: {  	v20 =	vadd.f32 v52, v20  }
0x31e: {  	v55 =	vld.idx.msk [tilespmem:v12+s21+$0x0], $0xffff  }
0x31f: {  	v20 =	vadd.f32 v53, v20  }
0x320: {  	v56 =	vld.idx.msk [tilespmem:v13+s21+$0x0], $0xffff  }
0x321: {  	v20 =	vadd.f32 v54, v20  }
0x322: {  	v57 =	vld.idx.msk [tilespmem:v14+s21+$0x0], $0xffff  }
0x323: {  	v20 =	vadd.f32 v55, v20  }
0x324: {  	v58 =	vld.idx.msk [tilespmem:v15+s21+$0x0], $0xffff  }
0x325: {  	v60 =	vld [tilespmem:s3+$0x18680];
	v20 =	vadd.f32 v56, v20;
	v59 =	vpop (erf)  }
0x326: {  	v61 =	vld.idx.msk [tilespmem:v16+s21+$0x0], $0xffff;
	v19 =	vmul.f32 v59, v19  }
0x327: {  	v20 =	vadd.f32 v57, v20  }
0x328: {  	v62 =	vld.idx.msk [tilespmem:v17+s21+$0x0], $0xffff;
	v19 =	vadd.f32 v19, v21  }
0x329: {  	s1 =	sadd.s32 $0x1, s1;
	v20 =	vadd.f32 v58, v20  }
0x32a: {  	p0 =	sne.s32 s1, $0x8;
	v63 =	vadd.f32 $1.000000000e+00, v60;
	v19 =	vmul.f32 $5.000000000e-01, v19  }
.Ltmp6:
0x32b: {  	v20 =	vadd.f32 v61, v20;
	(pc) =	sbr.rel @p0 .LBB2_12-.Ltmp6, $4  }
0x32c: {  	v19 =	vsub.f32 v63, v19  }
0x32d: {  	v20 =	vadd.f32 v62, v20  }
0x32e: {  	v19 =	vmax.f32 v19, $0.0e+00  }
0x32f: {  	s2 =	sadd.s32 $0x800, s2;
	s5 =	sadd.s32 $0x800, s5;
	s31 =	sadd.s32 $0x800, s31;
	[tilespmem:s3+$0x18600] =	vst v20;
	v18 =	vadd.f32 v19, v18  }
0x330: {  	_ = 	snop  }
0x331: {  	s14 =	simm.s32 $0x0;
	s1 =	rddreg [dreg:$0x19];
	s2 =	simm.s32 $0x18D80;
	[tilespmem:$0x18D80] =	vst v18  }
0x332: {  	[hbm4b:s1+s14] =	stream.linear.scatter [tilespmem:s2], [sflag:$0x2], $0x80, $0x38;
	[tilespmem:$0x1F680] =	vst v63  }
0x333: {  	s5 =	simm.s32 $0x200;
	s2 =	simm.s32 $0x18580  }
0x334: {  	[spmem:s17] =	stream.indirect.scatter.add.f32 [tilespmem:s2], [sflag:$0x3], $0x1, s5, s10, $0xb8;
	[tilespmem:$0x1F680] =	vst v63  }
0x335: {  	_ = 	snop  }
0x336: {  	[spmem:s19] =	stream.indirect.scatter.add.f32 [tilespmem:s24], [sflag:$0x3], $0x1, s5, s10, $0xb8;
	[tilespmem:$0x1F680] =	vst v63  }
0x337: {  	s3 =	simm.s32 $0x18600  }
0x338: {  	[spmem:s17] =	stream.indirect.scatter.add.f32 [tilespmem:s3], [sflag:$0x3], $0x1, s7, s10, $0xb8;
	[tilespmem:$0x1F680] =	vst v63  }
0x339: {  	_ = 	snop  }
0x33a: {  	[spmem:s19] =	stream.indirect.scatter.add.f32 [tilespmem:s24], [sflag:$0x3], $0x1, s7, s10, $0xb8;
	[tilespmem:$0x1F680] =	vst v63  }
0x33b: {  	_ =	swait.ge [sflag:s26], $0x80  }
0x33c: {  	[sflag:s26] =	ssyncset.done $0x0  }
0x33d: {  	[sflag:s26] =	ssyncadd.s32 $0xFFFFFF80  }
0x33e: {  	_ =	swait.ge [sflag:s26], $0x80  }
0x33f: {  	[sflag:s26] =	ssyncset.done $0x0  }
0x340: {  	[sflag:s26] =	ssyncadd.s32 $0xFFFFFF80  }
0x341: {  	_ =	swait.ge [sflag:s26], $0x80  }
0x342: {  	[sflag:s26] =	ssyncset.done $0x0  }
0x343: {  	[sflag:s26] =	ssyncadd.s32 $0xFFFFFF80  }
0x344: {  	_ =	swait.ge [sflag:s26], $0x80  }
0x345: {  	[sflag:s26] =	ssyncset.done $0x0  }
0x346: {  	[sflag:s26] =	ssyncadd.s32 $0xFFFFFF80  }
0x347: {  	_ =	swait.ge [sflag:s26], $0x80  }
0x348: {  	[sflag:s26] =	ssyncset.done $0x0  }
0x349: {  	[sflag:s26] =	ssyncadd.s32 $0xFFFFFF80  }
0x34a: {  	_ =	swait.ge [sflag:s26], $0x80  }
0x34b: {  	[sflag:s26] =	ssyncset.done $0x0  }
0x34c: {  	[sflag:s26] =	ssyncadd.s32 $0xFFFFFF80  }
0x34d: {  	_ =	swait.ge [sflag:s26], $0x80  }
0x34e: {  	[sflag:s26] =	ssyncset.done $0x0  }
0x34f: {  	[sflag:s26] =	ssyncadd.s32 $0xFFFFFF80  }
0x350: {  	_ =	swait.ge [sflag:s26], $0x80  }
0x351: {  	[sflag:s26] =	ssyncset.done $0x0  }
0x352: {  	[sflag:s26] =	ssyncadd.s32 $0xFFFFFF80  }
0x353: {  	_ =	swait.ge [sflag:s26], $0x80  }
0x354: {  	[sflag:s26] =	ssyncset.done $0x0  }
0x355: {  	[sflag:s26] =	ssyncadd.s32 $0xFFFFFF80  }
0x356: {  	_ =	swait.ge [sflag:s26], $0x80  }
0x357: {  	[sflag:s26] =	ssyncset.done $0x0  }
0x358: {  	[sflag:s26] =	ssyncadd.s32 $0xFFFFFF80  }
0x359: {  	_ =	swait.ge [sflag:s6], $0x80  }
0x35a: {  	[sflag:s6] =	ssyncset.done $0x0  }
0x35b: {  	s8 =	stileid.u32;
	s11 =	sshrl.u32 s4, $0x3;
	[sflag:s6] =	ssyncadd.s32 $0xFFFFFF80  }
0x35c: {  	s13 =	simm.s32 $0x10;
	s1 =	sshll.u32 s8, $0x6;
	[bflag:$0x0] =	sbarrier.arrive $0xFFFF  }
0x35d: {  	s8 =	simm.s32 $0x20;
	s1 =	sor.u32 $0x1C01, s1;
	s3 =	rddreg [dreg:$0x1a]  }
0x35e: {  	[hbm:s3@s8], [sflag:s1] =	dma.strided [spmem:s11@s13], $0x310, s25, $0x10   }
0x35f: {  	s11 =	rddreg [dreg:$0x1f]  }
0x360: {  	s3 =	rddreg [dreg:$0x1b];
	s12 =	sshrl.u32 s11, $0x3  }
0x361: {  	[hbm:s3@s8], [sflag:s1] =	dma.strided [spmem:s12@s13], $0x310, s25, $0x10   }
0x362: {  	s2 =	rddreg [dreg:$0x10]  }
0x363: {  	s3 =	rddreg [dreg:$0x1c];
	s2 =	sshrl.u32 s2, $0x3  }
0x364: {  	[hbm:s3@s8], [sflag:s1] =	dma.strided [spmem:s2@s13], $0x310, s25, $0x10   }
0x365: {  	s12 =	smov.u32 s29;
	s29 =	sshrl.u32 s29, $0x3;
	s3 =	rddreg [dreg:$0x1d]  }
0x366: {  	[hbm:s3@s8], [sflag:s1] =	dma.strided [spmem:s29@s13], $0x310, s25, $0x10   }
0x367: {  	_ =	swait.ge [sflag:s25], $0x310  }
0x368: {  	[sflag:s25] =	ssyncset.done $0x0  }
0x369: {  	[sflag:s25] =	ssyncadd.s32 $0xFFFFFCF0  }
0x36a: {  	_ =	swait.ge [sflag:s25], $0x310  }
0x36b: {  	[sflag:s25] =	ssyncset.done $0x0  }
0x36c: {  	[sflag:s25] =	ssyncadd.s32 $0xFFFFFCF0  }
0x36d: {  	_ =	swait.ge [sflag:s25], $0x310  }
0x36e: {  	[sflag:s25] =	ssyncset.done $0x0  }
0x36f: {  	[sflag:s25] =	ssyncadd.s32 $0xFFFFFCF0  }
0x370: {  	_ =	swait.ge [sflag:s25], $0x310  }
0x371: {  	s30 =	sadd.s32 $0x1, s30;
	s31 =	rddreg [dreg:$0x1e]  }
0x372: {  	p0 =	sne.s32 s30, s31  }
.Ltmp7:
0x373: {  	_ = 	snop;
	(pc) =	sbr.rel @p0 .LBB2_1-.Ltmp7, $3  }
0x374: {  	_ =	sdelay $0x1  }
0x375: {  	[sflag:s25] =	ssyncset.done $0x0  }
0x376: {  	[sflag:s25] =	ssyncadd.s32 $0xFFFFFCF0  }
0x377: {  	_ =	sfence.sel $0x180000  }
0x378: {  	[bflag:$0x0] =	sbarrier.arrive $0xFFFF  }
0x379: {  	_ =	strace $0x90000047  }
0x37a: {  	s0 =	stileid.u32;
	[bflag:$0x2] =	sbarrier.arrive $0xFFFF  }
0x37b: {  	p0 =	sne.s32 s0, $0x0;
	s0 =	rddreg [dreg:$0x9]  }
0x37c: {  	s0 =	sadd.s32 @!p0 $0x100000, s0  }
0x37d: {  	[sflag:s0] =	ssyncadd.tile.s32 @!p0 $0x1;
	_ =	shalt  }
.Lfunc_end2:
_tile_overlayer_lowered:
.L_overlay_start_2:
0x37e: {  	(tag) =	ssettag $0x2  }
0x37f: {  	s0 =	rddreg [dreg:$0x0];
	s2 =	stileid.u32  }
0x380: {  	s1 =	rddreg [dreg:$0x1];
	p0 =	sne.s32 s2, $0x0  }
0x381: {  	s3 =	rddreg [dreg:$0x2];
	[bflag:$0x3] =	sbarrier.arrive $0xFFFF;
	s2 =	simm.s32 @!p0 $0x1C06  }
0x382: {  	[timem:s3], [sflag:s2] =	dma.local @!p0 [hbm:s0], s1  }
0x383: {  	s0 =	simm.s32 @!p0 $0x6  }
0x384: {  	_ =	swait.ge @!p0 [sflag:s0], s1  }
0x385: {  	s1 =	ssub.s32 @!p0 $0x0, s1;
	[sflag:s0] =	ssyncset.done @!p0 $0x0  }
0x386: {  	[sflag:s0] =	ssyncadd.s32 @!p0 s1  }
0x387: {  	[bflag:$0x3] =	sbarrier.arrive $0xFFFF  }
0x388: {  	_ =	shalt  }

</sc_bundles>
